<compile_context>
chip_gen: v7x
topology: tpu7x:2x2x1
jax: 0.10.2.dev20260603
libtpu: 0.0.44.dev20260713+nightly
codegen_flags: <defaults>
</compile_context>

<pallas_src>
import functools

import jax
import jax.numpy as jnp
from jax import lax
from jax.experimental import pallas as pl
from jax.experimental.pallas import tpu as pltpu
from jax.experimental.pallas import tpu_sc as plsc

N_ROWS = 100000
N_FACTORS = 64
BATCH = 16384

NUM_WORKERS = 32
B_PER_W = BATCH // NUM_WORKERS
CHUNK = 128
N_CHUNKS = B_PER_W // CHUNK
LANES = 16
N_GROUPS = B_PER_W // LANES
KSUB = N_FACTORS // LANES

_MESH = plsc.VectorSubcoreMesh(core_axis_name="c", subcore_axis_name="s")
_PARAMS = pltpu.CompilerParams(needs_layout_passes=False,
                               use_tc_tiling_on_sc=False)
_SCRATCH = [
    pltpu.VMEM((N_CHUNKS, CHUNK), jnp.int32),
    pltpu.VMEM((B_PER_W, N_FACTORS), jnp.float32),
    pltpu.VMEM((N_FACTORS,), jnp.float32),
    pltpu.VMEM((B_PER_W,), jnp.float32),
    pltpu.VMEM((B_PER_W,), jnp.float32),
    pltpu.SemaphoreType.DMA,
]


def _stage(tab, t_idx, w_hbm, idx, rows, wv, base, sem):
    pltpu.sync_copy(w_hbm, wv)
    for c in range(N_CHUNKS):
        pltpu.sync_copy(t_idx.at[pl.ds(base + c * CHUNK, CHUNK)], idx.at[c])
    copies = []
    for c in range(N_CHUNKS):
        copies.append(pltpu.async_copy(
            tab.at[idx.at[c]], rows.at[pl.ds(c * CHUNK, CHUNK)], sem))
    for cp in copies:
        cp.wait()


def _dots(rows, wv, carry_vec, outv, finalize):
    w = [wv[pl.ds(k * LANES, LANES)] for k in range(KSUB)]
    lane = lax.iota(jnp.int32, LANES)

    def group(g, c):
        acc = carry_vec[pl.ds(g * LANES, LANES)]
        for r in range(LANES):
            row = g * LANES + r
            p = rows[row, pl.ds(0, LANES)] * w[0]
            for k in range(1, KSUB):
                p = p + rows[row, pl.ds(k * LANES, LANES)] * w[k]
            s = jnp.sum(p)
            acc = jnp.where(lane == r, acc + s, acc)
        if finalize:
            acc = 1.0 / (1.0 + jnp.exp(-acc))
        outv[pl.ds(g * LANES, LANES)] = acc
        return c

    lax.fori_loop(0, N_GROUPS, group, 0)


@functools.partial(
    pl.kernel, mesh=_MESH, compiler_params=_PARAMS,
    out_type=jax.ShapeDtypeStruct((BATCH,), jnp.float32),
    scratch_types=_SCRATCH)
def _disease_partial(dis_tab, dis_idx, w_hbm, b_hbm, part_hbm,
                     idx, rows, wv, cin, outv, sem):
    wid = lax.axis_index("s") * 2 + lax.axis_index("c")
    base = wid * B_PER_W
    _stage(dis_tab, dis_idx, w_hbm, idx, rows, wv, base, sem)
    pltpu.sync_copy(b_hbm.at[pl.ds(base, B_PER_W)], cin)
    _dots(rows, wv, cin, outv, finalize=False)
    pltpu.sync_copy(outv, part_hbm.at[pl.ds(base, B_PER_W)])


@functools.partial(
    pl.kernel, mesh=_MESH, compiler_params=_PARAMS,
    out_type=jax.ShapeDtypeStruct((BATCH,), jnp.float32),
    scratch_types=_SCRATCH)
def _gene_final(gene_tab, gene_idx, w_hbm, part_hbm, out_hbm,
                idx, rows, wv, cin, outv, sem):
    wid = lax.axis_index("s") * 2 + lax.axis_index("c")
    base = wid * B_PER_W
    _stage(gene_tab, gene_idx, w_hbm, idx, rows, wv, base, sem)
    pltpu.sync_copy(part_hbm.at[pl.ds(base, B_PER_W)], cin)
    _dots(rows, wv, cin, outv, finalize=True)
    pltpu.sync_copy(outv, out_hbm.at[pl.ds(base, B_PER_W)])


def kernel(diseases, genes, disease_table, gene_table, W, b):
    wd = W[0, :N_FACTORS]
    wg = W[0, N_FACTORS:]
    b_vec = jnp.broadcast_to(b, (BATCH,))
    part = _disease_partial(disease_table, diseases, wd, b_vec)
    return _gene_final(gene_table, genes, wg, part)

# --- scband reference (transcript-rebuilt; emitter-appended) ---
"""Pipeline reference for scband-rec-sys-model-40106404610729 (READ-ONLY COPY).

The authoritative reference and input builder live on the scoring server;
editing this copy changes nothing except your own understanding.
"""

import jax, jax.numpy as jnp
import numpy as np

N_DISEASES = 100000
N_GENES = 100000
N_FACTORS = 64
BATCH = 16384


def setup_inputs(seed: int = 0) -> dict:
    key = jax.random.key(seed)
    k1, k2, k3, k4, k5 = jax.random.split(key, 5)
    diseases = jax.random.randint(k1, (BATCH,), 0, N_DISEASES, dtype=jnp.int64 if jax.config.jax_enable_x64 else jnp.int32).astype(jnp.int32)
    genes = jax.random.randint(k2, (BATCH,), 0, N_GENES, dtype=jnp.int32)
    disease_table = jax.random.normal(k3, (N_DISEASES, N_FACTORS), dtype=jnp.float32) * 0.1
    gene_table = jax.random.normal(k4, (N_GENES, N_FACTORS), dtype=jnp.float32) * 0.1
    W = jax.random.normal(k5, (1, N_FACTORS * 2), dtype=jnp.float32) * 0.05
    b = jnp.zeros((1,), dtype=jnp.float32)
    return {"diseases": diseases, "genes": genes, "disease_table": disease_table, "gene_table": gene_table, "W": W, "b": b}


def reference(diseases, genes, disease_table, gene_table, W, b):
    diseases_embeds = jnp.take(disease_table, diseases, axis=0)
    genes_embeds = jnp.take(gene_table, genes, axis=0)
    output = jnp.concatenate([diseases_embeds, genes_embeds], axis=1)
    output = output @ W.T + b
    output = jax.nn.sigmoid(output)
    return jnp.squeeze(output, axis=-1)

if __name__ == "__main__":
    import jax
    _d = setup_inputs()
    print(jax.jit(kernel)(*tuple(_d.values())))

</pallas_src>

<mosaic_0001>
#map = affine_map<(d0, d1) -> (0, 0)>
#map1 = affine_map<(d0, d1) -> (0)>
module attributes {stable_mosaic.version = 14 : i64} {
  func.func @_disease_partial(%arg0: i32, %arg1: i32, %arg2: memref<100000x64xf32, #tpu.memory_space<hbm>>, %arg3: memref<16384xi32, #tpu.memory_space<hbm>>, %arg4: memref<64xf32, #tpu.memory_space<hbm>>, %arg5: memref<16384xf32, #tpu.memory_space<hbm>>, %arg6: memref<16384xf32, #tpu.memory_space<hbm>>, %arg7: memref<4x128xi32, #tpu.memory_space<vmem>>, %arg8: memref<512x64xf32, #tpu.memory_space<vmem>>, %arg9: memref<64xf32, #tpu.memory_space<vmem>>, %arg10: memref<512xf32, #tpu.memory_space<vmem>>, %arg11: memref<512xf32, #tpu.memory_space<vmem>>, %arg12: memref<!tpu.dma_semaphore, #tpu.memory_space<semaphore_mem>>) attributes {dimension_semantics = [#tpu.dimension_semantics<core_parallel>, #tpu.dimension_semantics<subcore_parallel>], iteration_bounds = array<i64: 2, 16>, scalar_prefetch = 0 : i64, scratch_operands = 6 : i64, tpu.core_type = #tpu.core_type<sc_vector_subcore>, window_params = [{transform_indices = #map}, {transform_indices = #map1}, {transform_indices = #map1}, {transform_indices = #map1}, {transform_indices = #map1}]} {
    %mul3A = arith.constant 2 : i32
    %mul3A_0 = arith.muli %arg1, %mul3A : i32
    %add3A = arith.addi %mul3A_0, %arg0 : i32
    %mul3A_1 = arith.constant 512 : i32
    %mul3A_2 = arith.muli %add3A, %mul3A_1 : i32
    "tpu.region"() ({
      %run_scoped3A_104 = tpu.sem_alloc : memref<!tpu.dma_semaphore, #tpu.memory_space<semaphore_mem>>
      tpu.enqueue_dma source(%arg4 : memref<64xf32, #tpu.memory_space<hbm>>) target(%arg9 : memref<64xf32, #tpu.memory_space<vmem>>) target_semaphore(%run_scoped3A_104 : memref<!tpu.dma_semaphore, #tpu.memory_space<semaphore_mem>>)
      tpu.wait_dma2 semaphore(%run_scoped3A_104 : memref<!tpu.dma_semaphore, #tpu.memory_space<semaphore_mem>>) src(%arg4 : memref<64xf32, #tpu.memory_space<hbm>>) dst(%arg9 : memref<64xf32, #tpu.memory_space<vmem>>)
      tpu.yield
    }) : () -> ()
    %add3A_3 = arith.constant 0 : i32
    %add3A_4 = arith.addi %mul3A_2, %add3A_3 : i32
    %run_scoped3A = arith.constant 0 : i32
    "tpu.region"() ({
      %run_scoped3A_104 = tpu.sem_alloc : memref<!tpu.dma_semaphore, #tpu.memory_space<semaphore_mem>>
      %dma_start3A_105 = arith.constant 0 : i32
      %dma_start3A_106 = tpu.memref_slice %arg7[%run_scoped3A, %dma_start3A_105] : memref<4x128xi32, #tpu.memory_space<vmem>> -> memref<1x128xi32, #tpu.memory_space<vmem>>
      %dma_start3A_107 = tpu.memref_squeeze %dma_start3A_106 : memref<1x128xi32, #tpu.memory_space<vmem>> -> memref<128xi32, #tpu.memory_space<vmem>>
      %dma_start3A_108 = tpu.memref_slice %arg3[%add3A_4] : memref<16384xi32, #tpu.memory_space<hbm>> -> memref<128xi32, #tpu.memory_space<hbm>>
      %dma_start3A_109 = arith.constant 0 : i32
      %dma_start3A_110 = tpu.memref_slice %arg7[%run_scoped3A, %dma_start3A_109] : memref<4x128xi32, #tpu.memory_space<vmem>> -> memref<1x128xi32, #tpu.memory_space<vmem>>
      %dma_start3A_111 = tpu.memref_squeeze %dma_start3A_110 : memref<1x128xi32, #tpu.memory_space<vmem>> -> memref<128xi32, #tpu.memory_space<vmem>>
      %dma_start3A_112 = tpu.memref_slice %arg3[%add3A_4] : memref<16384xi32, #tpu.memory_space<hbm>> -> memref<128xi32, #tpu.memory_space<hbm>>
      tpu.enqueue_dma source(%dma_start3A_112 : memref<128xi32, #tpu.memory_space<hbm>>) target(%dma_start3A_111 : memref<128xi32, #tpu.memory_space<vmem>>) target_semaphore(%run_scoped3A_104 : memref<!tpu.dma_semaphore, #tpu.memory_space<semaphore_mem>>)
      %dma_wait3A_113 = arith.constant 0 : i32
      %dma_wait3A_114 = tpu.memref_slice %arg7[%run_scoped3A, %dma_wait3A_113] : memref<4x128xi32, #tpu.memory_space<vmem>> -> memref<1x128xi32, #tpu.memory_space<vmem>>
      %dma_wait3A_115 = tpu.memref_squeeze %dma_wait3A_114 : memref<1x128xi32, #tpu.memory_space<vmem>> -> memref<128xi32, #tpu.memory_space<vmem>>
      %dma_wait3A_116 = tpu.memref_slice %arg3[%add3A_4] : memref<16384xi32, #tpu.memory_space<hbm>> -> memref<128xi32, #tpu.memory_space<hbm>>
      %dma_wait3A_117 = arith.constant 0 : i32
      %dma_wait3A_118 = tpu.memref_slice %arg7[%run_scoped3A, %dma_wait3A_117] : memref<4x128xi32, #tpu.memory_space<vmem>> -> memref<1x128xi32, #tpu.memory_space<vmem>>
      %dma_wait3A_119 = tpu.memref_squeeze %dma_wait3A_118 : memref<1x128xi32, #tpu.memory_space<vmem>> -> memref<128xi32, #tpu.memory_space<vmem>>
      %dma_wait3A_120 = tpu.memref_slice %arg3[%add3A_4] : memref<16384xi32, #tpu.memory_space<hbm>> -> memref<128xi32, #tpu.memory_space<hbm>>
      tpu.wait_dma2 semaphore(%run_scoped3A_104 : memref<!tpu.dma_semaphore, #tpu.memory_space<semaphore_mem>>) src(%dma_wait3A_120 : memref<128xi32, #tpu.memory_space<hbm>>) dst(%dma_wait3A_119 : memref<128xi32, #tpu.memory_space<vmem>>)
      tpu.yield
    }) : () -> ()
    %add3A_5 = arith.constant 128 : i32
    %add3A_6 = arith.addi %mul3A_2, %add3A_5 : i32
    %run_scoped3A_7 = arith.constant 1 : i32
    "tpu.region"() ({
      %run_scoped3A_104 = tpu.sem_alloc : memref<!tpu.dma_semaphore, #tpu.memory_space<semaphore_mem>>
      %dma_start3A_105 = arith.constant 0 : i32
      %dma_start3A_106 = tpu.memref_slice %arg7[%run_scoped3A_7, %dma_start3A_105] : memref<4x128xi32, #tpu.memory_space<vmem>> -> memref<1x128xi32, #tpu.memory_space<vmem>>
      %dma_start3A_107 = tpu.memref_squeeze %dma_start3A_106 : memref<1x128xi32, #tpu.memory_space<vmem>> -> memref<128xi32, #tpu.memory_space<vmem>>
      %dma_start3A_108 = tpu.memref_slice %arg3[%add3A_6] : memref<16384xi32, #tpu.memory_space<hbm>> -> memref<128xi32, #tpu.memory_space<hbm>>
      %dma_start3A_109 = arith.constant 0 : i32
      %dma_start3A_110 = tpu.memref_slice %arg7[%run_scoped3A_7, %dma_start3A_109] : memref<4x128xi32, #tpu.memory_space<vmem>> -> memref<1x128xi32, #tpu.memory_space<vmem>>
      %dma_start3A_111 = tpu.memref_squeeze %dma_start3A_110 : memref<1x128xi32, #tpu.memory_space<vmem>> -> memref<128xi32, #tpu.memory_space<vmem>>
      %dma_start3A_112 = tpu.memref_slice %arg3[%add3A_6] : memref<16384xi32, #tpu.memory_space<hbm>> -> memref<128xi32, #tpu.memory_space<hbm>>
      tpu.enqueue_dma source(%dma_start3A_112 : memref<128xi32, #tpu.memory_space<hbm>>) target(%dma_start3A_111 : memref<128xi32, #tpu.memory_space<vmem>>) target_semaphore(%run_scoped3A_104 : memref<!tpu.dma_semaphore, #tpu.memory_space<semaphore_mem>>)
      %dma_wait3A_113 = arith.constant 0 : i32
      %dma_wait3A_114 = tpu.memref_slice %arg7[%run_scoped3A_7, %dma_wait3A_113] : memref<4x128xi32, #tpu.memory_space<vmem>> -> memref<1x128xi32, #tpu.memory_space<vmem>>
      %dma_wait3A_115 = tpu.memref_squeeze %dma_wait3A_114 : memref<1x128xi32, #tpu.memory_space<vmem>> -> memref<128xi32, #tpu.memory_space<vmem>>
      %dma_wait3A_116 = tpu.memref_slice %arg3[%add3A_6] : memref<16384xi32, #tpu.memory_space<hbm>> -> memref<128xi32, #tpu.memory_space<hbm>>
      %dma_wait3A_117 = arith.constant 0 : i32
      %dma_wait3A_118 = tpu.memref_slice %arg7[%run_scoped3A_7, %dma_wait3A_117] : memref<4x128xi32, #tpu.memory_space<vmem>> -> memref<1x128xi32, #tpu.memory_space<vmem>>
      %dma_wait3A_119 = tpu.memref_squeeze %dma_wait3A_118 : memref<1x128xi32, #tpu.memory_space<vmem>> -> memref<128xi32, #tpu.memory_space<vmem>>
      %dma_wait3A_120 = tpu.memref_slice %arg3[%add3A_6] : memref<16384xi32, #tpu.memory_space<hbm>> -> memref<128xi32, #tpu.memory_space<hbm>>
      tpu.wait_dma2 semaphore(%run_scoped3A_104 : memref<!tpu.dma_semaphore, #tpu.memory_space<semaphore_mem>>) src(%dma_wait3A_120 : memref<128xi32, #tpu.memory_space<hbm>>) dst(%dma_wait3A_119 : memref<128xi32, #tpu.memory_space<vmem>>)
      tpu.yield
    }) : () -> ()
    %add3A_8 = arith.constant 256 : i32
    %add3A_9 = arith.addi %mul3A_2, %add3A_8 : i32
    %run_scoped3A_10 = arith.constant 2 : i32
    "tpu.region"() ({
      %run_scoped3A_104 = tpu.sem_alloc : memref<!tpu.dma_semaphore, #tpu.memory_space<semaphore_mem>>
      %dma_start3A_105 = arith.constant 0 : i32
      %dma_start3A_106 = tpu.memref_slice %arg7[%run_scoped3A_10, %dma_start3A_105] : memref<4x128xi32, #tpu.memory_space<vmem>> -> memref<1x128xi32, #tpu.memory_space<vmem>>
      %dma_start3A_107 = tpu.memref_squeeze %dma_start3A_106 : memref<1x128xi32, #tpu.memory_space<vmem>> -> memref<128xi32, #tpu.memory_space<vmem>>
      %dma_start3A_108 = tpu.memref_slice %arg3[%add3A_9] : memref<16384xi32, #tpu.memory_space<hbm>> -> memref<128xi32, #tpu.memory_space<hbm>>
      %dma_start3A_109 = arith.constant 0 : i32
      %dma_start3A_110 = tpu.memref_slice %arg7[%run_scoped3A_10, %dma_start3A_109] : memref<4x128xi32, #tpu.memory_space<vmem>> -> memref<1x128xi32, #tpu.memory_space<vmem>>
      %dma_start3A_111 = tpu.memref_squeeze %dma_start3A_110 : memref<1x128xi32, #tpu.memory_space<vmem>> -> memref<128xi32, #tpu.memory_space<vmem>>
      %dma_start3A_112 = tpu.memref_slice %arg3[%add3A_9] : memref<16384xi32, #tpu.memory_space<hbm>> -> memref<128xi32, #tpu.memory_space<hbm>>
      tpu.enqueue_dma source(%dma_start3A_112 : memref<128xi32, #tpu.memory_space<hbm>>) target(%dma_start3A_111 : memref<128xi32, #tpu.memory_space<vmem>>) target_semaphore(%run_scoped3A_104 : memref<!tpu.dma_semaphore, #tpu.memory_space<semaphore_mem>>)
      %dma_wait3A_113 = arith.constant 0 : i32
      %dma_wait3A_114 = tpu.memref_slice %arg7[%run_scoped3A_10, %dma_wait3A_113] : memref<4x128xi32, #tpu.memory_space<vmem>> -> memref<1x128xi32, #tpu.memory_space<vmem>>
      %dma_wait3A_115 = tpu.memref_squeeze %dma_wait3A_114 : memref<1x128xi32, #tpu.memory_space<vmem>> -> memref<128xi32, #tpu.memory_space<vmem>>
      %dma_wait3A_116 = tpu.memref_slice %arg3[%add3A_9] : memref<16384xi32, #tpu.memory_space<hbm>> -> memref<128xi32, #tpu.memory_space<hbm>>
      %dma_wait3A_117 = arith.constant 0 : i32
      %dma_wait3A_118 = tpu.memref_slice %arg7[%run_scoped3A_10, %dma_wait3A_117] : memref<4x128xi32, #tpu.memory_space<vmem>> -> memref<1x128xi32, #tpu.memory_space<vmem>>
      %dma_wait3A_119 = tpu.memref_squeeze %dma_wait3A_118 : memref<1x128xi32, #tpu.memory_space<vmem>> -> memref<128xi32, #tpu.memory_space<vmem>>
      %dma_wait3A_120 = tpu.memref_slice %arg3[%add3A_9] : memref<16384xi32, #tpu.memory_space<hbm>> -> memref<128xi32, #tpu.memory_space<hbm>>
      tpu.wait_dma2 semaphore(%run_scoped3A_104 : memref<!tpu.dma_semaphore, #tpu.memory_space<semaphore_mem>>) src(%dma_wait3A_120 : memref<128xi32, #tpu.memory_space<hbm>>) dst(%dma_wait3A_119 : memref<128xi32, #tpu.memory_space<vmem>>)
      tpu.yield
    }) : () -> ()
    %add3A_11 = arith.constant 384 : i32
    %add3A_12 = arith.addi %mul3A_2, %add3A_11 : i32
    %run_scoped3A_13 = arith.constant 3 : i32
    "tpu.region"() ({
      %run_scoped3A_104 = tpu.sem_alloc : memref<!tpu.dma_semaphore, #tpu.memory_space<semaphore_mem>>
      %dma_start3A_105 = arith.constant 0 : i32
      %dma_start3A_106 = tpu.memref_slice %arg7[%run_scoped3A_13, %dma_start3A_105] : memref<4x128xi32, #tpu.memory_space<vmem>> -> memref<1x128xi32, #tpu.memory_space<vmem>>
      %dma_start3A_107 = tpu.memref_squeeze %dma_start3A_106 : memref<1x128xi32, #tpu.memory_space<vmem>> -> memref<128xi32, #tpu.memory_space<vmem>>
      %dma_start3A_108 = tpu.memref_slice %arg3[%add3A_12] : memref<16384xi32, #tpu.memory_space<hbm>> -> memref<128xi32, #tpu.memory_space<hbm>>
      %dma_start3A_109 = arith.constant 0 : i32
      %dma_start3A_110 = tpu.memref_slice %arg7[%run_scoped3A_13, %dma_start3A_109] : memref<4x128xi32, #tpu.memory_space<vmem>> -> memref<1x128xi32, #tpu.memory_space<vmem>>
      %dma_start3A_111 = tpu.memref_squeeze %dma_start3A_110 : memref<1x128xi32, #tpu.memory_space<vmem>> -> memref<128xi32, #tpu.memory_space<vmem>>
      %dma_start3A_112 = tpu.memref_slice %arg3[%add3A_12] : memref<16384xi32, #tpu.memory_space<hbm>> -> memref<128xi32, #tpu.memory_space<hbm>>
      tpu.enqueue_dma source(%dma_start3A_112 : memref<128xi32, #tpu.memory_space<hbm>>) target(%dma_start3A_111 : memref<128xi32, #tpu.memory_space<vmem>>) target_semaphore(%run_scoped3A_104 : memref<!tpu.dma_semaphore, #tpu.memory_space<semaphore_mem>>)
      %dma_wait3A_113 = arith.constant 0 : i32
      %dma_wait3A_114 = tpu.memref_slice %arg7[%run_scoped3A_13, %dma_wait3A_113] : memref<4x128xi32, #tpu.memory_space<vmem>> -> memref<1x128xi32, #tpu.memory_space<vmem>>
      %dma_wait3A_115 = tpu.memref_squeeze %dma_wait3A_114 : memref<1x128xi32, #tpu.memory_space<vmem>> -> memref<128xi32, #tpu.memory_space<vmem>>
      %dma_wait3A_116 = tpu.memref_slice %arg3[%add3A_12] : memref<16384xi32, #tpu.memory_space<hbm>> -> memref<128xi32, #tpu.memory_space<hbm>>
      %dma_wait3A_117 = arith.constant 0 : i32
      %dma_wait3A_118 = tpu.memref_slice %arg7[%run_scoped3A_13, %dma_wait3A_117] : memref<4x128xi32, #tpu.memory_space<vmem>> -> memref<1x128xi32, #tpu.memory_space<vmem>>
      %dma_wait3A_119 = tpu.memref_squeeze %dma_wait3A_118 : memref<1x128xi32, #tpu.memory_space<vmem>> -> memref<128xi32, #tpu.memory_space<vmem>>
      %dma_wait3A_120 = tpu.memref_slice %arg3[%add3A_12] : memref<16384xi32, #tpu.memory_space<hbm>> -> memref<128xi32, #tpu.memory_space<hbm>>
      tpu.wait_dma2 semaphore(%run_scoped3A_104 : memref<!tpu.dma_semaphore, #tpu.memory_space<semaphore_mem>>) src(%dma_wait3A_120 : memref<128xi32, #tpu.memory_space<hbm>>) dst(%dma_wait3A_119 : memref<128xi32, #tpu.memory_space<vmem>>)
      tpu.yield
    }) : () -> ()
    %dma_start3A = arith.constant 0 : i32
    %dma_start3A_14 = arith.constant 0 : i32
    %dma_start3A_15 = arith.constant 0 : i32
    %dma_start3A_16 = tpu.memref_slice %arg8[%dma_start3A_14, %dma_start3A_15] : memref<512x64xf32, #tpu.memory_space<vmem>> -> memref<128x64xf32, #tpu.memory_space<vmem>>
    %dma_start3A_17 = arith.constant 0 : i32
    %dma_start3A_18 = tpu.memref_slice %arg7[%dma_start3A, %dma_start3A_17] : memref<4x128xi32, #tpu.memory_space<vmem>> -> memref<1x128xi32, #tpu.memory_space<vmem>>
    %dma_start3A_19 = tpu.memref_squeeze %dma_start3A_18 : memref<1x128xi32, #tpu.memory_space<vmem>> -> memref<128xi32, #tpu.memory_space<vmem>>
    %dma_start3A_20 = arith.constant 0 : i32
    %dma_start3A_21 = arith.constant 0 : i32
    %dma_start3A_22 = tpu.memref_slice %arg2[%dma_start3A_20, %dma_start3A_21] : memref<100000x64xf32, #tpu.memory_space<hbm>> -> memref<100000x64xf32, #tpu.memory_space<hbm>>
    tpu.enqueue_indirect_dma source(%dma_start3A_22 : memref<100000x64xf32, #tpu.memory_space<hbm>>) target(%dma_start3A_16 : memref<128x64xf32, #tpu.memory_space<vmem>>) offsets(%dma_start3A_19 : memref<128xi32, #tpu.memory_space<vmem>>) semaphore(%arg12 : memref<!tpu.dma_semaphore, #tpu.memory_space<semaphore_mem>>)
    %dma_start3A_23 = arith.constant 1 : i32
    %dma_start3A_24 = arith.constant 128 : i32
    %dma_start3A_25 = arith.constant 0 : i32
    %dma_start3A_26 = tpu.memref_slice %arg8[%dma_start3A_24, %dma_start3A_25] : memref<512x64xf32, #tpu.memory_space<vmem>> -> memref<128x64xf32, #tpu.memory_space<vmem>>
    %dma_start3A_27 = arith.constant 0 : i32
    %dma_start3A_28 = tpu.memref_slice %arg7[%dma_start3A_23, %dma_start3A_27] : memref<4x128xi32, #tpu.memory_space<vmem>> -> memref<1x128xi32, #tpu.memory_space<vmem>>
    %dma_start3A_29 = tpu.memref_squeeze %dma_start3A_28 : memref<1x128xi32, #tpu.memory_space<vmem>> -> memref<128xi32, #tpu.memory_space<vmem>>
    %dma_start3A_30 = arith.constant 0 : i32
    %dma_start3A_31 = arith.constant 0 : i32
    %dma_start3A_32 = tpu.memref_slice %arg2[%dma_start3A_30, %dma_start3A_31] : memref<100000x64xf32, #tpu.memory_space<hbm>> -> memref<100000x64xf32, #tpu.memory_space<hbm>>
    tpu.enqueue_indirect_dma source(%dma_start3A_32 : memref<100000x64xf32, #tpu.memory_space<hbm>>) target(%dma_start3A_26 : memref<128x64xf32, #tpu.memory_space<vmem>>) offsets(%dma_start3A_29 : memref<128xi32, #tpu.memory_space<vmem>>) semaphore(%arg12 : memref<!tpu.dma_semaphore, #tpu.memory_space<semaphore_mem>>)
    %dma_start3A_33 = arith.constant 2 : i32
    %dma_start3A_34 = arith.constant 256 : i32
    %dma_start3A_35 = arith.constant 0 : i32
    %dma_start3A_36 = tpu.memref_slice %arg8[%dma_start3A_34, %dma_start3A_35] : memref<512x64xf32, #tpu.memory_space<vmem>> -> memref<128x64xf32, #tpu.memory_space<vmem>>
    %dma_start3A_37 = arith.constant 0 : i32
    %dma_start3A_38 = tpu.memref_slice %arg7[%dma_start3A_33, %dma_start3A_37] : memref<4x128xi32, #tpu.memory_space<vmem>> -> memref<1x128xi32, #tpu.memory_space<vmem>>
    %dma_start3A_39 = tpu.memref_squeeze %dma_start3A_38 : memref<1x128xi32, #tpu.memory_space<vmem>> -> memref<128xi32, #tpu.memory_space<vmem>>
    %dma_start3A_40 = arith.constant 0 : i32
    %dma_start3A_41 = arith.constant 0 : i32
    %dma_start3A_42 = tpu.memref_slice %arg2[%dma_start3A_40, %dma_start3A_41] : memref<100000x64xf32, #tpu.memory_space<hbm>> -> memref<100000x64xf32, #tpu.memory_space<hbm>>
    tpu.enqueue_indirect_dma source(%dma_start3A_42 : memref<100000x64xf32, #tpu.memory_space<hbm>>) target(%dma_start3A_36 : memref<128x64xf32, #tpu.memory_space<vmem>>) offsets(%dma_start3A_39 : memref<128xi32, #tpu.memory_space<vmem>>) semaphore(%arg12 : memref<!tpu.dma_semaphore, #tpu.memory_space<semaphore_mem>>)
    %dma_start3A_43 = arith.constant 3 : i32
    %dma_start3A_44 = arith.constant 384 : i32
    %dma_start3A_45 = arith.constant 0 : i32
    %dma_start3A_46 = tpu.memref_slice %arg8[%dma_start3A_44, %dma_start3A_45] : memref<512x64xf32, #tpu.memory_space<vmem>> -> memref<128x64xf32, #tpu.memory_space<vmem>>
    %dma_start3A_47 = arith.constant 0 : i32
    %dma_start3A_48 = tpu.memref_slice %arg7[%dma_start3A_43, %dma_start3A_47] : memref<4x128xi32, #tpu.memory_space<vmem>> -> memref<1x128xi32, #tpu.memory_space<vmem>>
    %dma_start3A_49 = tpu.memref_squeeze %dma_start3A_48 : memref<1x128xi32, #tpu.memory_space<vmem>> -> memref<128xi32, #tpu.memory_space<vmem>>
    %dma_start3A_50 = arith.constant 0 : i32
    %dma_start3A_51 = arith.constant 0 : i32
    %dma_start3A_52 = tpu.memref_slice %arg2[%dma_start3A_50, %dma_start3A_51] : memref<100000x64xf32, #tpu.memory_space<hbm>> -> memref<100000x64xf32, #tpu.memory_space<hbm>>
    tpu.enqueue_indirect_dma source(%dma_start3A_52 : memref<100000x64xf32, #tpu.memory_space<hbm>>) target(%dma_start3A_46 : memref<128x64xf32, #tpu.memory_space<vmem>>) offsets(%dma_start3A_49 : memref<128xi32, #tpu.memory_space<vmem>>) semaphore(%arg12 : memref<!tpu.dma_semaphore, #tpu.memory_space<semaphore_mem>>)
    %dma_wait3A = arith.constant 0 : i32
    %dma_wait3A_53 = arith.constant 0 : i32
    %dma_wait3A_54 = arith.constant 0 : i32
    %dma_wait3A_55 = tpu.memref_slice %arg8[%dma_wait3A_53, %dma_wait3A_54] : memref<512x64xf32, #tpu.memory_space<vmem>> -> memref<128x64xf32, #tpu.memory_space<vmem>>
    %dma_wait3A_56 = arith.constant 0 : i32
    %dma_wait3A_57 = tpu.memref_slice %arg7[%dma_wait3A, %dma_wait3A_56] : memref<4x128xi32, #tpu.memory_space<vmem>> -> memref<1x128xi32, #tpu.memory_space<vmem>>
    %dma_wait3A_58 = tpu.memref_squeeze %dma_wait3A_57 : memref<1x128xi32, #tpu.memory_space<vmem>> -> memref<128xi32, #tpu.memory_space<vmem>>
    %dma_wait3A_59 = arith.constant 0 : i32
    %dma_wait3A_60 = arith.constant 0 : i32
    %dma_wait3A_61 = tpu.memref_slice %arg2[%dma_wait3A_59, %dma_wait3A_60] : memref<100000x64xf32, #tpu.memory_space<hbm>> -> memref<100000x64xf32, #tpu.memory_space<hbm>>
    tpu.wait_indirect_dma semaphore(%arg12 : memref<!tpu.dma_semaphore, #tpu.memory_space<semaphore_mem>>) src(%dma_wait3A_61 : memref<100000x64xf32, #tpu.memory_space<hbm>>) dst(%dma_wait3A_55 : memref<128x64xf32, #tpu.memory_space<vmem>>)
    %dma_wait3A_62 = arith.constant 1 : i32
    %dma_wait3A_63 = arith.constant 128 : i32
    %dma_wait3A_64 = arith.constant 0 : i32
    %dma_wait3A_65 = tpu.memref_slice %arg8[%dma_wait3A_63, %dma_wait3A_64] : memref<512x64xf32, #tpu.memory_space<vmem>> -> memref<128x64xf32, #tpu.memory_space<vmem>>
    %dma_wait3A_66 = arith.constant 0 : i32
    %dma_wait3A_67 = tpu.memref_slice %arg7[%dma_wait3A_62, %dma_wait3A_66] : memref<4x128xi32, #tpu.memory_space<vmem>> -> memref<1x128xi32, #tpu.memory_space<vmem>>
    %dma_wait3A_68 = tpu.memref_squeeze %dma_wait3A_67 : memref<1x128xi32, #tpu.memory_space<vmem>> -> memref<128xi32, #tpu.memory_space<vmem>>
    %dma_wait3A_69 = arith.constant 0 : i32
    %dma_wait3A_70 = arith.constant 0 : i32
    %dma_wait3A_71 = tpu.memref_slice %arg2[%dma_wait3A_69, %dma_wait3A_70] : memref<100000x64xf32, #tpu.memory_space<hbm>> -> memref<100000x64xf32, #tpu.memory_space<hbm>>
    tpu.wait_indirect_dma semaphore(%arg12 : memref<!tpu.dma_semaphore, #tpu.memory_space<semaphore_mem>>) src(%dma_wait3A_71 : memref<100000x64xf32, #tpu.memory_space<hbm>>) dst(%dma_wait3A_65 : memref<128x64xf32, #tpu.memory_space<vmem>>)
    %dma_wait3A_72 = arith.constant 2 : i32
    %dma_wait3A_73 = arith.constant 256 : i32
    %dma_wait3A_74 = arith.constant 0 : i32
    %dma_wait3A_75 = tpu.memref_slice %arg8[%dma_wait3A_73, %dma_wait3A_74] : memref<512x64xf32, #tpu.memory_space<vmem>> -> memref<128x64xf32, #tpu.memory_space<vmem>>
    %dma_wait3A_76 = arith.constant 0 : i32
    %dma_wait3A_77 = tpu.memref_slice %arg7[%dma_wait3A_72, %dma_wait3A_76] : memref<4x128xi32, #tpu.memory_space<vmem>> -> memref<1x128xi32, #tpu.memory_space<vmem>>
    %dma_wait3A_78 = tpu.memref_squeeze %dma_wait3A_77 : memref<1x128xi32, #tpu.memory_space<vmem>> -> memref<128xi32, #tpu.memory_space<vmem>>
    %dma_wait3A_79 = arith.constant 0 : i32
    %dma_wait3A_80 = arith.constant 0 : i32
    %dma_wait3A_81 = tpu.memref_slice %arg2[%dma_wait3A_79, %dma_wait3A_80] : memref<100000x64xf32, #tpu.memory_space<hbm>> -> memref<100000x64xf32, #tpu.memory_space<hbm>>
    tpu.wait_indirect_dma semaphore(%arg12 : memref<!tpu.dma_semaphore, #tpu.memory_space<semaphore_mem>>) src(%dma_wait3A_81 : memref<100000x64xf32, #tpu.memory_space<hbm>>) dst(%dma_wait3A_75 : memref<128x64xf32, #tpu.memory_space<vmem>>)
    %dma_wait3A_82 = arith.constant 3 : i32
    %dma_wait3A_83 = arith.constant 384 : i32
    %dma_wait3A_84 = arith.constant 0 : i32
    %dma_wait3A_85 = tpu.memref_slice %arg8[%dma_wait3A_83, %dma_wait3A_84] : memref<512x64xf32, #tpu.memory_space<vmem>> -> memref<128x64xf32, #tpu.memory_space<vmem>>
    %dma_wait3A_86 = arith.constant 0 : i32
    %dma_wait3A_87 = tpu.memref_slice %arg7[%dma_wait3A_82, %dma_wait3A_86] : memref<4x128xi32, #tpu.memory_space<vmem>> -> memref<1x128xi32, #tpu.memory_space<vmem>>
    %dma_wait3A_88 = tpu.memref_squeeze %dma_wait3A_87 : memref<1x128xi32, #tpu.memory_space<vmem>> -> memref<128xi32, #tpu.memory_space<vmem>>
    %dma_wait3A_89 = arith.constant 0 : i32
    %dma_wait3A_90 = arith.constant 0 : i32
    %dma_wait3A_91 = tpu.memref_slice %arg2[%dma_wait3A_89, %dma_wait3A_90] : memref<100000x64xf32, #tpu.memory_space<hbm>> -> memref<100000x64xf32, #tpu.memory_space<hbm>>
    tpu.wait_indirect_dma semaphore(%arg12 : memref<!tpu.dma_semaphore, #tpu.memory_space<semaphore_mem>>) src(%dma_wait3A_91 : memref<100000x64xf32, #tpu.memory_space<hbm>>) dst(%dma_wait3A_85 : memref<128x64xf32, #tpu.memory_space<vmem>>)
    "tpu.region"() ({
      %run_scoped3A_104 = tpu.sem_alloc : memref<!tpu.dma_semaphore, #tpu.memory_space<semaphore_mem>>
      %dma_start3A_105 = tpu.memref_slice %arg5[%mul3A_2] : memref<16384xf32, #tpu.memory_space<hbm>> -> memref<512xf32, #tpu.memory_space<hbm>>
      %dma_start3A_106 = tpu.memref_slice %arg5[%mul3A_2] : memref<16384xf32, #tpu.memory_space<hbm>> -> memref<512xf32, #tpu.memory_space<hbm>>
      tpu.enqueue_dma source(%dma_start3A_106 : memref<512xf32, #tpu.memory_space<hbm>>) target(%arg10 : memref<512xf32, #tpu.memory_space<vmem>>) target_semaphore(%run_scoped3A_104 : memref<!tpu.dma_semaphore, #tpu.memory_space<semaphore_mem>>)
      %dma_wait3A_107 = tpu.memref_slice %arg5[%mul3A_2] : memref<16384xf32, #tpu.memory_space<hbm>> -> memref<512xf32, #tpu.memory_space<hbm>>
      %dma_wait3A_108 = tpu.memref_slice %arg5[%mul3A_2] : memref<16384xf32, #tpu.memory_space<hbm>> -> memref<512xf32, #tpu.memory_space<hbm>>
      tpu.wait_dma2 semaphore(%run_scoped3A_104 : memref<!tpu.dma_semaphore, #tpu.memory_space<semaphore_mem>>) src(%dma_wait3A_108 : memref<512xf32, #tpu.memory_space<hbm>>) dst(%arg10 : memref<512xf32, #tpu.memory_space<vmem>>)
      tpu.yield
    }) : () -> ()
    %get3A = arith.constant 0 : index
    %get3A_92 = tpu.vector_load %arg9[%get3A] {strides = array<i32>} : memref<64xf32, #tpu.memory_space<vmem>>, vector<16xf32>,
    %get3A_93 = arith.constant 16 : index
    %get3A_94 = tpu.vector_load %arg9[%get3A_93] {strides = array<i32>} : memref<64xf32, #tpu.memory_space<vmem>>, vector<16xf32>,
    %get3A_95 = arith.constant 32 : index
    %get3A_96 = tpu.vector_load %arg9[%get3A_95] {strides = array<i32>} : memref<64xf32, #tpu.memory_space<vmem>>, vector<16xf32>,
    %get3A_97 = arith.constant 48 : index
    %get3A_98 = tpu.vector_load %arg9[%get3A_97] {strides = array<i32>} : memref<64xf32, #tpu.memory_space<vmem>>, vector<16xf32>,
    %iota3A = tpu.iota {dimensions = array<i32: 0>} : vector<16xi32>
    %scan3A = arith.constant 0 : i32
    %scan3A_99 = arith.constant 0 : i32
    %scan3A_100 = arith.constant 32 : i32
    %scan3A_101 = arith.addi %scan3A_99, %scan3A_100 : i32
    %scan3A_102 = arith.constant 1 : i32
    scf.for %scan3A_104 = %scan3A_99 to %scan3A_101 step %scan3A_102  : i32 {
      %mul3A_105 = arith.constant 16 : i32
      %mul3A_106 = arith.muli %scan3A_104, %mul3A_105 : i32
      %get3A_107 = arith.index_cast %mul3A_106 : i32 to index
      %get3A_108 = tpu.vector_load %arg10[%get3A_107] {strides = array<i32>} : memref<512xf32, #tpu.memory_space<vmem>>, vector<16xf32>,
      %mul3A_109 = arith.constant 16 : i32
      %mul3A_110 = arith.muli %scan3A_104, %mul3A_109 : i32
      %add3A_111 = arith.constant 0 : i32
      %add3A_112 = arith.addi %mul3A_110, %add3A_111 : i32
      %get3A_113 = arith.index_cast %add3A_112 : i32 to index
      %get3A_114 = arith.constant 0 : index
      %get3A_115 = tpu.vector_load %arg8[%get3A_113, %get3A_114] {strides = array<i32>} : memref<512x64xf32, #tpu.memory_space<vmem>>, vector<16xf32>,
      %mul3A_116 = arith.mulf %get3A_115, %get3A_92 : vector<16xf32>
      %get3A_117 = arith.index_cast %add3A_112 : i32 to index
      %get3A_118 = arith.constant 16 : index
      %get3A_119 = tpu.vector_load %arg8[%get3A_117, %get3A_118] {strides = array<i32>} : memref<512x64xf32, #tpu.memory_space<vmem>>, vector<16xf32>,
      %mul3A_120 = arith.mulf %get3A_119, %get3A_94 : vector<16xf32>
      %add3A_121 = arith.addf %mul3A_116, %mul3A_120 : vector<16xf32>
      %get3A_122 = arith.index_cast %add3A_112 : i32 to index
      %get3A_123 = arith.constant 32 : index
      %get3A_124 = tpu.vector_load %arg8[%get3A_122, %get3A_123] {strides = array<i32>} : memref<512x64xf32, #tpu.memory_space<vmem>>, vector<16xf32>,
      %mul3A_125 = arith.mulf %get3A_124, %get3A_96 : vector<16xf32>
      %add3A_126 = arith.addf %add3A_121, %mul3A_125 : vector<16xf32>
      %get3A_127 = arith.index_cast %add3A_112 : i32 to index
      %get3A_128 = arith.constant 48 : index
      %get3A_129 = tpu.vector_load %arg8[%get3A_127, %get3A_128] {strides = array<i32>} : memref<512x64xf32, #tpu.memory_space<vmem>>, vector<16xf32>,
      %mul3A_130 = arith.mulf %get3A_129, %get3A_98 : vector<16xf32>
      %add3A_131 = arith.addf %add3A_126, %mul3A_130 : vector<16xf32>
      %reduce_sum3A = arith.constant true
      %reduce_sum3A_132 = vector.broadcast %reduce_sum3A : i1 to vector<16xi1>
      %reduce_sum3A_133 = tpu.scan <sum>, %add3A_131 masked %reduce_sum3A_132 : vector<16xf32>, vector<16xi1> -> vector<16xf32>
      %reduce_sum3A_134 = vector.extract %reduce_sum3A_133[15] : f32 from vector<16xf32>
      %eq3A = arith.constant 0 : i32
      %eq3A_135 = vector.broadcast %eq3A : i32 to vector<16xi32>
      %eq3A_136 = arith.cmpi eq, %iota3A, %eq3A_135 : vector<16xi32>
      %add3A_137 = vector.broadcast %reduce_sum3A_134 : f32 to vector<16xf32>
      %add3A_138 = arith.addf %get3A_108, %add3A_137 : vector<16xf32>
      %select_n3A = arith.select %eq3A_136, %add3A_138, %get3A_108 : vector<16xi1>, vector<16xf32>
      %mul3A_139 = arith.constant 16 : i32
      %mul3A_140 = arith.muli %scan3A_104, %mul3A_139 : i32
      %add3A_141 = arith.constant 1 : i32
      %add3A_142 = arith.addi %mul3A_140, %add3A_141 : i32
      %get3A_143 = arith.index_cast %add3A_142 : i32 to index
      %get3A_144 = arith.constant 0 : index
      %get3A_145 = tpu.vector_load %arg8[%get3A_143, %get3A_144] {strides = array<i32>} : memref<512x64xf32, #tpu.memory_space<vmem>>, vector<16xf32>,
      %mul3A_146 = arith.mulf %get3A_145, %get3A_92 : vector<16xf32>
      %get3A_147 = arith.index_cast %add3A_142 : i32 to index
      %get3A_148 = arith.constant 16 : index
      %get3A_149 = tpu.vector_load %arg8[%get3A_147, %get3A_148] {strides = array<i32>} : memref<512x64xf32, #tpu.memory_space<vmem>>, vector<16xf32>,
      %mul3A_150 = arith.mulf %get3A_149, %get3A_94 : vector<16xf32>
      %add3A_151 = arith.addf %mul3A_146, %mul3A_150 : vector<16xf32>
      %get3A_152 = arith.index_cast %add3A_142 : i32 to index
      %get3A_153 = arith.constant 32 : index
      %get3A_154 = tpu.vector_load %arg8[%get3A_152, %get3A_153] {strides = array<i32>} : memref<512x64xf32, #tpu.memory_space<vmem>>, vector<16xf32>,
      %mul3A_155 = arith.mulf %get3A_154, %get3A_96 : vector<16xf32>
      %add3A_156 = arith.addf %add3A_151, %mul3A_155 : vector<16xf32>
      %get3A_157 = arith.index_cast %add3A_142 : i32 to index
      %get3A_158 = arith.constant 48 : index
      %get3A_159 = tpu.vector_load %arg8[%get3A_157, %get3A_158] {strides = array<i32>} : memref<512x64xf32, #tpu.memory_space<vmem>>, vector<16xf32>,
      %mul3A_160 = arith.mulf %get3A_159, %get3A_98 : vector<16xf32>
      %add3A_161 = arith.addf %add3A_156, %mul3A_160 : vector<16xf32>
      %reduce_sum3A_162 = arith.constant true
      %reduce_sum3A_163 = vector.broadcast %reduce_sum3A_162 : i1 to vector<16xi1>
      %reduce_sum3A_164 = tpu.scan <sum>, %add3A_161 masked %reduce_sum3A_163 : vector<16xf32>, vector<16xi1> -> vector<16xf32>
      %reduce_sum3A_165 = vector.extract %reduce_sum3A_164[15] : f32 from vector<16xf32>
      %eq3A_166 = arith.constant 1 : i32
      %eq3A_167 = vector.broadcast %eq3A_166 : i32 to vector<16xi32>
      %eq3A_168 = arith.cmpi eq, %iota3A, %eq3A_167 : vector<16xi32>
      %add3A_169 = vector.broadcast %reduce_sum3A_165 : f32 to vector<16xf32>
      %add3A_170 = arith.addf %select_n3A, %add3A_169 : vector<16xf32>
      %select_n3A_171 = arith.select %eq3A_168, %add3A_170, %select_n3A : vector<16xi1>, vector<16xf32>
      %mul3A_172 = arith.constant 16 : i32
      %mul3A_173 = arith.muli %scan3A_104, %mul3A_172 : i32
      %add3A_174 = arith.constant 2 : i32
      %add3A_175 = arith.addi %mul3A_173, %add3A_174 : i32
      %get3A_176 = arith.index_cast %add3A_175 : i32 to index
      %get3A_177 = arith.constant 0 : index
      %get3A_178 = tpu.vector_load %arg8[%get3A_176, %get3A_177] {strides = array<i32>} : memref<512x64xf32, #tpu.memory_space<vmem>>, vector<16xf32>,
      %mul3A_179 = arith.mulf %get3A_178, %get3A_92 : vector<16xf32>
      %get3A_180 = arith.index_cast %add3A_175 : i32 to index
      %get3A_181 = arith.constant 16 : index
      %get3A_182 = tpu.vector_load %arg8[%get3A_180, %get3A_181] {strides = array<i32>} : memref<512x64xf32, #tpu.memory_space<vmem>>, vector<16xf32>,
      %mul3A_183 = arith.mulf %get3A_182, %get3A_94 : vector<16xf32>
      %add3A_184 = arith.addf %mul3A_179, %mul3A_183 : vector<16xf32>
      %get3A_185 = arith.index_cast %add3A_175 : i32 to index
      %get3A_186 = arith.constant 32 : index
      %get3A_187 = tpu.vector_load %arg8[%get3A_185, %get3A_186] {strides = array<i32>} : memref<512x64xf32, #tpu.memory_space<vmem>>, vector<16xf32>,
      %mul3A_188 = arith.mulf %get3A_187, %get3A_96 : vector<16xf32>
      %add3A_189 = arith.addf %add3A_184, %mul3A_188 : vector<16xf32>
      %get3A_190 = arith.index_cast %add3A_175 : i32 to index
      %get3A_191 = arith.constant 48 : index
      %get3A_192 = tpu.vector_load %arg8[%get3A_190, %get3A_191] {strides = array<i32>} : memref<512x64xf32, #tpu.memory_space<vmem>>, vector<16xf32>,
      %mul3A_193 = arith.mulf %get3A_192, %get3A_98 : vector<16xf32>
      %add3A_194 = arith.addf %add3A_189, %mul3A_193 : vector<16xf32>
      %reduce_sum3A_195 = arith.constant true
      %reduce_sum3A_196 = vector.broadcast %reduce_sum3A_195 : i1 to vector<16xi1>
      %reduce_sum3A_197 = tpu.scan <sum>, %add3A_194 masked %reduce_sum3A_196 : vector<16xf32>, vector<16xi1> -> vector<16xf32>
      %reduce_sum3A_198 = vector.extract %reduce_sum3A_197[15] : f32 from vector<16xf32>
      %eq3A_199 = arith.constant 2 : i32
      %eq3A_200 = vector.broadcast %eq3A_199 : i32 to vector<16xi32>
      %eq3A_201 = arith.cmpi eq, %iota3A, %eq3A_200 : vector<16xi32>
      %add3A_202 = vector.broadcast %reduce_sum3A_198 : f32 to vector<16xf32>
      %add3A_203 = arith.addf %select_n3A_171, %add3A_202 : vector<16xf32>
      %select_n3A_204 = arith.select %eq3A_201, %add3A_203, %select_n3A_171 : vector<16xi1>, vector<16xf32>
      %mul3A_205 = arith.constant 16 : i32
      %mul3A_206 = arith.muli %scan3A_104, %mul3A_205 : i32
      %add3A_207 = arith.constant 3 : i32
      %add3A_208 = arith.addi %mul3A_206, %add3A_207 : i32
      %get3A_209 = arith.index_cast %add3A_208 : i32 to index
      %get3A_210 = arith.constant 0 : index
      %get3A_211 = tpu.vector_load %arg8[%get3A_209, %get3A_210] {strides = array<i32>} : memref<512x64xf32, #tpu.memory_space<vmem>>, vector<16xf32>,
      %mul3A_212 = arith.mulf %get3A_211, %get3A_92 : vector<16xf32>
      %get3A_213 = arith.index_cast %add3A_208 : i32 to index
      %get3A_214 = arith.constant 16 : index
      %get3A_215 = tpu.vector_load %arg8[%get3A_213, %get3A_214] {strides = array<i32>} : memref<512x64xf32, #tpu.memory_space<vmem>>, vector<16xf32>,
      %mul3A_216 = arith.mulf %get3A_215, %get3A_94 : vector<16xf32>
      %add3A_217 = arith.addf %mul3A_212, %mul3A_216 : vector<16xf32>
      %get3A_218 = arith.index_cast %add3A_208 : i32 to index
      %get3A_219 = arith.constant 32 : index
      %get3A_220 = tpu.vector_load %arg8[%get3A_218, %get3A_219] {strides = array<i32>} : memref<512x64xf32, #tpu.memory_space<vmem>>, vector<16xf32>,
      %mul3A_221 = arith.mulf %get3A_220, %get3A_96 : vector<16xf32>
      %add3A_222 = arith.addf %add3A_217, %mul3A_221 : vector<16xf32>
      %get3A_223 = arith.index_cast %add3A_208 : i32 to index
      %get3A_224 = arith.constant 48 : index
      %get3A_225 = tpu.vector_load %arg8[%get3A_223, %get3A_224] {strides = array<i32>} : memref<512x64xf32, #tpu.memory_space<vmem>>, vector<16xf32>,
      %mul3A_226 = arith.mulf %get3A_225, %get3A_98 : vector<16xf32>
      %add3A_227 = arith.addf %add3A_222, %mul3A_226 : vector<16xf32>
      %reduce_sum3A_228 = arith.constant true
      %reduce_sum3A_229 = vector.broadcast %reduce_sum3A_228 : i1 to vector<16xi1>
      %reduce_sum3A_230 = tpu.scan <sum>, %add3A_227 masked %reduce_sum3A_229 : vector<16xf32>, vector<16xi1> -> vector<16xf32>
      %reduce_sum3A_231 = vector.extract %reduce_sum3A_230[15] : f32 from vector<16xf32>
      %eq3A_232 = arith.constant 3 : i32
      %eq3A_233 = vector.broadcast %eq3A_232 : i32 to vector<16xi32>
      %eq3A_234 = arith.cmpi eq, %iota3A, %eq3A_233 : vector<16xi32>
      %add3A_235 = vector.broadcast %reduce_sum3A_231 : f32 to vector<16xf32>
      %add3A_236 = arith.addf %select_n3A_204, %add3A_235 : vector<16xf32>
      %select_n3A_237 = arith.select %eq3A_234, %add3A_236, %select_n3A_204 : vector<16xi1>, vector<16xf32>
      %mul3A_238 = arith.constant 16 : i32
      %mul3A_239 = arith.muli %scan3A_104, %mul3A_238 : i32
      %add3A_240 = arith.constant 4 : i32
      %add3A_241 = arith.addi %mul3A_239, %add3A_240 : i32
      %get3A_242 = arith.index_cast %add3A_241 : i32 to index
      %get3A_243 = arith.constant 0 : index
      %get3A_244 = tpu.vector_load %arg8[%get3A_242, %get3A_243] {strides = array<i32>} : memref<512x64xf32, #tpu.memory_space<vmem>>, vector<16xf32>,
      %mul3A_245 = arith.mulf %get3A_244, %get3A_92 : vector<16xf32>
      %get3A_246 = arith.index_cast %add3A_241 : i32 to index
      %get3A_247 = arith.constant 16 : index
      %get3A_248 = tpu.vector_load %arg8[%get3A_246, %get3A_247] {strides = array<i32>} : memref<512x64xf32, #tpu.memory_space<vmem>>, vector<16xf32>,
      %mul3A_249 = arith.mulf %get3A_248, %get3A_94 : vector<16xf32>
      %add3A_250 = arith.addf %mul3A_245, %mul3A_249 : vector<16xf32>
      %get3A_251 = arith.index_cast %add3A_241 : i32 to index
      %get3A_252 = arith.constant 32 : index
      %get3A_253 = tpu.vector_load %arg8[%get3A_251, %get3A_252] {strides = array<i32>} : memref<512x64xf32, #tpu.memory_space<vmem>>, vector<16xf32>,
      %mul3A_254 = arith.mulf %get3A_253, %get3A_96 : vector<16xf32>
      %add3A_255 = arith.addf %add3A_250, %mul3A_254 : vector<16xf32>
      %get3A_256 = arith.index_cast %add3A_241 : i32 to index
      %get3A_257 = arith.constant 48 : index
      %get3A_258 = tpu.vector_load %arg8[%get3A_256, %get3A_257] {strides = array<i32>} : memref<512x64xf32, #tpu.memory_space<vmem>>, vector<16xf32>,
      %mul3A_259 = arith.mulf %get3A_258, %get3A_98 : vector<16xf32>
      %add3A_260 = arith.addf %add3A_255, %mul3A_259 : vector<16xf32>
      %reduce_sum3A_261 = arith.constant true
      %reduce_sum3A_262 = vector.broadcast %reduce_sum3A_261 : i1 to vector<16xi1>
      %reduce_sum3A_263 = tpu.scan <sum>, %add3A_260 masked %reduce_sum3A_262 : vector<16xf32>, vector<16xi1> -> vector<16xf32>
      %reduce_sum3A_264 = vector.extract %reduce_sum3A_263[15] : f32 from vector<16xf32>
      %eq3A_265 = arith.constant 4 : i32
      %eq3A_266 = vector.broadcast %eq3A_265 : i32 to vector<16xi32>
      %eq3A_267 = arith.cmpi eq, %iota3A, %eq3A_266 : vector<16xi32>
      %add3A_268 = vector.broadcast %reduce_sum3A_264 : f32 to vector<16xf32>
      %add3A_269 = arith.addf %select_n3A_237, %add3A_268 : vector<16xf32>
      %select_n3A_270 = arith.select %eq3A_267, %add3A_269, %select_n3A_237 : vector<16xi1>, vector<16xf32>
      %mul3A_271 = arith.constant 16 : i32
      %mul3A_272 = arith.muli %scan3A_104, %mul3A_271 : i32
      %add3A_273 = arith.constant 5 : i32
      %add3A_274 = arith.addi %mul3A_272, %add3A_273 : i32
      %get3A_275 = arith.index_cast %add3A_274 : i32 to index
      %get3A_276 = arith.constant 0 : index
      %get3A_277 = tpu.vector_load %arg8[%get3A_275, %get3A_276] {strides = array<i32>} : memref<512x64xf32, #tpu.memory_space<vmem>>, vector<16xf32>,
      %mul3A_278 = arith.mulf %get3A_277, %get3A_92 : vector<16xf32>
      %get3A_279 = arith.index_cast %add3A_274 : i32 to index
      %get3A_280 = arith.constant 16 : index
      %get3A_281 = tpu.vector_load %arg8[%get3A_279, %get3A_280] {strides = array<i32>} : memref<512x64xf32, #tpu.memory_space<vmem>>, vector<16xf32>,
      %mul3A_282 = arith.mulf %get3A_281, %get3A_94 : vector<16xf32>
      %add3A_283 = arith.addf %mul3A_278, %mul3A_282 : vector<16xf32>
      %get3A_284 = arith.index_cast %add3A_274 : i32 to index
      %get3A_285 = arith.constant 32 : index
      %get3A_286 = tpu.vector_load %arg8[%get3A_284, %get3A_285] {strides = array<i32>} : memref<512x64xf32, #tpu.memory_space<vmem>>, vector<16xf32>,
      %mul3A_287 = arith.mulf %get3A_286, %get3A_96 : vector<16xf32>
      %add3A_288 = arith.addf %add3A_283, %mul3A_287 : vector<16xf32>
      %get3A_289 = arith.index_cast %add3A_274 : i32 to index
      %get3A_290 = arith.constant 48 : index
      %get3A_291 = tpu.vector_load %arg8[%get3A_289, %get3A_290] {strides = array<i32>} : memref<512x64xf32, #tpu.memory_space<vmem>>, vector<16xf32>,
      %mul3A_292 = arith.mulf %get3A_291, %get3A_98 : vector<16xf32>
      %add3A_293 = arith.addf %add3A_288, %mul3A_292 : vector<16xf32>
      %reduce_sum3A_294 = arith.constant true
      %reduce_sum3A_295 = vector.broadcast %reduce_sum3A_294 : i1 to vector<16xi1>
      %reduce_sum3A_296 = tpu.scan <sum>, %add3A_293 masked %reduce_sum3A_295 : vector<16xf32>, vector<16xi1> -> vector<16xf32>
      %reduce_sum3A_297 = vector.extract %reduce_sum3A_296[15] : f32 from vector<16xf32>
      %eq3A_298 = arith.constant 5 : i32
      %eq3A_299 = vector.broadcast %eq3A_298 : i32 to vector<16xi32>
      %eq3A_300 = arith.cmpi eq, %iota3A, %eq3A_299 : vector<16xi32>
      %add3A_301 = vector.broadcast %reduce_sum3A_297 : f32 to vector<16xf32>
      %add3A_302 = arith.addf %select_n3A_270, %add3A_301 : vector<16xf32>
      %select_n3A_303 = arith.select %eq3A_300, %add3A_302, %select_n3A_270 : vector<16xi1>, vector<16xf32>
      %mul3A_304 = arith.constant 16 : i32
      %mul3A_305 = arith.muli %scan3A_104, %mul3A_304 : i32
      %add3A_306 = arith.constant 6 : i32
      %add3A_307 = arith.addi %mul3A_305, %add3A_306 : i32
      %get3A_308 = arith.index_cast %add3A_307 : i32 to index
      %get3A_309 = arith.constant 0 : index
      %get3A_310 = tpu.vector_load %arg8[%get3A_308, %get3A_309] {strides = array<i32>} : memref<512x64xf32, #tpu.memory_space<vmem>>, vector<16xf32>,
      %mul3A_311 = arith.mulf %get3A_310, %get3A_92 : vector<16xf32>
      %get3A_312 = arith.index_cast %add3A_307 : i32 to index
      %get3A_313 = arith.constant 16 : index
      %get3A_314 = tpu.vector_load %arg8[%get3A_312, %get3A_313] {strides = array<i32>} : memref<512x64xf32, #tpu.memory_space<vmem>>, vector<16xf32>,
      %mul3A_315 = arith.mulf %get3A_314, %get3A_94 : vector<16xf32>
      %add3A_316 = arith.addf %mul3A_311, %mul3A_315 : vector<16xf32>
      %get3A_317 = arith.index_cast %add3A_307 : i32 to index
      %get3A_318 = arith.constant 32 : index
      %get3A_319 = tpu.vector_load %arg8[%get3A_317, %get3A_318] {strides = array<i32>} : memref<512x64xf32, #tpu.memory_space<vmem>>, vector<16xf32>,
      %mul3A_320 = arith.mulf %get3A_319, %get3A_96 : vector<16xf32>
      %add3A_321 = arith.addf %add3A_316, %mul3A_320 : vector<16xf32>
      %get3A_322 = arith.index_cast %add3A_307 : i32 to index
      %get3A_323 = arith.constant 48 : index
      %get3A_324 = tpu.vector_load %arg8[%get3A_322, %get3A_323] {strides = array<i32>} : memref<512x64xf32, #tpu.memory_space<vmem>>, vector<16xf32>,
      %mul3A_325 = arith.mulf %get3A_324, %get3A_98 : vector<16xf32>
      %add3A_326 = arith.addf %add3A_321, %mul3A_325 : vector<16xf32>
      %reduce_sum3A_327 = arith.constant true
      %reduce_sum3A_328 = vector.broadcast %reduce_sum3A_327 : i1 to vector<16xi1>
      %reduce_sum3A_329 = tpu.scan <sum>, %add3A_326 masked %reduce_sum3A_328 : vector<16xf32>, vector<16xi1> -> vector<16xf32>
      %reduce_sum3A_330 = vector.extract %reduce_sum3A_329[15] : f32 from vector<16xf32>
      %eq3A_331 = arith.constant 6 : i32
      %eq3A_332 = vector.broadcast %eq3A_331 : i32 to vector<16xi32>
      %eq3A_333 = arith.cmpi eq, %iota3A, %eq3A_332 : vector<16xi32>
      %add3A_334 = vector.broadcast %reduce_sum3A_330 : f32 to vector<16xf32>
      %add3A_335 = arith.addf %select_n3A_303, %add3A_334 : vector<16xf32>
      %select_n3A_336 = arith.select %eq3A_333, %add3A_335, %select_n3A_303 : vector<16xi1>, vector<16xf32>
      %mul3A_337 = arith.constant 16 : i32
      %mul3A_338 = arith.muli %scan3A_104, %mul3A_337 : i32
      %add3A_339 = arith.constant 7 : i32
      %add3A_340 = arith.addi %mul3A_338, %add3A_339 : i32
      %get3A_341 = arith.index_cast %add3A_340 : i32 to index
      %get3A_342 = arith.constant 0 : index
      %get3A_343 = tpu.vector_load %arg8[%get3A_341, %get3A_342] {strides = array<i32>} : memref<512x64xf32, #tpu.memory_space<vmem>>, vector<16xf32>,
      %mul3A_344 = arith.mulf %get3A_343, %get3A_92 : vector<16xf32>
      %get3A_345 = arith.index_cast %add3A_340 : i32 to index
      %get3A_346 = arith.constant 16 : index
      %get3A_347 = tpu.vector_load %arg8[%get3A_345, %get3A_346] {strides = array<i32>} : memref<512x64xf32, #tpu.memory_space<vmem>>, vector<16xf32>,
      %mul3A_348 = arith.mulf %get3A_347, %get3A_94 : vector<16xf32>
      %add3A_349 = arith.addf %mul3A_344, %mul3A_348 : vector<16xf32>
      %get3A_350 = arith.index_cast %add3A_340 : i32 to index
      %get3A_351 = arith.constant 32 : index
      %get3A_352 = tpu.vector_load %arg8[%get3A_350, %get3A_351] {strides = array<i32>} : memref<512x64xf32, #tpu.memory_space<vmem>>, vector<16xf32>,
      %mul3A_353 = arith.mulf %get3A_352, %get3A_96 : vector<16xf32>
      %add3A_354 = arith.addf %add3A_349, %mul3A_353 : vector<16xf32>
      %get3A_355 = arith.index_cast %add3A_340 : i32 to index
      %get3A_356 = arith.constant 48 : index
      %get3A_357 = tpu.vector_load %arg8[%get3A_355, %get3A_356] {strides = array<i32>} : memref<512x64xf32, #tpu.memory_space<vmem>>, vector<16xf32>,
      %mul3A_358 = arith.mulf %get3A_357, %get3A_98 : vector<16xf32>
      %add3A_359 = arith.addf %add3A_354, %mul3A_358 : vector<16xf32>
      %reduce_sum3A_360 = arith.constant true
      %reduce_sum3A_361 = vector.broadcast %reduce_sum3A_360 : i1 to vector<16xi1>
      %reduce_sum3A_362 = tpu.scan <sum>, %add3A_359 masked %reduce_sum3A_361 : vector<16xf32>, vector<16xi1> -> vector<16xf32>
      %reduce_sum3A_363 = vector.extract %reduce_sum3A_362[15] : f32 from vector<16xf32>
      %eq3A_364 = arith.constant 7 : i32
      %eq3A_365 = vector.broadcast %eq3A_364 : i32 to vector<16xi32>
      %eq3A_366 = arith.cmpi eq, %iota3A, %eq3A_365 : vector<16xi32>
      %add3A_367 = vector.broadcast %reduce_sum3A_363 : f32 to vector<16xf32>
      %add3A_368 = arith.addf %select_n3A_336, %add3A_367 : vector<16xf32>
      %select_n3A_369 = arith.select %eq3A_366, %add3A_368, %select_n3A_336 : vector<16xi1>, vector<16xf32>
      %mul3A_370 = arith.constant 16 : i32
      %mul3A_371 = arith.muli %scan3A_104, %mul3A_370 : i32
      %add3A_372 = arith.constant 8 : i32
      %add3A_373 = arith.addi %mul3A_371, %add3A_372 : i32
      %get3A_374 = arith.index_cast %add3A_373 : i32 to index
      %get3A_375 = arith.constant 0 : index
      %get3A_376 = tpu.vector_load %arg8[%get3A_374, %get3A_375] {strides = array<i32>} : memref<512x64xf32, #tpu.memory_space<vmem>>, vector<16xf32>,
      %mul3A_377 = arith.mulf %get3A_376, %get3A_92 : vector<16xf32>
      %get3A_378 = arith.index_cast %add3A_373 : i32 to index
      %get3A_379 = arith.constant 16 : index
      %get3A_380 = tpu.vector_load %arg8[%get3A_378, %get3A_379] {strides = array<i32>} : memref<512x64xf32, #tpu.memory_space<vmem>>, vector<16xf32>,
      %mul3A_381 = arith.mulf %get3A_380, %get3A_94 : vector<16xf32>
      %add3A_382 = arith.addf %mul3A_377, %mul3A_381 : vector<16xf32>
      %get3A_383 = arith.index_cast %add3A_373 : i32 to index
      %get3A_384 = arith.constant 32 : index
      %get3A_385 = tpu.vector_load %arg8[%get3A_383, %get3A_384] {strides = array<i32>} : memref<512x64xf32, #tpu.memory_space<vmem>>, vector<16xf32>,
      %mul3A_386 = arith.mulf %get3A_385, %get3A_96 : vector<16xf32>
      %add3A_387 = arith.addf %add3A_382, %mul3A_386 : vector<16xf32>
      %get3A_388 = arith.index_cast %add3A_373 : i32 to index
      %get3A_389 = arith.constant 48 : index
      %get3A_390 = tpu.vector_load %arg8[%get3A_388, %get3A_389] {strides = array<i32>} : memref<512x64xf32, #tpu.memory_space<vmem>>, vector<16xf32>,
      %mul3A_391 = arith.mulf %get3A_390, %get3A_98 : vector<16xf32>
      %add3A_392 = arith.addf %add3A_387, %mul3A_391 : vector<16xf32>
      %reduce_sum3A_393 = arith.constant true
      %reduce_sum3A_394 = vector.broadcast %reduce_sum3A_393 : i1 to vector<16xi1>
      %reduce_sum3A_395 = tpu.scan <sum>, %add3A_392 masked %reduce_sum3A_394 : vector<16xf32>, vector<16xi1> -> vector<16xf32>
      %reduce_sum3A_396 = vector.extract %reduce_sum3A_395[15] : f32 from vector<16xf32>
      %eq3A_397 = arith.constant 8 : i32
      %eq3A_398 = vector.broadcast %eq3A_397 : i32 to vector<16xi32>
      %eq3A_399 = arith.cmpi eq, %iota3A, %eq3A_398 : vector<16xi32>
      %add3A_400 = vector.broadcast %reduce_sum3A_396 : f32 to vector<16xf32>
      %add3A_401 = arith.addf %select_n3A_369, %add3A_400 : vector<16xf32>
      %select_n3A_402 = arith.select %eq3A_399, %add3A_401, %select_n3A_369 : vector<16xi1>, vector<16xf32>
      %mul3A_403 = arith.constant 16 : i32
      %mul3A_404 = arith.muli %scan3A_104, %mul3A_403 : i32
      %add3A_405 = arith.constant 9 : i32
      %add3A_406 = arith.addi %mul3A_404, %add3A_405 : i32
      %get3A_407 = arith.index_cast %add3A_406 : i32 to index
      %get3A_408 = arith.constant 0 : index
      %get3A_409 = tpu.vector_load %arg8[%get3A_407, %get3A_408] {strides = array<i32>} : memref<512x64xf32, #tpu.memory_space<vmem>>, vector<16xf32>,
      %mul3A_410 = arith.mulf %get3A_409, %get3A_92 : vector<16xf32>
      %get3A_411 = arith.index_cast %add3A_406 : i32 to index
      %get3A_412 = arith.constant 16 : index
      %get3A_413 = tpu.vector_load %arg8[%get3A_411, %get3A_412] {strides = array<i32>} : memref<512x64xf32, #tpu.memory_space<vmem>>, vector<16xf32>,
      %mul3A_414 = arith.mulf %get3A_413, %get3A_94 : vector<16xf32>
      %add3A_415 = arith.addf %mul3A_410, %mul3A_414 : vector<16xf32>
      %get3A_416 = arith.index_cast %add3A_406 : i32 to index
      %get3A_417 = arith.constant 32 : index
      %get3A_418 = tpu.vector_load %arg8[%get3A_416, %get3A_417] {strides = array<i32>} : memref<512x64xf32, #tpu.memory_space<vmem>>, vector<16xf32>,
      %mul3A_419 = arith.mulf %get3A_418, %get3A_96 : vector<16xf32>
      %add3A_420 = arith.addf %add3A_415, %mul3A_419 : vector<16xf32>
      %get3A_421 = arith.index_cast %add3A_406 : i32 to index
      %get3A_422 = arith.constant 48 : index
      %get3A_423 = tpu.vector_load %arg8[%get3A_421, %get3A_422] {strides = array<i32>} : memref<512x64xf32, #tpu.memory_space<vmem>>, vector<16xf32>,
      %mul3A_424 = arith.mulf %get3A_423, %get3A_98 : vector<16xf32>
      %add3A_425 = arith.addf %add3A_420, %mul3A_424 : vector<16xf32>
      %reduce_sum3A_426 = arith.constant true
      %reduce_sum3A_427 = vector.broadcast %reduce_sum3A_426 : i1 to vector<16xi1>
      %reduce_sum3A_428 = tpu.scan <sum>, %add3A_425 masked %reduce_sum3A_427 : vector<16xf32>, vector<16xi1> -> vector<16xf32>
      %reduce_sum3A_429 = vector.extract %reduce_sum3A_428[15] : f32 from vector<16xf32>
      %eq3A_430 = arith.constant 9 : i32
      %eq3A_431 = vector.broadcast %eq3A_430 : i32 to vector<16xi32>
      %eq3A_432 = arith.cmpi eq, %iota3A, %eq3A_431 : vector<16xi32>
      %add3A_433 = vector.broadcast %reduce_sum3A_429 : f32 to vector<16xf32>
      %add3A_434 = arith.addf %select_n3A_402, %add3A_433 : vector<16xf32>
      %select_n3A_435 = arith.select %eq3A_432, %add3A_434, %select_n3A_402 : vector<16xi1>, vector<16xf32>
      %mul3A_436 = arith.constant 16 : i32
      %mul3A_437 = arith.muli %scan3A_104, %mul3A_436 : i32
      %add3A_438 = arith.constant 10 : i32
      %add3A_439 = arith.addi %mul3A_437, %add3A_438 : i32
      %get3A_440 = arith.index_cast %add3A_439 : i32 to index
      %get3A_441 = arith.constant 0 : index
      %get3A_442 = tpu.vector_load %arg8[%get3A_440, %get3A_441] {strides = array<i32>} : memref<512x64xf32, #tpu.memory_space<vmem>>, vector<16xf32>,
      %mul3A_443 = arith.mulf %get3A_442, %get3A_92 : vector<16xf32>
      %get3A_444 = arith.index_cast %add3A_439 : i32 to index
      %get3A_445 = arith.constant 16 : index
      %get3A_446 = tpu.vector_load %arg8[%get3A_444, %get3A_445] {strides = array<i32>} : memref<512x64xf32, #tpu.memory_space<vmem>>, vector<16xf32>,
      %mul3A_447 = arith.mulf %get3A_446, %get3A_94 : vector<16xf32>
      %add3A_448 = arith.addf %mul3A_443, %mul3A_447 : vector<16xf32>
      %get3A_449 = arith.index_cast %add3A_439 : i32 to index
      %get3A_450 = arith.constant 32 : index
      %get3A_451 = tpu.vector_load %arg8[%get3A_449, %get3A_450] {strides = array<i32>} : memref<512x64xf32, #tpu.memory_space<vmem>>, vector<16xf32>,
      %mul3A_452 = arith.mulf %get3A_451, %get3A_96 : vector<16xf32>
      %add3A_453 = arith.addf %add3A_448, %mul3A_452 : vector<16xf32>
      %get3A_454 = arith.index_cast %add3A_439 : i32 to index
      %get3A_455 = arith.constant 48 : index
      %get3A_456 = tpu.vector_load %arg8[%get3A_454, %get3A_455] {strides = array<i32>} : memref<512x64xf32, #tpu.memory_space<vmem>>, vector<16xf32>,
      %mul3A_457 = arith.mulf %get3A_456, %get3A_98 : vector<16xf32>
      %add3A_458 = arith.addf %add3A_453, %mul3A_457 : vector<16xf32>
      %reduce_sum3A_459 = arith.constant true
      %reduce_sum3A_460 = vector.broadcast %reduce_sum3A_459 : i1 to vector<16xi1>
      %reduce_sum3A_461 = tpu.scan <sum>, %add3A_458 masked %reduce_sum3A_460 : vector<16xf32>, vector<16xi1> -> vector<16xf32>
      %reduce_sum3A_462 = vector.extract %reduce_sum3A_461[15] : f32 from vector<16xf32>
      %eq3A_463 = arith.constant 10 : i32
      %eq3A_464 = vector.broadcast %eq3A_463 : i32 to vector<16xi32>
      %eq3A_465 = arith.cmpi eq, %iota3A, %eq3A_464 : vector<16xi32>
      %add3A_466 = vector.broadcast %reduce_sum3A_462 : f32 to vector<16xf32>
      %add3A_467 = arith.addf %select_n3A_435, %add3A_466 : vector<16xf32>
      %select_n3A_468 = arith.select %eq3A_465, %add3A_467, %select_n3A_435 : vector<16xi1>, vector<16xf32>
      %mul3A_469 = arith.constant 16 : i32
      %mul3A_470 = arith.muli %scan3A_104, %mul3A_469 : i32
      %add3A_471 = arith.constant 11 : i32
      %add3A_472 = arith.addi %mul3A_470, %add3A_471 : i32
      %get3A_473 = arith.index_cast %add3A_472 : i32 to index
      %get3A_474 = arith.constant 0 : index
      %get3A_475 = tpu.vector_load %arg8[%get3A_473, %get3A_474] {strides = array<i32>} : memref<512x64xf32, #tpu.memory_space<vmem>>, vector<16xf32>,
      %mul3A_476 = arith.mulf %get3A_475, %get3A_92 : vector<16xf32>
      %get3A_477 = arith.index_cast %add3A_472 : i32 to index
      %get3A_478 = arith.constant 16 : index
      %get3A_479 = tpu.vector_load %arg8[%get3A_477, %get3A_478] {strides = array<i32>} : memref<512x64xf32, #tpu.memory_space<vmem>>, vector<16xf32>,
      %mul3A_480 = arith.mulf %get3A_479, %get3A_94 : vector<16xf32>
      %add3A_481 = arith.addf %mul3A_476, %mul3A_480 : vector<16xf32>
      %get3A_482 = arith.index_cast %add3A_472 : i32 to index
      %get3A_483 = arith.constant 32 : index
      %get3A_484 = tpu.vector_load %arg8[%get3A_482, %get3A_483] {strides = array<i32>} : memref<512x64xf32, #tpu.memory_space<vmem>>, vector<16xf32>,
      %mul3A_485 = arith.mulf %get3A_484, %get3A_96 : vector<16xf32>
      %add3A_486 = arith.addf %add3A_481, %mul3A_485 : vector<16xf32>
      %get3A_487 = arith.index_cast %add3A_472 : i32 to index
      %get3A_488 = arith.constant 48 : index
      %get3A_489 = tpu.vector_load %arg8[%get3A_487, %get3A_488] {strides = array<i32>} : memref<512x64xf32, #tpu.memory_space<vmem>>, vector<16xf32>,
      %mul3A_490 = arith.mulf %get3A_489, %get3A_98 : vector<16xf32>
      %add3A_491 = arith.addf %add3A_486, %mul3A_490 : vector<16xf32>
      %reduce_sum3A_492 = arith.constant true
      %reduce_sum3A_493 = vector.broadcast %reduce_sum3A_492 : i1 to vector<16xi1>
      %reduce_sum3A_494 = tpu.scan <sum>, %add3A_491 masked %reduce_sum3A_493 : vector<16xf32>, vector<16xi1> -> vector<16xf32>
      %reduce_sum3A_495 = vector.extract %reduce_sum3A_494[15] : f32 from vector<16xf32>
      %eq3A_496 = arith.constant 11 : i32
      %eq3A_497 = vector.broadcast %eq3A_496 : i32 to vector<16xi32>
      %eq3A_498 = arith.cmpi eq, %iota3A, %eq3A_497 : vector<16xi32>
      %add3A_499 = vector.broadcast %reduce_sum3A_495 : f32 to vector<16xf32>
      %add3A_500 = arith.addf %select_n3A_468, %add3A_499 : vector<16xf32>
      %select_n3A_501 = arith.select %eq3A_498, %add3A_500, %select_n3A_468 : vector<16xi1>, vector<16xf32>
      %mul3A_502 = arith.constant 16 : i32
      %mul3A_503 = arith.muli %scan3A_104, %mul3A_502 : i32
      %add3A_504 = arith.constant 12 : i32
      %add3A_505 = arith.addi %mul3A_503, %add3A_504 : i32
      %get3A_506 = arith.index_cast %add3A_505 : i32 to index
      %get3A_507 = arith.constant 0 : index
      %get3A_508 = tpu.vector_load %arg8[%get3A_506, %get3A_507] {strides = array<i32>} : memref<512x64xf32, #tpu.memory_space<vmem>>, vector<16xf32>,
      %mul3A_509 = arith.mulf %get3A_508, %get3A_92 : vector<16xf32>
      %get3A_510 = arith.index_cast %add3A_505 : i32 to index
      %get3A_511 = arith.constant 16 : index
      %get3A_512 = tpu.vector_load %arg8[%get3A_510, %get3A_511] {strides = array<i32>} : memref<512x64xf32, #tpu.memory_space<vmem>>, vector<16xf32>,
      %mul3A_513 = arith.mulf %get3A_512, %get3A_94 : vector<16xf32>
      %add3A_514 = arith.addf %mul3A_509, %mul3A_513 : vector<16xf32>
      %get3A_515 = arith.index_cast %add3A_505 : i32 to index
      %get3A_516 = arith.constant 32 : index
      %get3A_517 = tpu.vector_load %arg8[%get3A_515, %get3A_516] {strides = array<i32>} : memref<512x64xf32, #tpu.memory_space<vmem>>, vector<16xf32>,
      %mul3A_518 = arith.mulf %get3A_517, %get3A_96 : vector<16xf32>
      %add3A_519 = arith.addf %add3A_514, %mul3A_518 : vector<16xf32>
      %get3A_520 = arith.index_cast %add3A_505 : i32 to index
      %get3A_521 = arith.constant 48 : index
      %get3A_522 = tpu.vector_load %arg8[%get3A_520, %get3A_521] {strides = array<i32>} : memref<512x64xf32, #tpu.memory_space<vmem>>, vector<16xf32>,
      %mul3A_523 = arith.mulf %get3A_522, %get3A_98 : vector<16xf32>
      %add3A_524 = arith.addf %add3A_519, %mul3A_523 : vector<16xf32>
      %reduce_sum3A_525 = arith.constant true
      %reduce_sum3A_526 = vector.broadcast %reduce_sum3A_525 : i1 to vector<16xi1>
      %reduce_sum3A_527 = tpu.scan <sum>, %add3A_524 masked %reduce_sum3A_526 : vector<16xf32>, vector<16xi1> -> vector<16xf32>
      %reduce_sum3A_528 = vector.extract %reduce_sum3A_527[15] : f32 from vector<16xf32>
      %eq3A_529 = arith.constant 12 : i32
      %eq3A_530 = vector.broadcast %eq3A_529 : i32 to vector<16xi32>
      %eq3A_531 = arith.cmpi eq, %iota3A, %eq3A_530 : vector<16xi32>
      %add3A_532 = vector.broadcast %reduce_sum3A_528 : f32 to vector<16xf32>
      %add3A_533 = arith.addf %select_n3A_501, %add3A_532 : vector<16xf32>
      %select_n3A_534 = arith.select %eq3A_531, %add3A_533, %select_n3A_501 : vector<16xi1>, vector<16xf32>
      %mul3A_535 = arith.constant 16 : i32
      %mul3A_536 = arith.muli %scan3A_104, %mul3A_535 : i32
      %add3A_537 = arith.constant 13 : i32
      %add3A_538 = arith.addi %mul3A_536, %add3A_537 : i32
      %get3A_539 = arith.index_cast %add3A_538 : i32 to index
      %get3A_540 = arith.constant 0 : index
      %get3A_541 = tpu.vector_load %arg8[%get3A_539, %get3A_540] {strides = array<i32>} : memref<512x64xf32, #tpu.memory_space<vmem>>, vector<16xf32>,
      %mul3A_542 = arith.mulf %get3A_541, %get3A_92 : vector<16xf32>
      %get3A_543 = arith.index_cast %add3A_538 : i32 to index
      %get3A_544 = arith.constant 16 : index
      %get3A_545 = tpu.vector_load %arg8[%get3A_543, %get3A_544] {strides = array<i32>} : memref<512x64xf32, #tpu.memory_space<vmem>>, vector<16xf32>,
      %mul3A_546 = arith.mulf %get3A_545, %get3A_94 : vector<16xf32>
      %add3A_547 = arith.addf %mul3A_542, %mul3A_546 : vector<16xf32>
      %get3A_548 = arith.index_cast %add3A_538 : i32 to index
      %get3A_549 = arith.constant 32 : index
      %get3A_550 = tpu.vector_load %arg8[%get3A_548, %get3A_549] {strides = array<i32>} : memref<512x64xf32, #tpu.memory_space<vmem>>, vector<16xf32>,
      %mul3A_551 = arith.mulf %get3A_550, %get3A_96 : vector<16xf32>
      %add3A_552 = arith.addf %add3A_547, %mul3A_551 : vector<16xf32>
      %get3A_553 = arith.index_cast %add3A_538 : i32 to index
      %get3A_554 = arith.constant 48 : index
      %get3A_555 = tpu.vector_load %arg8[%get3A_553, %get3A_554] {strides = array<i32>} : memref<512x64xf32, #tpu.memory_space<vmem>>, vector<16xf32>,
      %mul3A_556 = arith.mulf %get3A_555, %get3A_98 : vector<16xf32>
      %add3A_557 = arith.addf %add3A_552, %mul3A_556 : vector<16xf32>
      %reduce_sum3A_558 = arith.constant true
      %reduce_sum3A_559 = vector.broadcast %reduce_sum3A_558 : i1 to vector<16xi1>
      %reduce_sum3A_560 = tpu.scan <sum>, %add3A_557 masked %reduce_sum3A_559 : vector<16xf32>, vector<16xi1> -> vector<16xf32>
      %reduce_sum3A_561 = vector.extract %reduce_sum3A_560[15] : f32 from vector<16xf32>
      %eq3A_562 = arith.constant 13 : i32
      %eq3A_563 = vector.broadcast %eq3A_562 : i32 to vector<16xi32>
      %eq3A_564 = arith.cmpi eq, %iota3A, %eq3A_563 : vector<16xi32>
      %add3A_565 = vector.broadcast %reduce_sum3A_561 : f32 to vector<16xf32>
      %add3A_566 = arith.addf %select_n3A_534, %add3A_565 : vector<16xf32>
      %select_n3A_567 = arith.select %eq3A_564, %add3A_566, %select_n3A_534 : vector<16xi1>, vector<16xf32>
      %mul3A_568 = arith.constant 16 : i32
      %mul3A_569 = arith.muli %scan3A_104, %mul3A_568 : i32
      %add3A_570 = arith.constant 14 : i32
      %add3A_571 = arith.addi %mul3A_569, %add3A_570 : i32
      %get3A_572 = arith.index_cast %add3A_571 : i32 to index
      %get3A_573 = arith.constant 0 : index
      %get3A_574 = tpu.vector_load %arg8[%get3A_572, %get3A_573] {strides = array<i32>} : memref<512x64xf32, #tpu.memory_space<vmem>>, vector<16xf32>,
      %mul3A_575 = arith.mulf %get3A_574, %get3A_92 : vector<16xf32>
      %get3A_576 = arith.index_cast %add3A_571 : i32 to index
      %get3A_577 = arith.constant 16 : index
      %get3A_578 = tpu.vector_load %arg8[%get3A_576, %get3A_577] {strides = array<i32>} : memref<512x64xf32, #tpu.memory_space<vmem>>, vector<16xf32>,
      %mul3A_579 = arith.mulf %get3A_578, %get3A_94 : vector<16xf32>
      %add3A_580 = arith.addf %mul3A_575, %mul3A_579 : vector<16xf32>
      %get3A_581 = arith.index_cast %add3A_571 : i32 to index
      %get3A_582 = arith.constant 32 : index
      %get3A_583 = tpu.vector_load %arg8[%get3A_581, %get3A_582] {strides = array<i32>} : memref<512x64xf32, #tpu.memory_space<vmem>>, vector<16xf32>,
      %mul3A_584 = arith.mulf %get3A_583, %get3A_96 : vector<16xf32>
      %add3A_585 = arith.addf %add3A_580, %mul3A_584 : vector<16xf32>
      %get3A_586 = arith.index_cast %add3A_571 : i32 to index
      %get3A_587 = arith.constant 48 : index
      %get3A_588 = tpu.vector_load %arg8[%get3A_586, %get3A_587] {strides = array<i32>} : memref<512x64xf32, #tpu.memory_space<vmem>>, vector<16xf32>,
      %mul3A_589 = arith.mulf %get3A_588, %get3A_98 : vector<16xf32>
      %add3A_590 = arith.addf %add3A_585, %mul3A_589 : vector<16xf32>
      %reduce_sum3A_591 = arith.constant true
      %reduce_sum3A_592 = vector.broadcast %reduce_sum3A_591 : i1 to vector<16xi1>
      %reduce_sum3A_593 = tpu.scan <sum>, %add3A_590 masked %reduce_sum3A_592 : vector<16xf32>, vector<16xi1> -> vector<16xf32>
      %reduce_sum3A_594 = vector.extract %reduce_sum3A_593[15] : f32 from vector<16xf32>
      %eq3A_595 = arith.constant 14 : i32
      %eq3A_596 = vector.broadcast %eq3A_595 : i32 to vector<16xi32>
      %eq3A_597 = arith.cmpi eq, %iota3A, %eq3A_596 : vector<16xi32>
      %add3A_598 = vector.broadcast %reduce_sum3A_594 : f32 to vector<16xf32>
      %add3A_599 = arith.addf %select_n3A_567, %add3A_598 : vector<16xf32>
      %select_n3A_600 = arith.select %eq3A_597, %add3A_599, %select_n3A_567 : vector<16xi1>, vector<16xf32>
      %mul3A_601 = arith.constant 16 : i32
      %mul3A_602 = arith.muli %scan3A_104, %mul3A_601 : i32
      %add3A_603 = arith.constant 15 : i32
      %add3A_604 = arith.addi %mul3A_602, %add3A_603 : i32
      %get3A_605 = arith.index_cast %add3A_604 : i32 to index
      %get3A_606 = arith.constant 0 : index
      %get3A_607 = tpu.vector_load %arg8[%get3A_605, %get3A_606] {strides = array<i32>} : memref<512x64xf32, #tpu.memory_space<vmem>>, vector<16xf32>,
      %mul3A_608 = arith.mulf %get3A_607, %get3A_92 : vector<16xf32>
      %get3A_609 = arith.index_cast %add3A_604 : i32 to index
      %get3A_610 = arith.constant 16 : index
      %get3A_611 = tpu.vector_load %arg8[%get3A_609, %get3A_610] {strides = array<i32>} : memref<512x64xf32, #tpu.memory_space<vmem>>, vector<16xf32>,
      %mul3A_612 = arith.mulf %get3A_611, %get3A_94 : vector<16xf32>
      %add3A_613 = arith.addf %mul3A_608, %mul3A_612 : vector<16xf32>
      %get3A_614 = arith.index_cast %add3A_604 : i32 to index
      %get3A_615 = arith.constant 32 : index
      %get3A_616 = tpu.vector_load %arg8[%get3A_614, %get3A_615] {strides = array<i32>} : memref<512x64xf32, #tpu.memory_space<vmem>>, vector<16xf32>,
      %mul3A_617 = arith.mulf %get3A_616, %get3A_96 : vector<16xf32>
      %add3A_618 = arith.addf %add3A_613, %mul3A_617 : vector<16xf32>
      %get3A_619 = arith.index_cast %add3A_604 : i32 to index
      %get3A_620 = arith.constant 48 : index
      %get3A_621 = tpu.vector_load %arg8[%get3A_619, %get3A_620] {strides = array<i32>} : memref<512x64xf32, #tpu.memory_space<vmem>>, vector<16xf32>,
      %mul3A_622 = arith.mulf %get3A_621, %get3A_98 : vector<16xf32>
      %add3A_623 = arith.addf %add3A_618, %mul3A_622 : vector<16xf32>
      %reduce_sum3A_624 = arith.constant true
      %reduce_sum3A_625 = vector.broadcast %reduce_sum3A_624 : i1 to vector<16xi1>
      %reduce_sum3A_626 = tpu.scan <sum>, %add3A_623 masked %reduce_sum3A_625 : vector<16xf32>, vector<16xi1> -> vector<16xf32>
      %reduce_sum3A_627 = vector.extract %reduce_sum3A_626[15] : f32 from vector<16xf32>
      %eq3A_628 = arith.constant 15 : i32
      %eq3A_629 = vector.broadcast %eq3A_628 : i32 to vector<16xi32>
      %eq3A_630 = arith.cmpi eq, %iota3A, %eq3A_629 : vector<16xi32>
      %add3A_631 = vector.broadcast %reduce_sum3A_627 : f32 to vector<16xf32>
      %add3A_632 = arith.addf %select_n3A_600, %add3A_631 : vector<16xf32>
      %select_n3A_633 = arith.select %eq3A_630, %add3A_632, %select_n3A_600 : vector<16xi1>, vector<16xf32>
      %mul3A_634 = arith.constant 16 : i32
      %mul3A_635 = arith.muli %scan3A_104, %mul3A_634 : i32
      %swap3A = arith.index_cast %mul3A_635 : i32 to index
      %swap3A_636 = tpu.vector_load %arg11[%swap3A] {strides = array<i32>} : memref<512xf32, #tpu.memory_space<vmem>>, vector<16xf32>,
      tpu.vector_store %arg11[%swap3A], %select_n3A_633 {strides = array<i32>} : memref<512xf32, #tpu.memory_space<vmem>>, vector<16xf32>,
    }
    %scan3A_103 = arith.constant 32 : i32
    "tpu.region"() ({
      %run_scoped3A_104 = tpu.sem_alloc : memref<!tpu.dma_semaphore, #tpu.memory_space<semaphore_mem>>
      %dma_start3A_105 = tpu.memref_slice %arg6[%mul3A_2] : memref<16384xf32, #tpu.memory_space<hbm>> -> memref<512xf32, #tpu.memory_space<hbm>>
      %dma_start3A_106 = tpu.memref_slice %arg6[%mul3A_2] : memref<16384xf32, #tpu.memory_space<hbm>> -> memref<512xf32, #tpu.memory_space<hbm>>
      tpu.enqueue_dma source(%arg11 : memref<512xf32, #tpu.memory_space<vmem>>) target(%dma_start3A_106 : memref<512xf32, #tpu.memory_space<hbm>>) target_semaphore(%run_scoped3A_104 : memref<!tpu.dma_semaphore, #tpu.memory_space<semaphore_mem>>)
      %dma_wait3A_107 = tpu.memref_slice %arg6[%mul3A_2] : memref<16384xf32, #tpu.memory_space<hbm>> -> memref<512xf32, #tpu.memory_space<hbm>>
      %dma_wait3A_108 = tpu.memref_slice %arg6[%mul3A_2] : memref<16384xf32, #tpu.memory_space<hbm>> -> memref<512xf32, #tpu.memory_space<hbm>>
      tpu.wait_dma2 semaphore(%run_scoped3A_104 : memref<!tpu.dma_semaphore, #tpu.memory_space<semaphore_mem>>) src(%arg11 : memref<512xf32, #tpu.memory_space<vmem>>) dst(%dma_wait3A_108 : memref<512xf32, #tpu.memory_space<hbm>>)
      tpu.yield
    }) : () -> ()
    return
  }
}

#map = affine_map<(d0, d1) -> (0, 0)>
#map1 = affine_map<(d0, d1) -> (0)>
module attributes {stable_mosaic.version = 14 : i64} {
  func.func @_gene_final(%arg0: i32, %arg1: i32, %arg2: memref<100000x64xf32, #tpu.memory_space<hbm>>, %arg3: memref<16384xi32, #tpu.memory_space<hbm>>, %arg4: memref<64xf32, #tpu.memory_space<hbm>>, %arg5: memref<16384xf32, #tpu.memory_space<hbm>>, %arg6: memref<16384xf32, #tpu.memory_space<hbm>>, %arg7: memref<4x128xi32, #tpu.memory_space<vmem>>, %arg8: memref<512x64xf32, #tpu.memory_space<vmem>>, %arg9: memref<64xf32, #tpu.memory_space<vmem>>, %arg10: memref<512xf32, #tpu.memory_space<vmem>>, %arg11: memref<512xf32, #tpu.memory_space<vmem>>, %arg12: memref<!tpu.dma_semaphore, #tpu.memory_space<semaphore_mem>>) attributes {dimension_semantics = [#tpu.dimension_semantics<core_parallel>, #tpu.dimension_semantics<subcore_parallel>], iteration_bounds = array<i64: 2, 16>, scalar_prefetch = 0 : i64, scratch_operands = 6 : i64, tpu.core_type = #tpu.core_type<sc_vector_subcore>, window_params = [{transform_indices = #map}, {transform_indices = #map1}, {transform_indices = #map1}, {transform_indices = #map1}, {transform_indices = #map1}]} {
    %mul3A = arith.constant 2 : i32
    %mul3A_0 = arith.muli %arg1, %mul3A : i32
    %add3A = arith.addi %mul3A_0, %arg0 : i32
    %mul3A_1 = arith.constant 512 : i32
    %mul3A_2 = arith.muli %add3A, %mul3A_1 : i32
    "tpu.region"() ({
      %run_scoped3A_104 = tpu.sem_alloc : memref<!tpu.dma_semaphore, #tpu.memory_space<semaphore_mem>>
      tpu.enqueue_dma source(%arg4 : memref<64xf32, #tpu.memory_space<hbm>>) target(%arg9 : memref<64xf32, #tpu.memory_space<vmem>>) target_semaphore(%run_scoped3A_104 : memref<!tpu.dma_semaphore, #tpu.memory_space<semaphore_mem>>)
      tpu.wait_dma2 semaphore(%run_scoped3A_104 : memref<!tpu.dma_semaphore, #tpu.memory_space<semaphore_mem>>) src(%arg4 : memref<64xf32, #tpu.memory_space<hbm>>) dst(%arg9 : memref<64xf32, #tpu.memory_space<vmem>>)
      tpu.yield
    }) : () -> ()
    %add3A_3 = arith.constant 0 : i32
    %add3A_4 = arith.addi %mul3A_2, %add3A_3 : i32
    %run_scoped3A = arith.constant 0 : i32
    "tpu.region"() ({
      %run_scoped3A_104 = tpu.sem_alloc : memref<!tpu.dma_semaphore, #tpu.memory_space<semaphore_mem>>
      %dma_start3A_105 = arith.constant 0 : i32
      %dma_start3A_106 = tpu.memref_slice %arg7[%run_scoped3A, %dma_start3A_105] : memref<4x128xi32, #tpu.memory_space<vmem>> -> memref<1x128xi32, #tpu.memory_space<vmem>>
      %dma_start3A_107 = tpu.memref_squeeze %dma_start3A_106 : memref<1x128xi32, #tpu.memory_space<vmem>> -> memref<128xi32, #tpu.memory_space<vmem>>
      %dma_start3A_108 = tpu.memref_slice %arg3[%add3A_4] : memref<16384xi32, #tpu.memory_space<hbm>> -> memref<128xi32, #tpu.memory_space<hbm>>
      %dma_start3A_109 = arith.constant 0 : i32
      %dma_start3A_110 = tpu.memref_slice %arg7[%run_scoped3A, %dma_start3A_109] : memref<4x128xi32, #tpu.memory_space<vmem>> -> memref<1x128xi32, #tpu.memory_space<vmem>>
      %dma_start3A_111 = tpu.memref_squeeze %dma_start3A_110 : memref<1x128xi32, #tpu.memory_space<vmem>> -> memref<128xi32, #tpu.memory_space<vmem>>
      %dma_start3A_112 = tpu.memref_slice %arg3[%add3A_4] : memref<16384xi32, #tpu.memory_space<hbm>> -> memref<128xi32, #tpu.memory_space<hbm>>
      tpu.enqueue_dma source(%dma_start3A_112 : memref<128xi32, #tpu.memory_space<hbm>>) target(%dma_start3A_111 : memref<128xi32, #tpu.memory_space<vmem>>) target_semaphore(%run_scoped3A_104 : memref<!tpu.dma_semaphore, #tpu.memory_space<semaphore_mem>>)
      %dma_wait3A_113 = arith.constant 0 : i32
      %dma_wait3A_114 = tpu.memref_slice %arg7[%run_scoped3A, %dma_wait3A_113] : memref<4x128xi32, #tpu.memory_space<vmem>> -> memref<1x128xi32, #tpu.memory_space<vmem>>
      %dma_wait3A_115 = tpu.memref_squeeze %dma_wait3A_114 : memref<1x128xi32, #tpu.memory_space<vmem>> -> memref<128xi32, #tpu.memory_space<vmem>>
      %dma_wait3A_116 = tpu.memref_slice %arg3[%add3A_4] : memref<16384xi32, #tpu.memory_space<hbm>> -> memref<128xi32, #tpu.memory_space<hbm>>
      %dma_wait3A_117 = arith.constant 0 : i32
      %dma_wait3A_118 = tpu.memref_slice %arg7[%run_scoped3A, %dma_wait3A_117] : memref<4x128xi32, #tpu.memory_space<vmem>> -> memref<1x128xi32, #tpu.memory_space<vmem>>
      %dma_wait3A_119 = tpu.memref_squeeze %dma_wait3A_118 : memref<1x128xi32, #tpu.memory_space<vmem>> -> memref<128xi32, #tpu.memory_space<vmem>>
      %dma_wait3A_120 = tpu.memref_slice %arg3[%add3A_4] : memref<16384xi32, #tpu.memory_space<hbm>> -> memref<128xi32, #tpu.memory_space<hbm>>
      tpu.wait_dma2 semaphore(%run_scoped3A_104 : memref<!tpu.dma_semaphore, #tpu.memory_space<semaphore_mem>>) src(%dma_wait3A_120 : memref<128xi32, #tpu.memory_space<hbm>>) dst(%dma_wait3A_119 : memref<128xi32, #tpu.memory_space<vmem>>)
      tpu.yield
    }) : () -> ()
    %add3A_5 = arith.constant 128 : i32
    %add3A_6 = arith.addi %mul3A_2, %add3A_5 : i32
    %run_scoped3A_7 = arith.constant 1 : i32
    "tpu.region"() ({
      %run_scoped3A_104 = tpu.sem_alloc : memref<!tpu.dma_semaphore, #tpu.memory_space<semaphore_mem>>
      %dma_start3A_105 = arith.constant 0 : i32
      %dma_start3A_106 = tpu.memref_slice %arg7[%run_scoped3A_7, %dma_start3A_105] : memref<4x128xi32, #tpu.memory_space<vmem>> -> memref<1x128xi32, #tpu.memory_space<vmem>>
      %dma_start3A_107 = tpu.memref_squeeze %dma_start3A_106 : memref<1x128xi32, #tpu.memory_space<vmem>> -> memref<128xi32, #tpu.memory_space<vmem>>
      %dma_start3A_108 = tpu.memref_slice %arg3[%add3A_6] : memref<16384xi32, #tpu.memory_space<hbm>> -> memref<128xi32, #tpu.memory_space<hbm>>
      %dma_start3A_109 = arith.constant 0 : i32
      %dma_start3A_110 = tpu.memref_slice %arg7[%run_scoped3A_7, %dma_start3A_109] : memref<4x128xi32, #tpu.memory_space<vmem>> -> memref<1x128xi32, #tpu.memory_space<vmem>>
      %dma_start3A_111 = tpu.memref_squeeze %dma_start3A_110 : memref<1x128xi32, #tpu.memory_space<vmem>> -> memref<128xi32, #tpu.memory_space<vmem>>
      %dma_start3A_112 = tpu.memref_slice %arg3[%add3A_6] : memref<16384xi32, #tpu.memory_space<hbm>> -> memref<128xi32, #tpu.memory_space<hbm>>
      tpu.enqueue_dma source(%dma_start3A_112 : memref<128xi32, #tpu.memory_space<hbm>>) target(%dma_start3A_111 : memref<128xi32, #tpu.memory_space<vmem>>) target_semaphore(%run_scoped3A_104 : memref<!tpu.dma_semaphore, #tpu.memory_space<semaphore_mem>>)
      %dma_wait3A_113 = arith.constant 0 : i32
      %dma_wait3A_114 = tpu.memref_slice %arg7[%run_scoped3A_7, %dma_wait3A_113] : memref<4x128xi32, #tpu.memory_space<vmem>> -> memref<1x128xi32, #tpu.memory_space<vmem>>
      %dma_wait3A_115 = tpu.memref_squeeze %dma_wait3A_114 : memref<1x128xi32, #tpu.memory_space<vmem>> -> memref<128xi32, #tpu.memory_space<vmem>>
      %dma_wait3A_116 = tpu.memref_slice %arg3[%add3A_6] : memref<16384xi32, #tpu.memory_space<hbm>> -> memref<128xi32, #tpu.memory_space<hbm>>
      %dma_wait3A_117 = arith.constant 0 : i32
      %dma_wait3A_118 = tpu.memref_slice %arg7[%run_scoped3A_7, %dma_wait3A_117] : memref<4x128xi32, #tpu.memory_space<vmem>> -> memref<1x128xi32, #tpu.memory_space<vmem>>
      %dma_wait3A_119 = tpu.memref_squeeze %dma_wait3A_118 : memref<1x128xi32, #tpu.memory_space<vmem>> -> memref<128xi32, #tpu.memory_space<vmem>>
      %dma_wait3A_120 = tpu.memref_slice %arg3[%add3A_6] : memref<16384xi32, #tpu.memory_space<hbm>> -> memref<128xi32, #tpu.memory_space<hbm>>
      tpu.wait_dma2 semaphore(%run_scoped3A_104 : memref<!tpu.dma_semaphore, #tpu.memory_space<semaphore_mem>>) src(%dma_wait3A_120 : memref<128xi32, #tpu.memory_space<hbm>>) dst(%dma_wait3A_119 : memref<128xi32, #tpu.memory_space<vmem>>)
      tpu.yield
    }) : () -> ()
    %add3A_8 = arith.constant 256 : i32
    %add3A_9 = arith.addi %mul3A_2, %add3A_8 : i32
    %run_scoped3A_10 = arith.constant 2 : i32
    "tpu.region"() ({
      %run_scoped3A_104 = tpu.sem_alloc : memref<!tpu.dma_semaphore, #tpu.memory_space<semaphore_mem>>
      %dma_start3A_105 = arith.constant 0 : i32
      %dma_start3A_106 = tpu.memref_slice %arg7[%run_scoped3A_10, %dma_start3A_105] : memref<4x128xi32, #tpu.memory_space<vmem>> -> memref<1x128xi32, #tpu.memory_space<vmem>>
      %dma_start3A_107 = tpu.memref_squeeze %dma_start3A_106 : memref<1x128xi32, #tpu.memory_space<vmem>> -> memref<128xi32, #tpu.memory_space<vmem>>
      %dma_start3A_108 = tpu.memref_slice %arg3[%add3A_9] : memref<16384xi32, #tpu.memory_space<hbm>> -> memref<128xi32, #tpu.memory_space<hbm>>
      %dma_start3A_109 = arith.constant 0 : i32
      %dma_start3A_110 = tpu.memref_slice %arg7[%run_scoped3A_10, %dma_start3A_109] : memref<4x128xi32, #tpu.memory_space<vmem>> -> memref<1x128xi32, #tpu.memory_space<vmem>>
      %dma_start3A_111 = tpu.memref_squeeze %dma_start3A_110 : memref<1x128xi32, #tpu.memory_space<vmem>> -> memref<128xi32, #tpu.memory_space<vmem>>
      %dma_start3A_112 = tpu.memref_slice %arg3[%add3A_9] : memref<16384xi32, #tpu.memory_space<hbm>> -> memref<128xi32, #tpu.memory_space<hbm>>
      tpu.enqueue_dma source(%dma_start3A_112 : memref<128xi32, #tpu.memory_space<hbm>>) target(%dma_start3A_111 : memref<128xi32, #tpu.memory_space<vmem>>) target_semaphore(%run_scoped3A_104 : memref<!tpu.dma_semaphore, #tpu.memory_space<semaphore_mem>>)
      %dma_wait3A_113 = arith.constant 0 : i32
      %dma_wait3A_114 = tpu.memref_slice %arg7[%run_scoped3A_10, %dma_wait3A_113] : memref<4x128xi32, #tpu.memory_space<vmem>> -> memref<1x128xi32, #tpu.memory_space<vmem>>
      %dma_wait3A_115 = tpu.memref_squeeze %dma_wait3A_114 : memref<1x128xi32, #tpu.memory_space<vmem>> -> memref<128xi32, #tpu.memory_space<vmem>>
      %dma_wait3A_116 = tpu.memref_slice %arg3[%add3A_9] : memref<16384xi32, #tpu.memory_space<hbm>> -> memref<128xi32, #tpu.memory_space<hbm>>
      %dma_wait3A_117 = arith.constant 0 : i32
      %dma_wait3A_118 = tpu.memref_slice %arg7[%run_scoped3A_10, %dma_wait3A_117] : memref<4x128xi32, #tpu.memory_space<vmem>> -> memref<1x128xi32, #tpu.memory_space<vmem>>
      %dma_wait3A_119 = tpu.memref_squeeze %dma_wait3A_118 : memref<1x128xi32, #tpu.memory_space<vmem>> -> memref<128xi32, #tpu.memory_space<vmem>>
      %dma_wait3A_120 = tpu.memref_slice %arg3[%add3A_9] : memref<16384xi32, #tpu.memory_space<hbm>> -> memref<128xi32, #tpu.memory_space<hbm>>
      tpu.wait_dma2 semaphore(%run_scoped3A_104 : memref<!tpu.dma_semaphore, #tpu.memory_space<semaphore_mem>>) src(%dma_wait3A_120 : memref<128xi32, #tpu.memory_space<hbm>>) dst(%dma_wait3A_119 : memref<128xi32, #tpu.memory_space<vmem>>)
      tpu.yield
    }) : () -> ()
    %add3A_11 = arith.constant 384 : i32
    %add3A_12 = arith.addi %mul3A_2, %add3A_11 : i32
    %run_scoped3A_13 = arith.constant 3 : i32
    "tpu.region"() ({
      %run_scoped3A_104 = tpu.sem_alloc : memref<!tpu.dma_semaphore, #tpu.memory_space<semaphore_mem>>
      %dma_start3A_105 = arith.constant 0 : i32
      %dma_start3A_106 = tpu.memref_slice %arg7[%run_scoped3A_13, %dma_start3A_105] : memref<4x128xi32, #tpu.memory_space<vmem>> -> memref<1x128xi32, #tpu.memory_space<vmem>>
      %dma_start3A_107 = tpu.memref_squeeze %dma_start3A_106 : memref<1x128xi32, #tpu.memory_space<vmem>> -> memref<128xi32, #tpu.memory_space<vmem>>
      %dma_start3A_108 = tpu.memref_slice %arg3[%add3A_12] : memref<16384xi32, #tpu.memory_space<hbm>> -> memref<128xi32, #tpu.memory_space<hbm>>
      %dma_start3A_109 = arith.constant 0 : i32
      %dma_start3A_110 = tpu.memref_slice %arg7[%run_scoped3A_13, %dma_start3A_109] : memref<4x128xi32, #tpu.memory_space<vmem>> -> memref<1x128xi32, #tpu.memory_space<vmem>>
      %dma_start3A_111 = tpu.memref_squeeze %dma_start3A_110 : memref<1x128xi32, #tpu.memory_space<vmem>> -> memref<128xi32, #tpu.memory_space<vmem>>
      %dma_start3A_112 = tpu.memref_slice %arg3[%add3A_12] : memref<16384xi32, #tpu.memory_space<hbm>> -> memref<128xi32, #tpu.memory_space<hbm>>
      tpu.enqueue_dma source(%dma_start3A_112 : memref<128xi32, #tpu.memory_space<hbm>>) target(%dma_start3A_111 : memref<128xi32, #tpu.memory_space<vmem>>) target_semaphore(%run_scoped3A_104 : memref<!tpu.dma_semaphore, #tpu.memory_space<semaphore_mem>>)
      %dma_wait3A_113 = arith.constant 0 : i32
      %dma_wait3A_114 = tpu.memref_slice %arg7[%run_scoped3A_13, %dma_wait3A_113] : memref<4x128xi32, #tpu.memory_space<vmem>> -> memref<1x128xi32, #tpu.memory_space<vmem>>
      %dma_wait3A_115 = tpu.memref_squeeze %dma_wait3A_114 : memref<1x128xi32, #tpu.memory_space<vmem>> -> memref<128xi32, #tpu.memory_space<vmem>>
      %dma_wait3A_116 = tpu.memref_slice %arg3[%add3A_12] : memref<16384xi32, #tpu.memory_space<hbm>> -> memref<128xi32, #tpu.memory_space<hbm>>
      %dma_wait3A_117 = arith.constant 0 : i32
      %dma_wait3A_118 = tpu.memref_slice %arg7[%run_scoped3A_13, %dma_wait3A_117] : memref<4x128xi32, #tpu.memory_space<vmem>> -> memref<1x128xi32, #tpu.memory_space<vmem>>
      %dma_wait3A_119 = tpu.memref_squeeze %dma_wait3A_118 : memref<1x128xi32, #tpu.memory_space<vmem>> -> memref<128xi32, #tpu.memory_space<vmem>>
      %dma_wait3A_120 = tpu.memref_slice %arg3[%add3A_12] : memref<16384xi32, #tpu.memory_space<hbm>> -> memref<128xi32, #tpu.memory_space<hbm>>
      tpu.wait_dma2 semaphore(%run_scoped3A_104 : memref<!tpu.dma_semaphore, #tpu.memory_space<semaphore_mem>>) src(%dma_wait3A_120 : memref<128xi32, #tpu.memory_space<hbm>>) dst(%dma_wait3A_119 : memref<128xi32, #tpu.memory_space<vmem>>)
      tpu.yield
    }) : () -> ()
    %dma_start3A = arith.constant 0 : i32
    %dma_start3A_14 = arith.constant 0 : i32
    %dma_start3A_15 = arith.constant 0 : i32
    %dma_start3A_16 = tpu.memref_slice %arg8[%dma_start3A_14, %dma_start3A_15] : memref<512x64xf32, #tpu.memory_space<vmem>> -> memref<128x64xf32, #tpu.memory_space<vmem>>
    %dma_start3A_17 = arith.constant 0 : i32
    %dma_start3A_18 = tpu.memref_slice %arg7[%dma_start3A, %dma_start3A_17] : memref<4x128xi32, #tpu.memory_space<vmem>> -> memref<1x128xi32, #tpu.memory_space<vmem>>
    %dma_start3A_19 = tpu.memref_squeeze %dma_start3A_18 : memref<1x128xi32, #tpu.memory_space<vmem>> -> memref<128xi32, #tpu.memory_space<vmem>>
    %dma_start3A_20 = arith.constant 0 : i32
    %dma_start3A_21 = arith.constant 0 : i32
    %dma_start3A_22 = tpu.memref_slice %arg2[%dma_start3A_20, %dma_start3A_21] : memref<100000x64xf32, #tpu.memory_space<hbm>> -> memref<100000x64xf32, #tpu.memory_space<hbm>>
    tpu.enqueue_indirect_dma source(%dma_start3A_22 : memref<100000x64xf32, #tpu.memory_space<hbm>>) target(%dma_start3A_16 : memref<128x64xf32, #tpu.memory_space<vmem>>) offsets(%dma_start3A_19 : memref<128xi32, #tpu.memory_space<vmem>>) semaphore(%arg12 : memref<!tpu.dma_semaphore, #tpu.memory_space<semaphore_mem>>)
    %dma_start3A_23 = arith.constant 1 : i32
    %dma_start3A_24 = arith.constant 128 : i32
    %dma_start3A_25 = arith.constant 0 : i32
    %dma_start3A_26 = tpu.memref_slice %arg8[%dma_start3A_24, %dma_start3A_25] : memref<512x64xf32, #tpu.memory_space<vmem>> -> memref<128x64xf32, #tpu.memory_space<vmem>>
    %dma_start3A_27 = arith.constant 0 : i32
    %dma_start3A_28 = tpu.memref_slice %arg7[%dma_start3A_23, %dma_start3A_27] : memref<4x128xi32, #tpu.memory_space<vmem>> -> memref<1x128xi32, #tpu.memory_space<vmem>>
    %dma_start3A_29 = tpu.memref_squeeze %dma_start3A_28 : memref<1x128xi32, #tpu.memory_space<vmem>> -> memref<128xi32, #tpu.memory_space<vmem>>
    %dma_start3A_30 = arith.constant 0 : i32
    %dma_start3A_31 = arith.constant 0 : i32
    %dma_start3A_32 = tpu.memref_slice %arg2[%dma_start3A_30, %dma_start3A_31] : memref<100000x64xf32, #tpu.memory_space<hbm>> -> memref<100000x64xf32, #tpu.memory_space<hbm>>
    tpu.enqueue_indirect_dma source(%dma_start3A_32 : memref<100000x64xf32, #tpu.memory_space<hbm>>) target(%dma_start3A_26 : memref<128x64xf32, #tpu.memory_space<vmem>>) offsets(%dma_start3A_29 : memref<128xi32, #tpu.memory_space<vmem>>) semaphore(%arg12 : memref<!tpu.dma_semaphore, #tpu.memory_space<semaphore_mem>>)
    %dma_start3A_33 = arith.constant 2 : i32
    %dma_start3A_34 = arith.constant 256 : i32
    %dma_start3A_35 = arith.constant 0 : i32
    %dma_start3A_36 = tpu.memref_slice %arg8[%dma_start3A_34, %dma_start3A_35] : memref<512x64xf32, #tpu.memory_space<vmem>> -> memref<128x64xf32, #tpu.memory_space<vmem>>
    %dma_start3A_37 = arith.constant 0 : i32
    %dma_start3A_38 = tpu.memref_slice %arg7[%dma_start3A_33, %dma_start3A_37] : memref<4x128xi32, #tpu.memory_space<vmem>> -> memref<1x128xi32, #tpu.memory_space<vmem>>
    %dma_start3A_39 = tpu.memref_squeeze %dma_start3A_38 : memref<1x128xi32, #tpu.memory_space<vmem>> -> memref<128xi32, #tpu.memory_space<vmem>>
    %dma_start3A_40 = arith.constant 0 : i32
    %dma_start3A_41 = arith.constant 0 : i32
    %dma_start3A_42 = tpu.memref_slice %arg2[%dma_start3A_40, %dma_start3A_41] : memref<100000x64xf32, #tpu.memory_space<hbm>> -> memref<100000x64xf32, #tpu.memory_space<hbm>>
    tpu.enqueue_indirect_dma source(%dma_start3A_42 : memref<100000x64xf32, #tpu.memory_space<hbm>>) target(%dma_start3A_36 : memref<128x64xf32, #tpu.memory_space<vmem>>) offsets(%dma_start3A_39 : memref<128xi32, #tpu.memory_space<vmem>>) semaphore(%arg12 : memref<!tpu.dma_semaphore, #tpu.memory_space<semaphore_mem>>)
    %dma_start3A_43 = arith.constant 3 : i32
    %dma_start3A_44 = arith.constant 384 : i32
    %dma_start3A_45 = arith.constant 0 : i32
    %dma_start3A_46 = tpu.memref_slice %arg8[%dma_start3A_44, %dma_start3A_45] : memref<512x64xf32, #tpu.memory_space<vmem>> -> memref<128x64xf32, #tpu.memory_space<vmem>>
    %dma_start3A_47 = arith.constant 0 : i32
    %dma_start3A_48 = tpu.memref_slice %arg7[%dma_start3A_43, %dma_start3A_47] : memref<4x128xi32, #tpu.memory_space<vmem>> -> memref<1x128xi32, #tpu.memory_space<vmem>>
    %dma_start3A_49 = tpu.memref_squeeze %dma_start3A_48 : memref<1x128xi32, #tpu.memory_space<vmem>> -> memref<128xi32, #tpu.memory_space<vmem>>
    %dma_start3A_50 = arith.constant 0 : i32
    %dma_start3A_51 = arith.constant 0 : i32
    %dma_start3A_52 = tpu.memref_slice %arg2[%dma_start3A_50, %dma_start3A_51] : memref<100000x64xf32, #tpu.memory_space<hbm>> -> memref<100000x64xf32, #tpu.memory_space<hbm>>
    tpu.enqueue_indirect_dma source(%dma_start3A_52 : memref<100000x64xf32, #tpu.memory_space<hbm>>) target(%dma_start3A_46 : memref<128x64xf32, #tpu.memory_space<vmem>>) offsets(%dma_start3A_49 : memref<128xi32, #tpu.memory_space<vmem>>) semaphore(%arg12 : memref<!tpu.dma_semaphore, #tpu.memory_space<semaphore_mem>>)
    %dma_wait3A = arith.constant 0 : i32
    %dma_wait3A_53 = arith.constant 0 : i32
    %dma_wait3A_54 = arith.constant 0 : i32
    %dma_wait3A_55 = tpu.memref_slice %arg8[%dma_wait3A_53, %dma_wait3A_54] : memref<512x64xf32, #tpu.memory_space<vmem>> -> memref<128x64xf32, #tpu.memory_space<vmem>>
    %dma_wait3A_56 = arith.constant 0 : i32
    %dma_wait3A_57 = tpu.memref_slice %arg7[%dma_wait3A, %dma_wait3A_56] : memref<4x128xi32, #tpu.memory_space<vmem>> -> memref<1x128xi32, #tpu.memory_space<vmem>>
    %dma_wait3A_58 = tpu.memref_squeeze %dma_wait3A_57 : memref<1x128xi32, #tpu.memory_space<vmem>> -> memref<128xi32, #tpu.memory_space<vmem>>
    %dma_wait3A_59 = arith.constant 0 : i32
    %dma_wait3A_60 = arith.constant 0 : i32
    %dma_wait3A_61 = tpu.memref_slice %arg2[%dma_wait3A_59, %dma_wait3A_60] : memref<100000x64xf32, #tpu.memory_space<hbm>> -> memref<100000x64xf32, #tpu.memory_space<hbm>>
    tpu.wait_indirect_dma semaphore(%arg12 : memref<!tpu.dma_semaphore, #tpu.memory_space<semaphore_mem>>) src(%dma_wait3A_61 : memref<100000x64xf32, #tpu.memory_space<hbm>>) dst(%dma_wait3A_55 : memref<128x64xf32, #tpu.memory_space<vmem>>)
    %dma_wait3A_62 = arith.constant 1 : i32
    %dma_wait3A_63 = arith.constant 128 : i32
    %dma_wait3A_64 = arith.constant 0 : i32
    %dma_wait3A_65 = tpu.memref_slice %arg8[%dma_wait3A_63, %dma_wait3A_64] : memref<512x64xf32, #tpu.memory_space<vmem>> -> memref<128x64xf32, #tpu.memory_space<vmem>>
    %dma_wait3A_66 = arith.constant 0 : i32
    %dma_wait3A_67 = tpu.memref_slice %arg7[%dma_wait3A_62, %dma_wait3A_66] : memref<4x128xi32, #tpu.memory_space<vmem>> -> memref<1x128xi32, #tpu.memory_space<vmem>>
    %dma_wait3A_68 = tpu.memref_squeeze %dma_wait3A_67 : memref<1x128xi32, #tpu.memory_space<vmem>> -> memref<128xi32, #tpu.memory_space<vmem>>
    %dma_wait3A_69 = arith.constant 0 : i32
    %dma_wait3A_70 = arith.constant 0 : i32
    %dma_wait3A_71 = tpu.memref_slice %arg2[%dma_wait3A_69, %dma_wait3A_70] : memref<100000x64xf32, #tpu.memory_space<hbm>> -> memref<100000x64xf32, #tpu.memory_space<hbm>>
    tpu.wait_indirect_dma semaphore(%arg12 : memref<!tpu.dma_semaphore, #tpu.memory_space<semaphore_mem>>) src(%dma_wait3A_71 : memref<100000x64xf32, #tpu.memory_space<hbm>>) dst(%dma_wait3A_65 : memref<128x64xf32, #tpu.memory_space<vmem>>)
    %dma_wait3A_72 = arith.constant 2 : i32
    %dma_wait3A_73 = arith.constant 256 : i32
    %dma_wait3A_74 = arith.constant 0 : i32
    %dma_wait3A_75 = tpu.memref_slice %arg8[%dma_wait3A_73, %dma_wait3A_74] : memref<512x64xf32, #tpu.memory_space<vmem>> -> memref<128x64xf32, #tpu.memory_space<vmem>>
    %dma_wait3A_76 = arith.constant 0 : i32
    %dma_wait3A_77 = tpu.memref_slice %arg7[%dma_wait3A_72, %dma_wait3A_76] : memref<4x128xi32, #tpu.memory_space<vmem>> -> memref<1x128xi32, #tpu.memory_space<vmem>>
    %dma_wait3A_78 = tpu.memref_squeeze %dma_wait3A_77 : memref<1x128xi32, #tpu.memory_space<vmem>> -> memref<128xi32, #tpu.memory_space<vmem>>
    %dma_wait3A_79 = arith.constant 0 : i32
    %dma_wait3A_80 = arith.constant 0 : i32
    %dma_wait3A_81 = tpu.memref_slice %arg2[%dma_wait3A_79, %dma_wait3A_80] : memref<100000x64xf32, #tpu.memory_space<hbm>> -> memref<100000x64xf32, #tpu.memory_space<hbm>>
    tpu.wait_indirect_dma semaphore(%arg12 : memref<!tpu.dma_semaphore, #tpu.memory_space<semaphore_mem>>) src(%dma_wait3A_81 : memref<100000x64xf32, #tpu.memory_space<hbm>>) dst(%dma_wait3A_75 : memref<128x64xf32, #tpu.memory_space<vmem>>)
    %dma_wait3A_82 = arith.constant 3 : i32
    %dma_wait3A_83 = arith.constant 384 : i32
    %dma_wait3A_84 = arith.constant 0 : i32
    %dma_wait3A_85 = tpu.memref_slice %arg8[%dma_wait3A_83, %dma_wait3A_84] : memref<512x64xf32, #tpu.memory_space<vmem>> -> memref<128x64xf32, #tpu.memory_space<vmem>>
    %dma_wait3A_86 = arith.constant 0 : i32
    %dma_wait3A_87 = tpu.memref_slice %arg7[%dma_wait3A_82, %dma_wait3A_86] : memref<4x128xi32, #tpu.memory_space<vmem>> -> memref<1x128xi32, #tpu.memory_space<vmem>>
    %dma_wait3A_88 = tpu.memref_squeeze %dma_wait3A_87 : memref<1x128xi32, #tpu.memory_space<vmem>> -> memref<128xi32, #tpu.memory_space<vmem>>
    %dma_wait3A_89 = arith.constant 0 : i32
    %dma_wait3A_90 = arith.constant 0 : i32
    %dma_wait3A_91 = tpu.memref_slice %arg2[%dma_wait3A_89, %dma_wait3A_90] : memref<100000x64xf32, #tpu.memory_space<hbm>> -> memref<100000x64xf32, #tpu.memory_space<hbm>>
    tpu.wait_indirect_dma semaphore(%arg12 : memref<!tpu.dma_semaphore, #tpu.memory_space<semaphore_mem>>) src(%dma_wait3A_91 : memref<100000x64xf32, #tpu.memory_space<hbm>>) dst(%dma_wait3A_85 : memref<128x64xf32, #tpu.memory_space<vmem>>)
    "tpu.region"() ({
      %run_scoped3A_104 = tpu.sem_alloc : memref<!tpu.dma_semaphore, #tpu.memory_space<semaphore_mem>>
      %dma_start3A_105 = tpu.memref_slice %arg5[%mul3A_2] : memref<16384xf32, #tpu.memory_space<hbm>> -> memref<512xf32, #tpu.memory_space<hbm>>
      %dma_start3A_106 = tpu.memref_slice %arg5[%mul3A_2] : memref<16384xf32, #tpu.memory_space<hbm>> -> memref<512xf32, #tpu.memory_space<hbm>>
      tpu.enqueue_dma source(%dma_start3A_106 : memref<512xf32, #tpu.memory_space<hbm>>) target(%arg10 : memref<512xf32, #tpu.memory_space<vmem>>) target_semaphore(%run_scoped3A_104 : memref<!tpu.dma_semaphore, #tpu.memory_space<semaphore_mem>>)
      %dma_wait3A_107 = tpu.memref_slice %arg5[%mul3A_2] : memref<16384xf32, #tpu.memory_space<hbm>> -> memref<512xf32, #tpu.memory_space<hbm>>
      %dma_wait3A_108 = tpu.memref_slice %arg5[%mul3A_2] : memref<16384xf32, #tpu.memory_space<hbm>> -> memref<512xf32, #tpu.memory_space<hbm>>
      tpu.wait_dma2 semaphore(%run_scoped3A_104 : memref<!tpu.dma_semaphore, #tpu.memory_space<semaphore_mem>>) src(%dma_wait3A_108 : memref<512xf32, #tpu.memory_space<hbm>>) dst(%arg10 : memref<512xf32, #tpu.memory_space<vmem>>)
      tpu.yield
    }) : () -> ()
    %get3A = arith.constant 0 : index
    %get3A_92 = tpu.vector_load %arg9[%get3A] {strides = array<i32>} : memref<64xf32, #tpu.memory_space<vmem>>, vector<16xf32>,
    %get3A_93 = arith.constant 16 : index
    %get3A_94 = tpu.vector_load %arg9[%get3A_93] {strides = array<i32>} : memref<64xf32, #tpu.memory_space<vmem>>, vector<16xf32>,
    %get3A_95 = arith.constant 32 : index
    %get3A_96 = tpu.vector_load %arg9[%get3A_95] {strides = array<i32>} : memref<64xf32, #tpu.memory_space<vmem>>, vector<16xf32>,
    %get3A_97 = arith.constant 48 : index
    %get3A_98 = tpu.vector_load %arg9[%get3A_97] {strides = array<i32>} : memref<64xf32, #tpu.memory_space<vmem>>, vector<16xf32>,
    %iota3A = tpu.iota {dimensions = array<i32: 0>} : vector<16xi32>
    %scan3A = arith.constant 0 : i32
    %scan3A_99 = arith.constant 0 : i32
    %scan3A_100 = arith.constant 32 : i32
    %scan3A_101 = arith.addi %scan3A_99, %scan3A_100 : i32
    %scan3A_102 = arith.constant 1 : i32
    scf.for %scan3A_104 = %scan3A_99 to %scan3A_101 step %scan3A_102  : i32 {
      %mul3A_105 = arith.constant 16 : i32
      %mul3A_106 = arith.muli %scan3A_104, %mul3A_105 : i32
      %get3A_107 = arith.index_cast %mul3A_106 : i32 to index
      %get3A_108 = tpu.vector_load %arg10[%get3A_107] {strides = array<i32>} : memref<512xf32, #tpu.memory_space<vmem>>, vector<16xf32>,
      %mul3A_109 = arith.constant 16 : i32
      %mul3A_110 = arith.muli %scan3A_104, %mul3A_109 : i32
      %add3A_111 = arith.constant 0 : i32
      %add3A_112 = arith.addi %mul3A_110, %add3A_111 : i32
      %get3A_113 = arith.index_cast %add3A_112 : i32 to index
      %get3A_114 = arith.constant 0 : index
      %get3A_115 = tpu.vector_load %arg8[%get3A_113, %get3A_114] {strides = array<i32>} : memref<512x64xf32, #tpu.memory_space<vmem>>, vector<16xf32>,
      %mul3A_116 = arith.mulf %get3A_115, %get3A_92 : vector<16xf32>
      %get3A_117 = arith.index_cast %add3A_112 : i32 to index
      %get3A_118 = arith.constant 16 : index
      %get3A_119 = tpu.vector_load %arg8[%get3A_117, %get3A_118] {strides = array<i32>} : memref<512x64xf32, #tpu.memory_space<vmem>>, vector<16xf32>,
      %mul3A_120 = arith.mulf %get3A_119, %get3A_94 : vector<16xf32>
      %add3A_121 = arith.addf %mul3A_116, %mul3A_120 : vector<16xf32>
      %get3A_122 = arith.index_cast %add3A_112 : i32 to index
      %get3A_123 = arith.constant 32 : index
      %get3A_124 = tpu.vector_load %arg8[%get3A_122, %get3A_123] {strides = array<i32>} : memref<512x64xf32, #tpu.memory_space<vmem>>, vector<16xf32>,
      %mul3A_125 = arith.mulf %get3A_124, %get3A_96 : vector<16xf32>
      %add3A_126 = arith.addf %add3A_121, %mul3A_125 : vector<16xf32>
      %get3A_127 = arith.index_cast %add3A_112 : i32 to index
      %get3A_128 = arith.constant 48 : index
      %get3A_129 = tpu.vector_load %arg8[%get3A_127, %get3A_128] {strides = array<i32>} : memref<512x64xf32, #tpu.memory_space<vmem>>, vector<16xf32>,
      %mul3A_130 = arith.mulf %get3A_129, %get3A_98 : vector<16xf32>
      %add3A_131 = arith.addf %add3A_126, %mul3A_130 : vector<16xf32>
      %reduce_sum3A = arith.constant true
      %reduce_sum3A_132 = vector.broadcast %reduce_sum3A : i1 to vector<16xi1>
      %reduce_sum3A_133 = tpu.scan <sum>, %add3A_131 masked %reduce_sum3A_132 : vector<16xf32>, vector<16xi1> -> vector<16xf32>
      %reduce_sum3A_134 = vector.extract %reduce_sum3A_133[15] : f32 from vector<16xf32>
      %eq3A = arith.constant 0 : i32
      %eq3A_135 = vector.broadcast %eq3A : i32 to vector<16xi32>
      %eq3A_136 = arith.cmpi eq, %iota3A, %eq3A_135 : vector<16xi32>
      %add3A_137 = vector.broadcast %reduce_sum3A_134 : f32 to vector<16xf32>
      %add3A_138 = arith.addf %get3A_108, %add3A_137 : vector<16xf32>
      %select_n3A = arith.select %eq3A_136, %add3A_138, %get3A_108 : vector<16xi1>, vector<16xf32>
      %mul3A_139 = arith.constant 16 : i32
      %mul3A_140 = arith.muli %scan3A_104, %mul3A_139 : i32
      %add3A_141 = arith.constant 1 : i32
      %add3A_142 = arith.addi %mul3A_140, %add3A_141 : i32
      %get3A_143 = arith.index_cast %add3A_142 : i32 to index
      %get3A_144 = arith.constant 0 : index
      %get3A_145 = tpu.vector_load %arg8[%get3A_143, %get3A_144] {strides = array<i32>} : memref<512x64xf32, #tpu.memory_space<vmem>>, vector<16xf32>,
      %mul3A_146 = arith.mulf %get3A_145, %get3A_92 : vector<16xf32>
      %get3A_147 = arith.index_cast %add3A_142 : i32 to index
      %get3A_148 = arith.constant 16 : index
      %get3A_149 = tpu.vector_load %arg8[%get3A_147, %get3A_148] {strides = array<i32>} : memref<512x64xf32, #tpu.memory_space<vmem>>, vector<16xf32>,
      %mul3A_150 = arith.mulf %get3A_149, %get3A_94 : vector<16xf32>
      %add3A_151 = arith.addf %mul3A_146, %mul3A_150 : vector<16xf32>
      %get3A_152 = arith.index_cast %add3A_142 : i32 to index
      %get3A_153 = arith.constant 32 : index
      %get3A_154 = tpu.vector_load %arg8[%get3A_152, %get3A_153] {strides = array<i32>} : memref<512x64xf32, #tpu.memory_space<vmem>>, vector<16xf32>,
      %mul3A_155 = arith.mulf %get3A_154, %get3A_96 : vector<16xf32>
      %add3A_156 = arith.addf %add3A_151, %mul3A_155 : vector<16xf32>
      %get3A_157 = arith.index_cast %add3A_142 : i32 to index
      %get3A_158 = arith.constant 48 : index
      %get3A_159 = tpu.vector_load %arg8[%get3A_157, %get3A_158] {strides = array<i32>} : memref<512x64xf32, #tpu.memory_space<vmem>>, vector<16xf32>,
      %mul3A_160 = arith.mulf %get3A_159, %get3A_98 : vector<16xf32>
      %add3A_161 = arith.addf %add3A_156, %mul3A_160 : vector<16xf32>
      %reduce_sum3A_162 = arith.constant true
      %reduce_sum3A_163 = vector.broadcast %reduce_sum3A_162 : i1 to vector<16xi1>
      %reduce_sum3A_164 = tpu.scan <sum>, %add3A_161 masked %reduce_sum3A_163 : vector<16xf32>, vector<16xi1> -> vector<16xf32>
      %reduce_sum3A_165 = vector.extract %reduce_sum3A_164[15] : f32 from vector<16xf32>
      %eq3A_166 = arith.constant 1 : i32
      %eq3A_167 = vector.broadcast %eq3A_166 : i32 to vector<16xi32>
      %eq3A_168 = arith.cmpi eq, %iota3A, %eq3A_167 : vector<16xi32>
      %add3A_169 = vector.broadcast %reduce_sum3A_165 : f32 to vector<16xf32>
      %add3A_170 = arith.addf %select_n3A, %add3A_169 : vector<16xf32>
      %select_n3A_171 = arith.select %eq3A_168, %add3A_170, %select_n3A : vector<16xi1>, vector<16xf32>
      %mul3A_172 = arith.constant 16 : i32
      %mul3A_173 = arith.muli %scan3A_104, %mul3A_172 : i32
      %add3A_174 = arith.constant 2 : i32
      %add3A_175 = arith.addi %mul3A_173, %add3A_174 : i32
      %get3A_176 = arith.index_cast %add3A_175 : i32 to index
      %get3A_177 = arith.constant 0 : index
      %get3A_178 = tpu.vector_load %arg8[%get3A_176, %get3A_177] {strides = array<i32>} : memref<512x64xf32, #tpu.memory_space<vmem>>, vector<16xf32>,
      %mul3A_179 = arith.mulf %get3A_178, %get3A_92 : vector<16xf32>
      %get3A_180 = arith.index_cast %add3A_175 : i32 to index
      %get3A_181 = arith.constant 16 : index
      %get3A_182 = tpu.vector_load %arg8[%get3A_180, %get3A_181] {strides = array<i32>} : memref<512x64xf32, #tpu.memory_space<vmem>>, vector<16xf32>,
      %mul3A_183 = arith.mulf %get3A_182, %get3A_94 : vector<16xf32>
      %add3A_184 = arith.addf %mul3A_179, %mul3A_183 : vector<16xf32>
      %get3A_185 = arith.index_cast %add3A_175 : i32 to index
      %get3A_186 = arith.constant 32 : index
      %get3A_187 = tpu.vector_load %arg8[%get3A_185, %get3A_186] {strides = array<i32>} : memref<512x64xf32, #tpu.memory_space<vmem>>, vector<16xf32>,
      %mul3A_188 = arith.mulf %get3A_187, %get3A_96 : vector<16xf32>
      %add3A_189 = arith.addf %add3A_184, %mul3A_188 : vector<16xf32>
      %get3A_190 = arith.index_cast %add3A_175 : i32 to index
      %get3A_191 = arith.constant 48 : index
      %get3A_192 = tpu.vector_load %arg8[%get3A_190, %get3A_191] {strides = array<i32>} : memref<512x64xf32, #tpu.memory_space<vmem>>, vector<16xf32>,
      %mul3A_193 = arith.mulf %get3A_192, %get3A_98 : vector<16xf32>
      %add3A_194 = arith.addf %add3A_189, %mul3A_193 : vector<16xf32>
      %reduce_sum3A_195 = arith.constant true
      %reduce_sum3A_196 = vector.broadcast %reduce_sum3A_195 : i1 to vector<16xi1>
      %reduce_sum3A_197 = tpu.scan <sum>, %add3A_194 masked %reduce_sum3A_196 : vector<16xf32>, vector<16xi1> -> vector<16xf32>
      %reduce_sum3A_198 = vector.extract %reduce_sum3A_197[15] : f32 from vector<16xf32>
      %eq3A_199 = arith.constant 2 : i32
      %eq3A_200 = vector.broadcast %eq3A_199 : i32 to vector<16xi32>
      %eq3A_201 = arith.cmpi eq, %iota3A, %eq3A_200 : vector<16xi32>
      %add3A_202 = vector.broadcast %reduce_sum3A_198 : f32 to vector<16xf32>
      %add3A_203 = arith.addf %select_n3A_171, %add3A_202 : vector<16xf32>
      %select_n3A_204 = arith.select %eq3A_201, %add3A_203, %select_n3A_171 : vector<16xi1>, vector<16xf32>
      %mul3A_205 = arith.constant 16 : i32
      %mul3A_206 = arith.muli %scan3A_104, %mul3A_205 : i32
      %add3A_207 = arith.constant 3 : i32
      %add3A_208 = arith.addi %mul3A_206, %add3A_207 : i32
      %get3A_209 = arith.index_cast %add3A_208 : i32 to index
      %get3A_210 = arith.constant 0 : index
      %get3A_211 = tpu.vector_load %arg8[%get3A_209, %get3A_210] {strides = array<i32>} : memref<512x64xf32, #tpu.memory_space<vmem>>, vector<16xf32>,
      %mul3A_212 = arith.mulf %get3A_211, %get3A_92 : vector<16xf32>
      %get3A_213 = arith.index_cast %add3A_208 : i32 to index
      %get3A_214 = arith.constant 16 : index
      %get3A_215 = tpu.vector_load %arg8[%get3A_213, %get3A_214] {strides = array<i32>} : memref<512x64xf32, #tpu.memory_space<vmem>>, vector<16xf32>,
      %mul3A_216 = arith.mulf %get3A_215, %get3A_94 : vector<16xf32>
      %add3A_217 = arith.addf %mul3A_212, %mul3A_216 : vector<16xf32>
      %get3A_218 = arith.index_cast %add3A_208 : i32 to index
      %get3A_219 = arith.constant 32 : index
      %get3A_220 = tpu.vector_load %arg8[%get3A_218, %get3A_219] {strides = array<i32>} : memref<512x64xf32, #tpu.memory_space<vmem>>, vector<16xf32>,
      %mul3A_221 = arith.mulf %get3A_220, %get3A_96 : vector<16xf32>
      %add3A_222 = arith.addf %add3A_217, %mul3A_221 : vector<16xf32>
      %get3A_223 = arith.index_cast %add3A_208 : i32 to index
      %get3A_224 = arith.constant 48 : index
      %get3A_225 = tpu.vector_load %arg8[%get3A_223, %get3A_224] {strides = array<i32>} : memref<512x64xf32, #tpu.memory_space<vmem>>, vector<16xf32>,
      %mul3A_226 = arith.mulf %get3A_225, %get3A_98 : vector<16xf32>
      %add3A_227 = arith.addf %add3A_222, %mul3A_226 : vector<16xf32>
      %reduce_sum3A_228 = arith.constant true
      %reduce_sum3A_229 = vector.broadcast %reduce_sum3A_228 : i1 to vector<16xi1>
      %reduce_sum3A_230 = tpu.scan <sum>, %add3A_227 masked %reduce_sum3A_229 : vector<16xf32>, vector<16xi1> -> vector<16xf32>
      %reduce_sum3A_231 = vector.extract %reduce_sum3A_230[15] : f32 from vector<16xf32>
      %eq3A_232 = arith.constant 3 : i32
      %eq3A_233 = vector.broadcast %eq3A_232 : i32 to vector<16xi32>
      %eq3A_234 = arith.cmpi eq, %iota3A, %eq3A_233 : vector<16xi32>
      %add3A_235 = vector.broadcast %reduce_sum3A_231 : f32 to vector<16xf32>
      %add3A_236 = arith.addf %select_n3A_204, %add3A_235 : vector<16xf32>
      %select_n3A_237 = arith.select %eq3A_234, %add3A_236, %select_n3A_204 : vector<16xi1>, vector<16xf32>
      %mul3A_238 = arith.constant 16 : i32
      %mul3A_239 = arith.muli %scan3A_104, %mul3A_238 : i32
      %add3A_240 = arith.constant 4 : i32
      %add3A_241 = arith.addi %mul3A_239, %add3A_240 : i32
      %get3A_242 = arith.index_cast %add3A_241 : i32 to index
      %get3A_243 = arith.constant 0 : index
      %get3A_244 = tpu.vector_load %arg8[%get3A_242, %get3A_243] {strides = array<i32>} : memref<512x64xf32, #tpu.memory_space<vmem>>, vector<16xf32>,
      %mul3A_245 = arith.mulf %get3A_244, %get3A_92 : vector<16xf32>
      %get3A_246 = arith.index_cast %add3A_241 : i32 to index
      %get3A_247 = arith.constant 16 : index
      %get3A_248 = tpu.vector_load %arg8[%get3A_246, %get3A_247] {strides = array<i32>} : memref<512x64xf32, #tpu.memory_space<vmem>>, vector<16xf32>,
      %mul3A_249 = arith.mulf %get3A_248, %get3A_94 : vector<16xf32>
      %add3A_250 = arith.addf %mul3A_245, %mul3A_249 : vector<16xf32>
      %get3A_251 = arith.index_cast %add3A_241 : i32 to index
      %get3A_252 = arith.constant 32 : index
      %get3A_253 = tpu.vector_load %arg8[%get3A_251, %get3A_252] {strides = array<i32>} : memref<512x64xf32, #tpu.memory_space<vmem>>, vector<16xf32>,
      %mul3A_254 = arith.mulf %get3A_253, %get3A_96 : vector<16xf32>
      %add3A_255 = arith.addf %add3A_250, %mul3A_254 : vector<16xf32>
      %get3A_256 = arith.index_cast %add3A_241 : i32 to index
      %get3A_257 = arith.constant 48 : index
      %get3A_258 = tpu.vector_load %arg8[%get3A_256, %get3A_257] {strides = array<i32>} : memref<512x64xf32, #tpu.memory_space<vmem>>, vector<16xf32>,
      %mul3A_259 = arith.mulf %get3A_258, %get3A_98 : vector<16xf32>
      %add3A_260 = arith.addf %add3A_255, %mul3A_259 : vector<16xf32>
      %reduce_sum3A_261 = arith.constant true
      %reduce_sum3A_262 = vector.broadcast %reduce_sum3A_261 : i1 to vector<16xi1>
      %reduce_sum3A_263 = tpu.scan <sum>, %add3A_260 masked %reduce_sum3A_262 : vector<16xf32>, vector<16xi1> -> vector<16xf32>
      %reduce_sum3A_264 = vector.extract %reduce_sum3A_263[15] : f32 from vector<16xf32>
      %eq3A_265 = arith.constant 4 : i32
      %eq3A_266 = vector.broadcast %eq3A_265 : i32 to vector<16xi32>
      %eq3A_267 = arith.cmpi eq, %iota3A, %eq3A_266 : vector<16xi32>
      %add3A_268 = vector.broadcast %reduce_sum3A_264 : f32 to vector<16xf32>
      %add3A_269 = arith.addf %select_n3A_237, %add3A_268 : vector<16xf32>
      %select_n3A_270 = arith.select %eq3A_267, %add3A_269, %select_n3A_237 : vector<16xi1>, vector<16xf32>
      %mul3A_271 = arith.constant 16 : i32
      %mul3A_272 = arith.muli %scan3A_104, %mul3A_271 : i32
      %add3A_273 = arith.constant 5 : i32
      %add3A_274 = arith.addi %mul3A_272, %add3A_273 : i32
      %get3A_275 = arith.index_cast %add3A_274 : i32 to index
      %get3A_276 = arith.constant 0 : index
      %get3A_277 = tpu.vector_load %arg8[%get3A_275, %get3A_276] {strides = array<i32>} : memref<512x64xf32, #tpu.memory_space<vmem>>, vector<16xf32>,
      %mul3A_278 = arith.mulf %get3A_277, %get3A_92 : vector<16xf32>
      %get3A_279 = arith.index_cast %add3A_274 : i32 to index
      %get3A_280 = arith.constant 16 : index
      %get3A_281 = tpu.vector_load %arg8[%get3A_279, %get3A_280] {strides = array<i32>} : memref<512x64xf32, #tpu.memory_space<vmem>>, vector<16xf32>,
      %mul3A_282 = arith.mulf %get3A_281, %get3A_94 : vector<16xf32>
      %add3A_283 = arith.addf %mul3A_278, %mul3A_282 : vector<16xf32>
      %get3A_284 = arith.index_cast %add3A_274 : i32 to index
      %get3A_285 = arith.constant 32 : index
      %get3A_286 = tpu.vector_load %arg8[%get3A_284, %get3A_285] {strides = array<i32>} : memref<512x64xf32, #tpu.memory_space<vmem>>, vector<16xf32>,
      %mul3A_287 = arith.mulf %get3A_286, %get3A_96 : vector<16xf32>
      %add3A_288 = arith.addf %add3A_283, %mul3A_287 : vector<16xf32>
      %get3A_289 = arith.index_cast %add3A_274 : i32 to index
      %get3A_290 = arith.constant 48 : index
      %get3A_291 = tpu.vector_load %arg8[%get3A_289, %get3A_290] {strides = array<i32>} : memref<512x64xf32, #tpu.memory_space<vmem>>, vector<16xf32>,
      %mul3A_292 = arith.mulf %get3A_291, %get3A_98 : vector<16xf32>
      %add3A_293 = arith.addf %add3A_288, %mul3A_292 : vector<16xf32>
      %reduce_sum3A_294 = arith.constant true
      %reduce_sum3A_295 = vector.broadcast %reduce_sum3A_294 : i1 to vector<16xi1>
      %reduce_sum3A_296 = tpu.scan <sum>, %add3A_293 masked %reduce_sum3A_295 : vector<16xf32>, vector<16xi1> -> vector<16xf32>
      %reduce_sum3A_297 = vector.extract %reduce_sum3A_296[15] : f32 from vector<16xf32>
      %eq3A_298 = arith.constant 5 : i32
      %eq3A_299 = vector.broadcast %eq3A_298 : i32 to vector<16xi32>
      %eq3A_300 = arith.cmpi eq, %iota3A, %eq3A_299 : vector<16xi32>
      %add3A_301 = vector.broadcast %reduce_sum3A_297 : f32 to vector<16xf32>
      %add3A_302 = arith.addf %select_n3A_270, %add3A_301 : vector<16xf32>
      %select_n3A_303 = arith.select %eq3A_300, %add3A_302, %select_n3A_270 : vector<16xi1>, vector<16xf32>
      %mul3A_304 = arith.constant 16 : i32
      %mul3A_305 = arith.muli %scan3A_104, %mul3A_304 : i32
      %add3A_306 = arith.constant 6 : i32
      %add3A_307 = arith.addi %mul3A_305, %add3A_306 : i32
      %get3A_308 = arith.index_cast %add3A_307 : i32 to index
      %get3A_309 = arith.constant 0 : index
      %get3A_310 = tpu.vector_load %arg8[%get3A_308, %get3A_309] {strides = array<i32>} : memref<512x64xf32, #tpu.memory_space<vmem>>, vector<16xf32>,
      %mul3A_311 = arith.mulf %get3A_310, %get3A_92 : vector<16xf32>
      %get3A_312 = arith.index_cast %add3A_307 : i32 to index
      %get3A_313 = arith.constant 16 : index
      %get3A_314 = tpu.vector_load %arg8[%get3A_312, %get3A_313] {strides = array<i32>} : memref<512x64xf32, #tpu.memory_space<vmem>>, vector<16xf32>,
      %mul3A_315 = arith.mulf %get3A_314, %get3A_94 : vector<16xf32>
      %add3A_316 = arith.addf %mul3A_311, %mul3A_315 : vector<16xf32>
      %get3A_317 = arith.index_cast %add3A_307 : i32 to index
      %get3A_318 = arith.constant 32 : index
      %get3A_319 = tpu.vector_load %arg8[%get3A_317, %get3A_318] {strides = array<i32>} : memref<512x64xf32, #tpu.memory_space<vmem>>, vector<16xf32>,
      %mul3A_320 = arith.mulf %get3A_319, %get3A_96 : vector<16xf32>
      %add3A_321 = arith.addf %add3A_316, %mul3A_320 : vector<16xf32>
      %get3A_322 = arith.index_cast %add3A_307 : i32 to index
      %get3A_323 = arith.constant 48 : index
      %get3A_324 = tpu.vector_load %arg8[%get3A_322, %get3A_323] {strides = array<i32>} : memref<512x64xf32, #tpu.memory_space<vmem>>, vector<16xf32>,
      %mul3A_325 = arith.mulf %get3A_324, %get3A_98 : vector<16xf32>
      %add3A_326 = arith.addf %add3A_321, %mul3A_325 : vector<16xf32>
      %reduce_sum3A_327 = arith.constant true
      %reduce_sum3A_328 = vector.broadcast %reduce_sum3A_327 : i1 to vector<16xi1>
      %reduce_sum3A_329 = tpu.scan <sum>, %add3A_326 masked %reduce_sum3A_328 : vector<16xf32>, vector<16xi1> -> vector<16xf32>
      %reduce_sum3A_330 = vector.extract %reduce_sum3A_329[15] : f32 from vector<16xf32>
      %eq3A_331 = arith.constant 6 : i32
      %eq3A_332 = vector.broadcast %eq3A_331 : i32 to vector<16xi32>
      %eq3A_333 = arith.cmpi eq, %iota3A, %eq3A_332 : vector<16xi32>
      %add3A_334 = vector.broadcast %reduce_sum3A_330 : f32 to vector<16xf32>
      %add3A_335 = arith.addf %select_n3A_303, %add3A_334 : vector<16xf32>
      %select_n3A_336 = arith.select %eq3A_333, %add3A_335, %select_n3A_303 : vector<16xi1>, vector<16xf32>
      %mul3A_337 = arith.constant 16 : i32
      %mul3A_338 = arith.muli %scan3A_104, %mul3A_337 : i32
      %add3A_339 = arith.constant 7 : i32
      %add3A_340 = arith.addi %mul3A_338, %add3A_339 : i32
      %get3A_341 = arith.index_cast %add3A_340 : i32 to index
      %get3A_342 = arith.constant 0 : index
      %get3A_343 = tpu.vector_load %arg8[%get3A_341, %get3A_342] {strides = array<i32>} : memref<512x64xf32, #tpu.memory_space<vmem>>, vector<16xf32>,
      %mul3A_344 = arith.mulf %get3A_343, %get3A_92 : vector<16xf32>
      %get3A_345 = arith.index_cast %add3A_340 : i32 to index
      %get3A_346 = arith.constant 16 : index
      %get3A_347 = tpu.vector_load %arg8[%get3A_345, %get3A_346] {strides = array<i32>} : memref<512x64xf32, #tpu.memory_space<vmem>>, vector<16xf32>,
      %mul3A_348 = arith.mulf %get3A_347, %get3A_94 : vector<16xf32>
      %add3A_349 = arith.addf %mul3A_344, %mul3A_348 : vector<16xf32>
      %get3A_350 = arith.index_cast %add3A_340 : i32 to index
      %get3A_351 = arith.constant 32 : index
      %get3A_352 = tpu.vector_load %arg8[%get3A_350, %get3A_351] {strides = array<i32>} : memref<512x64xf32, #tpu.memory_space<vmem>>, vector<16xf32>,
      %mul3A_353 = arith.mulf %get3A_352, %get3A_96 : vector<16xf32>
      %add3A_354 = arith.addf %add3A_349, %mul3A_353 : vector<16xf32>
      %get3A_355 = arith.index_cast %add3A_340 : i32 to index
      %get3A_356 = arith.constant 48 : index
      %get3A_357 = tpu.vector_load %arg8[%get3A_355, %get3A_356] {strides = array<i32>} : memref<512x64xf32, #tpu.memory_space<vmem>>, vector<16xf32>,
      %mul3A_358 = arith.mulf %get3A_357, %get3A_98 : vector<16xf32>
      %add3A_359 = arith.addf %add3A_354, %mul3A_358 : vector<16xf32>
      %reduce_sum3A_360 = arith.constant true
      %reduce_sum3A_361 = vector.broadcast %reduce_sum3A_360 : i1 to vector<16xi1>
      %reduce_sum3A_362 = tpu.scan <sum>, %add3A_359 masked %reduce_sum3A_361 : vector<16xf32>, vector<16xi1> -> vector<16xf32>
      %reduce_sum3A_363 = vector.extract %reduce_sum3A_362[15] : f32 from vector<16xf32>
      %eq3A_364 = arith.constant 7 : i32
      %eq3A_365 = vector.broadcast %eq3A_364 : i32 to vector<16xi32>
      %eq3A_366 = arith.cmpi eq, %iota3A, %eq3A_365 : vector<16xi32>
      %add3A_367 = vector.broadcast %reduce_sum3A_363 : f32 to vector<16xf32>
      %add3A_368 = arith.addf %select_n3A_336, %add3A_367 : vector<16xf32>
      %select_n3A_369 = arith.select %eq3A_366, %add3A_368, %select_n3A_336 : vector<16xi1>, vector<16xf32>
      %mul3A_370 = arith.constant 16 : i32
      %mul3A_371 = arith.muli %scan3A_104, %mul3A_370 : i32
      %add3A_372 = arith.constant 8 : i32
      %add3A_373 = arith.addi %mul3A_371, %add3A_372 : i32
      %get3A_374 = arith.index_cast %add3A_373 : i32 to index
      %get3A_375 = arith.constant 0 : index
      %get3A_376 = tpu.vector_load %arg8[%get3A_374, %get3A_375] {strides = array<i32>} : memref<512x64xf32, #tpu.memory_space<vmem>>, vector<16xf32>,
      %mul3A_377 = arith.mulf %get3A_376, %get3A_92 : vector<16xf32>
      %get3A_378 = arith.index_cast %add3A_373 : i32 to index
      %get3A_379 = arith.constant 16 : index
      %get3A_380 = tpu.vector_load %arg8[%get3A_378, %get3A_379] {strides = array<i32>} : memref<512x64xf32, #tpu.memory_space<vmem>>, vector<16xf32>,
      %mul3A_381 = arith.mulf %get3A_380, %get3A_94 : vector<16xf32>
      %add3A_382 = arith.addf %mul3A_377, %mul3A_381 : vector<16xf32>
      %get3A_383 = arith.index_cast %add3A_373 : i32 to index
      %get3A_384 = arith.constant 32 : index
      %get3A_385 = tpu.vector_load %arg8[%get3A_383, %get3A_384] {strides = array<i32>} : memref<512x64xf32, #tpu.memory_space<vmem>>, vector<16xf32>,
      %mul3A_386 = arith.mulf %get3A_385, %get3A_96 : vector<16xf32>
      %add3A_387 = arith.addf %add3A_382, %mul3A_386 : vector<16xf32>
      %get3A_388 = arith.index_cast %add3A_373 : i32 to index
      %get3A_389 = arith.constant 48 : index
      %get3A_390 = tpu.vector_load %arg8[%get3A_388, %get3A_389] {strides = array<i32>} : memref<512x64xf32, #tpu.memory_space<vmem>>, vector<16xf32>,
      %mul3A_391 = arith.mulf %get3A_390, %get3A_98 : vector<16xf32>
      %add3A_392 = arith.addf %add3A_387, %mul3A_391 : vector<16xf32>
      %reduce_sum3A_393 = arith.constant true
      %reduce_sum3A_394 = vector.broadcast %reduce_sum3A_393 : i1 to vector<16xi1>
      %reduce_sum3A_395 = tpu.scan <sum>, %add3A_392 masked %reduce_sum3A_394 : vector<16xf32>, vector<16xi1> -> vector<16xf32>
      %reduce_sum3A_396 = vector.extract %reduce_sum3A_395[15] : f32 from vector<16xf32>
      %eq3A_397 = arith.constant 8 : i32
      %eq3A_398 = vector.broadcast %eq3A_397 : i32 to vector<16xi32>
      %eq3A_399 = arith.cmpi eq, %iota3A, %eq3A_398 : vector<16xi32>
      %add3A_400 = vector.broadcast %reduce_sum3A_396 : f32 to vector<16xf32>
      %add3A_401 = arith.addf %select_n3A_369, %add3A_400 : vector<16xf32>
      %select_n3A_402 = arith.select %eq3A_399, %add3A_401, %select_n3A_369 : vector<16xi1>, vector<16xf32>
      %mul3A_403 = arith.constant 16 : i32
      %mul3A_404 = arith.muli %scan3A_104, %mul3A_403 : i32
      %add3A_405 = arith.constant 9 : i32
      %add3A_406 = arith.addi %mul3A_404, %add3A_405 : i32
      %get3A_407 = arith.index_cast %add3A_406 : i32 to index
      %get3A_408 = arith.constant 0 : index
      %get3A_409 = tpu.vector_load %arg8[%get3A_407, %get3A_408] {strides = array<i32>} : memref<512x64xf32, #tpu.memory_space<vmem>>, vector<16xf32>,
      %mul3A_410 = arith.mulf %get3A_409, %get3A_92 : vector<16xf32>
      %get3A_411 = arith.index_cast %add3A_406 : i32 to index
      %get3A_412 = arith.constant 16 : index
      %get3A_413 = tpu.vector_load %arg8[%get3A_411, %get3A_412] {strides = array<i32>} : memref<512x64xf32, #tpu.memory_space<vmem>>, vector<16xf32>,
      %mul3A_414 = arith.mulf %get3A_413, %get3A_94 : vector<16xf32>
      %add3A_415 = arith.addf %mul3A_410, %mul3A_414 : vector<16xf32>
      %get3A_416 = arith.index_cast %add3A_406 : i32 to index
      %get3A_417 = arith.constant 32 : index
      %get3A_418 = tpu.vector_load %arg8[%get3A_416, %get3A_417] {strides = array<i32>} : memref<512x64xf32, #tpu.memory_space<vmem>>, vector<16xf32>,
      %mul3A_419 = arith.mulf %get3A_418, %get3A_96 : vector<16xf32>
      %add3A_420 = arith.addf %add3A_415, %mul3A_419 : vector<16xf32>
      %get3A_421 = arith.index_cast %add3A_406 : i32 to index
      %get3A_422 = arith.constant 48 : index
      %get3A_423 = tpu.vector_load %arg8[%get3A_421, %get3A_422] {strides = array<i32>} : memref<512x64xf32, #tpu.memory_space<vmem>>, vector<16xf32>,
      %mul3A_424 = arith.mulf %get3A_423, %get3A_98 : vector<16xf32>
      %add3A_425 = arith.addf %add3A_420, %mul3A_424 : vector<16xf32>
      %reduce_sum3A_426 = arith.constant true
      %reduce_sum3A_427 = vector.broadcast %reduce_sum3A_426 : i1 to vector<16xi1>
      %reduce_sum3A_428 = tpu.scan <sum>, %add3A_425 masked %reduce_sum3A_427 : vector<16xf32>, vector<16xi1> -> vector<16xf32>
      %reduce_sum3A_429 = vector.extract %reduce_sum3A_428[15] : f32 from vector<16xf32>
      %eq3A_430 = arith.constant 9 : i32
      %eq3A_431 = vector.broadcast %eq3A_430 : i32 to vector<16xi32>
      %eq3A_432 = arith.cmpi eq, %iota3A, %eq3A_431 : vector<16xi32>
      %add3A_433 = vector.broadcast %reduce_sum3A_429 : f32 to vector<16xf32>
      %add3A_434 = arith.addf %select_n3A_402, %add3A_433 : vector<16xf32>
      %select_n3A_435 = arith.select %eq3A_432, %add3A_434, %select_n3A_402 : vector<16xi1>, vector<16xf32>
      %mul3A_436 = arith.constant 16 : i32
      %mul3A_437 = arith.muli %scan3A_104, %mul3A_436 : i32
      %add3A_438 = arith.constant 10 : i32
      %add3A_439 = arith.addi %mul3A_437, %add3A_438 : i32
      %get3A_440 = arith.index_cast %add3A_439 : i32 to index
      %get3A_441 = arith.constant 0 : index
      %get3A_442 = tpu.vector_load %arg8[%get3A_440, %get3A_441] {strides = array<i32>} : memref<512x64xf32, #tpu.memory_space<vmem>>, vector<16xf32>,
      %mul3A_443 = arith.mulf %get3A_442, %get3A_92 : vector<16xf32>
      %get3A_444 = arith.index_cast %add3A_439 : i32 to index
      %get3A_445 = arith.constant 16 : index
      %get3A_446 = tpu.vector_load %arg8[%get3A_444, %get3A_445] {strides = array<i32>} : memref<512x64xf32, #tpu.memory_space<vmem>>, vector<16xf32>,
      %mul3A_447 = arith.mulf %get3A_446, %get3A_94 : vector<16xf32>
      %add3A_448 = arith.addf %mul3A_443, %mul3A_447 : vector<16xf32>
      %get3A_449 = arith.index_cast %add3A_439 : i32 to index
      %get3A_450 = arith.constant 32 : index
      %get3A_451 = tpu.vector_load %arg8[%get3A_449, %get3A_450] {strides = array<i32>} : memref<512x64xf32, #tpu.memory_space<vmem>>, vector<16xf32>,
      %mul3A_452 = arith.mulf %get3A_451, %get3A_96 : vector<16xf32>
      %add3A_453 = arith.addf %add3A_448, %mul3A_452 : vector<16xf32>
      %get3A_454 = arith.index_cast %add3A_439 : i32 to index
      %get3A_455 = arith.constant 48 : index
      %get3A_456 = tpu.vector_load %arg8[%get3A_454, %get3A_455] {strides = array<i32>} : memref<512x64xf32, #tpu.memory_space<vmem>>, vector<16xf32>,
      %mul3A_457 = arith.mulf %get3A_456, %get3A_98 : vector<16xf32>
      %add3A_458 = arith.addf %add3A_453, %mul3A_457 : vector<16xf32>
      %reduce_sum3A_459 = arith.constant true
      %reduce_sum3A_460 = vector.broadcast %reduce_sum3A_459 : i1 to vector<16xi1>
      %reduce_sum3A_461 = tpu.scan <sum>, %add3A_458 masked %reduce_sum3A_460 : vector<16xf32>, vector<16xi1> -> vector<16xf32>
      %reduce_sum3A_462 = vector.extract %reduce_sum3A_461[15] : f32 from vector<16xf32>
      %eq3A_463 = arith.constant 10 : i32
      %eq3A_464 = vector.broadcast %eq3A_463 : i32 to vector<16xi32>
      %eq3A_465 = arith.cmpi eq, %iota3A, %eq3A_464 : vector<16xi32>
      %add3A_466 = vector.broadcast %reduce_sum3A_462 : f32 to vector<16xf32>
      %add3A_467 = arith.addf %select_n3A_435, %add3A_466 : vector<16xf32>
      %select_n3A_468 = arith.select %eq3A_465, %add3A_467, %select_n3A_435 : vector<16xi1>, vector<16xf32>
      %mul3A_469 = arith.constant 16 : i32
      %mul3A_470 = arith.muli %scan3A_104, %mul3A_469 : i32
      %add3A_471 = arith.constant 11 : i32
      %add3A_472 = arith.addi %mul3A_470, %add3A_471 : i32
      %get3A_473 = arith.index_cast %add3A_472 : i32 to index
      %get3A_474 = arith.constant 0 : index
      %get3A_475 = tpu.vector_load %arg8[%get3A_473, %get3A_474] {strides = array<i32>} : memref<512x64xf32, #tpu.memory_space<vmem>>, vector<16xf32>,
      %mul3A_476 = arith.mulf %get3A_475, %get3A_92 : vector<16xf32>
      %get3A_477 = arith.index_cast %add3A_472 : i32 to index
      %get3A_478 = arith.constant 16 : index
      %get3A_479 = tpu.vector_load %arg8[%get3A_477, %get3A_478] {strides = array<i32>} : memref<512x64xf32, #tpu.memory_space<vmem>>, vector<16xf32>,
      %mul3A_480 = arith.mulf %get3A_479, %get3A_94 : vector<16xf32>
      %add3A_481 = arith.addf %mul3A_476, %mul3A_480 : vector<16xf32>
      %get3A_482 = arith.index_cast %add3A_472 : i32 to index
      %get3A_483 = arith.constant 32 : index
      %get3A_484 = tpu.vector_load %arg8[%get3A_482, %get3A_483] {strides = array<i32>} : memref<512x64xf32, #tpu.memory_space<vmem>>, vector<16xf32>,
      %mul3A_485 = arith.mulf %get3A_484, %get3A_96 : vector<16xf32>
      %add3A_486 = arith.addf %add3A_481, %mul3A_485 : vector<16xf32>
      %get3A_487 = arith.index_cast %add3A_472 : i32 to index
      %get3A_488 = arith.constant 48 : index
      %get3A_489 = tpu.vector_load %arg8[%get3A_487, %get3A_488] {strides = array<i32>} : memref<512x64xf32, #tpu.memory_space<vmem>>, vector<16xf32>,
      %mul3A_490 = arith.mulf %get3A_489, %get3A_98 : vector<16xf32>
      %add3A_491 = arith.addf %add3A_486, %mul3A_490 : vector<16xf32>
      %reduce_sum3A_492 = arith.constant true
      %reduce_sum3A_493 = vector.broadcast %reduce_sum3A_492 : i1 to vector<16xi1>
      %reduce_sum3A_494 = tpu.scan <sum>, %add3A_491 masked %reduce_sum3A_493 : vector<16xf32>, vector<16xi1> -> vector<16xf32>
      %reduce_sum3A_495 = vector.extract %reduce_sum3A_494[15] : f32 from vector<16xf32>
      %eq3A_496 = arith.constant 11 : i32
      %eq3A_497 = vector.broadcast %eq3A_496 : i32 to vector<16xi32>
      %eq3A_498 = arith.cmpi eq, %iota3A, %eq3A_497 : vector<16xi32>
      %add3A_499 = vector.broadcast %reduce_sum3A_495 : f32 to vector<16xf32>
      %add3A_500 = arith.addf %select_n3A_468, %add3A_499 : vector<16xf32>
      %select_n3A_501 = arith.select %eq3A_498, %add3A_500, %select_n3A_468 : vector<16xi1>, vector<16xf32>
      %mul3A_502 = arith.constant 16 : i32
      %mul3A_503 = arith.muli %scan3A_104, %mul3A_502 : i32
      %add3A_504 = arith.constant 12 : i32
      %add3A_505 = arith.addi %mul3A_503, %add3A_504 : i32
      %get3A_506 = arith.index_cast %add3A_505 : i32 to index
      %get3A_507 = arith.constant 0 : index
      %get3A_508 = tpu.vector_load %arg8[%get3A_506, %get3A_507] {strides = array<i32>} : memref<512x64xf32, #tpu.memory_space<vmem>>, vector<16xf32>,
      %mul3A_509 = arith.mulf %get3A_508, %get3A_92 : vector<16xf32>
      %get3A_510 = arith.index_cast %add3A_505 : i32 to index
      %get3A_511 = arith.constant 16 : index
      %get3A_512 = tpu.vector_load %arg8[%get3A_510, %get3A_511] {strides = array<i32>} : memref<512x64xf32, #tpu.memory_space<vmem>>, vector<16xf32>,
      %mul3A_513 = arith.mulf %get3A_512, %get3A_94 : vector<16xf32>
      %add3A_514 = arith.addf %mul3A_509, %mul3A_513 : vector<16xf32>
      %get3A_515 = arith.index_cast %add3A_505 : i32 to index
      %get3A_516 = arith.constant 32 : index
      %get3A_517 = tpu.vector_load %arg8[%get3A_515, %get3A_516] {strides = array<i32>} : memref<512x64xf32, #tpu.memory_space<vmem>>, vector<16xf32>,
      %mul3A_518 = arith.mulf %get3A_517, %get3A_96 : vector<16xf32>
      %add3A_519 = arith.addf %add3A_514, %mul3A_518 : vector<16xf32>
      %get3A_520 = arith.index_cast %add3A_505 : i32 to index
      %get3A_521 = arith.constant 48 : index
      %get3A_522 = tpu.vector_load %arg8[%get3A_520, %get3A_521] {strides = array<i32>} : memref<512x64xf32, #tpu.memory_space<vmem>>, vector<16xf32>,
      %mul3A_523 = arith.mulf %get3A_522, %get3A_98 : vector<16xf32>
      %add3A_524 = arith.addf %add3A_519, %mul3A_523 : vector<16xf32>
      %reduce_sum3A_525 = arith.constant true
      %reduce_sum3A_526 = vector.broadcast %reduce_sum3A_525 : i1 to vector<16xi1>
      %reduce_sum3A_527 = tpu.scan <sum>, %add3A_524 masked %reduce_sum3A_526 : vector<16xf32>, vector<16xi1> -> vector<16xf32>
      %reduce_sum3A_528 = vector.extract %reduce_sum3A_527[15] : f32 from vector<16xf32>
      %eq3A_529 = arith.constant 12 : i32
      %eq3A_530 = vector.broadcast %eq3A_529 : i32 to vector<16xi32>
      %eq3A_531 = arith.cmpi eq, %iota3A, %eq3A_530 : vector<16xi32>
      %add3A_532 = vector.broadcast %reduce_sum3A_528 : f32 to vector<16xf32>
      %add3A_533 = arith.addf %select_n3A_501, %add3A_532 : vector<16xf32>
      %select_n3A_534 = arith.select %eq3A_531, %add3A_533, %select_n3A_501 : vector<16xi1>, vector<16xf32>
      %mul3A_535 = arith.constant 16 : i32
      %mul3A_536 = arith.muli %scan3A_104, %mul3A_535 : i32
      %add3A_537 = arith.constant 13 : i32
      %add3A_538 = arith.addi %mul3A_536, %add3A_537 : i32
      %get3A_539 = arith.index_cast %add3A_538 : i32 to index
      %get3A_540 = arith.constant 0 : index
      %get3A_541 = tpu.vector_load %arg8[%get3A_539, %get3A_540] {strides = array<i32>} : memref<512x64xf32, #tpu.memory_space<vmem>>, vector<16xf32>,
      %mul3A_542 = arith.mulf %get3A_541, %get3A_92 : vector<16xf32>
      %get3A_543 = arith.index_cast %add3A_538 : i32 to index
      %get3A_544 = arith.constant 16 : index
      %get3A_545 = tpu.vector_load %arg8[%get3A_543, %get3A_544] {strides = array<i32>} : memref<512x64xf32, #tpu.memory_space<vmem>>, vector<16xf32>,
      %mul3A_546 = arith.mulf %get3A_545, %get3A_94 : vector<16xf32>
      %add3A_547 = arith.addf %mul3A_542, %mul3A_546 : vector<16xf32>
      %get3A_548 = arith.index_cast %add3A_538 : i32 to index
      %get3A_549 = arith.constant 32 : index
      %get3A_550 = tpu.vector_load %arg8[%get3A_548, %get3A_549] {strides = array<i32>} : memref<512x64xf32, #tpu.memory_space<vmem>>, vector<16xf32>,
      %mul3A_551 = arith.mulf %get3A_550, %get3A_96 : vector<16xf32>
      %add3A_552 = arith.addf %add3A_547, %mul3A_551 : vector<16xf32>
      %get3A_553 = arith.index_cast %add3A_538 : i32 to index
      %get3A_554 = arith.constant 48 : index
      %get3A_555 = tpu.vector_load %arg8[%get3A_553, %get3A_554] {strides = array<i32>} : memref<512x64xf32, #tpu.memory_space<vmem>>, vector<16xf32>,
      %mul3A_556 = arith.mulf %get3A_555, %get3A_98 : vector<16xf32>
      %add3A_557 = arith.addf %add3A_552, %mul3A_556 : vector<16xf32>
      %reduce_sum3A_558 = arith.constant true
      %reduce_sum3A_559 = vector.broadcast %reduce_sum3A_558 : i1 to vector<16xi1>
      %reduce_sum3A_560 = tpu.scan <sum>, %add3A_557 masked %reduce_sum3A_559 : vector<16xf32>, vector<16xi1> -> vector<16xf32>
      %reduce_sum3A_561 = vector.extract %reduce_sum3A_560[15] : f32 from vector<16xf32>
      %eq3A_562 = arith.constant 13 : i32
      %eq3A_563 = vector.broadcast %eq3A_562 : i32 to vector<16xi32>
      %eq3A_564 = arith.cmpi eq, %iota3A, %eq3A_563 : vector<16xi32>
      %add3A_565 = vector.broadcast %reduce_sum3A_561 : f32 to vector<16xf32>
      %add3A_566 = arith.addf %select_n3A_534, %add3A_565 : vector<16xf32>
      %select_n3A_567 = arith.select %eq3A_564, %add3A_566, %select_n3A_534 : vector<16xi1>, vector<16xf32>
      %mul3A_568 = arith.constant 16 : i32
      %mul3A_569 = arith.muli %scan3A_104, %mul3A_568 : i32
      %add3A_570 = arith.constant 14 : i32
      %add3A_571 = arith.addi %mul3A_569, %add3A_570 : i32
      %get3A_572 = arith.index_cast %add3A_571 : i32 to index
      %get3A_573 = arith.constant 0 : index
      %get3A_574 = tpu.vector_load %arg8[%get3A_572, %get3A_573] {strides = array<i32>} : memref<512x64xf32, #tpu.memory_space<vmem>>, vector<16xf32>,
      %mul3A_575 = arith.mulf %get3A_574, %get3A_92 : vector<16xf32>
      %get3A_576 = arith.index_cast %add3A_571 : i32 to index
      %get3A_577 = arith.constant 16 : index
      %get3A_578 = tpu.vector_load %arg8[%get3A_576, %get3A_577] {strides = array<i32>} : memref<512x64xf32, #tpu.memory_space<vmem>>, vector<16xf32>,
      %mul3A_579 = arith.mulf %get3A_578, %get3A_94 : vector<16xf32>
      %add3A_580 = arith.addf %mul3A_575, %mul3A_579 : vector<16xf32>
      %get3A_581 = arith.index_cast %add3A_571 : i32 to index
      %get3A_582 = arith.constant 32 : index
      %get3A_583 = tpu.vector_load %arg8[%get3A_581, %get3A_582] {strides = array<i32>} : memref<512x64xf32, #tpu.memory_space<vmem>>, vector<16xf32>,
      %mul3A_584 = arith.mulf %get3A_583, %get3A_96 : vector<16xf32>
      %add3A_585 = arith.addf %add3A_580, %mul3A_584 : vector<16xf32>
      %get3A_586 = arith.index_cast %add3A_571 : i32 to index
      %get3A_587 = arith.constant 48 : index
      %get3A_588 = tpu.vector_load %arg8[%get3A_586, %get3A_587] {strides = array<i32>} : memref<512x64xf32, #tpu.memory_space<vmem>>, vector<16xf32>,
      %mul3A_589 = arith.mulf %get3A_588, %get3A_98 : vector<16xf32>
      %add3A_590 = arith.addf %add3A_585, %mul3A_589 : vector<16xf32>
      %reduce_sum3A_591 = arith.constant true
      %reduce_sum3A_592 = vector.broadcast %reduce_sum3A_591 : i1 to vector<16xi1>
      %reduce_sum3A_593 = tpu.scan <sum>, %add3A_590 masked %reduce_sum3A_592 : vector<16xf32>, vector<16xi1> -> vector<16xf32>
      %reduce_sum3A_594 = vector.extract %reduce_sum3A_593[15] : f32 from vector<16xf32>
      %eq3A_595 = arith.constant 14 : i32
      %eq3A_596 = vector.broadcast %eq3A_595 : i32 to vector<16xi32>
      %eq3A_597 = arith.cmpi eq, %iota3A, %eq3A_596 : vector<16xi32>
      %add3A_598 = vector.broadcast %reduce_sum3A_594 : f32 to vector<16xf32>
      %add3A_599 = arith.addf %select_n3A_567, %add3A_598 : vector<16xf32>
      %select_n3A_600 = arith.select %eq3A_597, %add3A_599, %select_n3A_567 : vector<16xi1>, vector<16xf32>
      %mul3A_601 = arith.constant 16 : i32
      %mul3A_602 = arith.muli %scan3A_104, %mul3A_601 : i32
      %add3A_603 = arith.constant 15 : i32
      %add3A_604 = arith.addi %mul3A_602, %add3A_603 : i32
      %get3A_605 = arith.index_cast %add3A_604 : i32 to index
      %get3A_606 = arith.constant 0 : index
      %get3A_607 = tpu.vector_load %arg8[%get3A_605, %get3A_606] {strides = array<i32>} : memref<512x64xf32, #tpu.memory_space<vmem>>, vector<16xf32>,
      %mul3A_608 = arith.mulf %get3A_607, %get3A_92 : vector<16xf32>
      %get3A_609 = arith.index_cast %add3A_604 : i32 to index
      %get3A_610 = arith.constant 16 : index
      %get3A_611 = tpu.vector_load %arg8[%get3A_609, %get3A_610] {strides = array<i32>} : memref<512x64xf32, #tpu.memory_space<vmem>>, vector<16xf32>,
      %mul3A_612 = arith.mulf %get3A_611, %get3A_94 : vector<16xf32>
      %add3A_613 = arith.addf %mul3A_608, %mul3A_612 : vector<16xf32>
      %get3A_614 = arith.index_cast %add3A_604 : i32 to index
      %get3A_615 = arith.constant 32 : index
      %get3A_616 = tpu.vector_load %arg8[%get3A_614, %get3A_615] {strides = array<i32>} : memref<512x64xf32, #tpu.memory_space<vmem>>, vector<16xf32>,
      %mul3A_617 = arith.mulf %get3A_616, %get3A_96 : vector<16xf32>
      %add3A_618 = arith.addf %add3A_613, %mul3A_617 : vector<16xf32>
      %get3A_619 = arith.index_cast %add3A_604 : i32 to index
      %get3A_620 = arith.constant 48 : index
      %get3A_621 = tpu.vector_load %arg8[%get3A_619, %get3A_620] {strides = array<i32>} : memref<512x64xf32, #tpu.memory_space<vmem>>, vector<16xf32>,
      %mul3A_622 = arith.mulf %get3A_621, %get3A_98 : vector<16xf32>
      %add3A_623 = arith.addf %add3A_618, %mul3A_622 : vector<16xf32>
      %reduce_sum3A_624 = arith.constant true
      %reduce_sum3A_625 = vector.broadcast %reduce_sum3A_624 : i1 to vector<16xi1>
      %reduce_sum3A_626 = tpu.scan <sum>, %add3A_623 masked %reduce_sum3A_625 : vector<16xf32>, vector<16xi1> -> vector<16xf32>
      %reduce_sum3A_627 = vector.extract %reduce_sum3A_626[15] : f32 from vector<16xf32>
      %eq3A_628 = arith.constant 15 : i32
      %eq3A_629 = vector.broadcast %eq3A_628 : i32 to vector<16xi32>
      %eq3A_630 = arith.cmpi eq, %iota3A, %eq3A_629 : vector<16xi32>
      %add3A_631 = vector.broadcast %reduce_sum3A_627 : f32 to vector<16xf32>
      %add3A_632 = arith.addf %select_n3A_600, %add3A_631 : vector<16xf32>
      %select_n3A_633 = arith.select %eq3A_630, %add3A_632, %select_n3A_600 : vector<16xi1>, vector<16xf32>
      %neg3A = arith.constant 0.000000e+00 : f32
      %neg3A_634 = vector.broadcast %neg3A : f32 to vector<16xf32>
      %neg3A_635 = arith.subf %neg3A_634, %select_n3A_633 : vector<16xf32>
      %exp3A = math.exp %neg3A_635 : vector<16xf32>
      %add3A_636 = arith.constant 1.000000e+00 : f32
      %add3A_637 = vector.broadcast %add3A_636 : f32 to vector<16xf32>
      %add3A_638 = arith.addf %add3A_637, %exp3A : vector<16xf32>
      %div3A = arith.constant 1.000000e+00 : f32
      %div3A_639 = vector.broadcast %div3A : f32 to vector<16xf32>
      %div3A_640 = arith.divf %div3A_639, %add3A_638 : vector<16xf32>
      %mul3A_641 = arith.constant 16 : i32
      %mul3A_642 = arith.muli %scan3A_104, %mul3A_641 : i32
      %swap3A = arith.index_cast %mul3A_642 : i32 to index
      %swap3A_643 = tpu.vector_load %arg11[%swap3A] {strides = array<i32>} : memref<512xf32, #tpu.memory_space<vmem>>, vector<16xf32>,
      tpu.vector_store %arg11[%swap3A], %div3A_640 {strides = array<i32>} : memref<512xf32, #tpu.memory_space<vmem>>, vector<16xf32>,
    }
    %scan3A_103 = arith.constant 32 : i32
    "tpu.region"() ({
      %run_scoped3A_104 = tpu.sem_alloc : memref<!tpu.dma_semaphore, #tpu.memory_space<semaphore_mem>>
      %dma_start3A_105 = tpu.memref_slice %arg6[%mul3A_2] : memref<16384xf32, #tpu.memory_space<hbm>> -> memref<512xf32, #tpu.memory_space<hbm>>
      %dma_start3A_106 = tpu.memref_slice %arg6[%mul3A_2] : memref<16384xf32, #tpu.memory_space<hbm>> -> memref<512xf32, #tpu.memory_space<hbm>>
      tpu.enqueue_dma source(%arg11 : memref<512xf32, #tpu.memory_space<vmem>>) target(%dma_start3A_106 : memref<512xf32, #tpu.memory_space<hbm>>) target_semaphore(%run_scoped3A_104 : memref<!tpu.dma_semaphore, #tpu.memory_space<semaphore_mem>>)
      %dma_wait3A_107 = tpu.memref_slice %arg6[%mul3A_2] : memref<16384xf32, #tpu.memory_space<hbm>> -> memref<512xf32, #tpu.memory_space<hbm>>
      %dma_wait3A_108 = tpu.memref_slice %arg6[%mul3A_2] : memref<16384xf32, #tpu.memory_space<hbm>> -> memref<512xf32, #tpu.memory_space<hbm>>
      tpu.wait_dma2 semaphore(%run_scoped3A_104 : memref<!tpu.dma_semaphore, #tpu.memory_space<semaphore_mem>>) src(%arg11 : memref<512xf32, #tpu.memory_space<vmem>>) dst(%dma_wait3A_108 : memref<512xf32, #tpu.memory_space<hbm>>)
      tpu.yield
    }) : () -> ()
    return
  }
}

</mosaic_0001>

<sc_bundles>
// kernel: kernel.4.cloned.1.call-start
scs
__scs_entry_jumppad:
0x0: {  	(pc) =	sbr.rel $0x88, $3  }
0x1: {  	(tag) =	ssettag $0x0;
	lr =	simm.s32 $0x1  }
0x2: {  	[smem:$0x3F9B] =	sst lr;
	_ =	strace $0xD0000000  }
0x3: {  	_ = 	snop  }
0x4: {  	_ = 	snop  }
0x5: {  	_ = 	snop  }
0x6: {  	_ = 	snop  }
0x7: {  	_ = 	snop  }
__scs_overlays_trampoline_lowered:
0x8: {  	[smem:$0x3FAA] =	sst s0  }
0x9: {  	[smem:$0x3FAB] =	sst s1  }
0xa: {  	[smem:$0x3FAC] =	sst s2  }
0xb: {  	[smem:$0x3FAD] =	sst s3  }
0xc: {  	[smem:$0x3FAE] =	sst s4  }
0xd: {  	[smem:$0x3FAF] =	sst s5  }
0xe: {  	[smem:$0x3FB0] =	sst s6  }
0xf: {  	[smem:$0x3FB1] =	sst s7  }
0x10: {  	[smem:$0x3FB2] =	sst s8  }
0x11: {  	[smem:$0x3FB3] =	sst s9;
	s0 =	simm.s32 @!p0 $0x0  }
0x12: {  	s1 =	sld [smem:$0x3F99];
	s0 =	simm.s32 @p0 $0x1  }
0x13: {  	[smem:$0x3FB4] =	sst s0;
	s0 =	simm.s32 @!p1 $0x0  }
0x14: {  	s2 =	sld [smem:$0x3F98];
	s0 =	simm.s32 @p1 $0x1  }
0x15: {  	[smem:$0x3FB5] =	sst s0;
	s0 =	simm.s32 @!p2 $0x0  }
0x16: {  	s3 =	sld [smem:$0x3FDB];
	s0 =	simm.s32 @p2 $0x1  }
0x17: {  	s4 =	simm.s32 $0x1BF5;
	[smem:$0x3FB7] =	sst s0  }
0x18: {  	s0 =	sld [smem:$0x3F9A];
	_ =	swait.ge [sflag:s4], $0x0  }
0x19: {  	s7 =	sld [smem:$0x3F9B]  }
0x1a: {  	s8 =	sadd.s32 $0xFFFFE003, lr  }
0x1b: {  	s9 =	sadd.s32 $0xFFFFFEF7, lr;
	s5 =	simm.s32 $0xFFFFFFFF;
	p2 =	slt.u32 s8, $0xFFFFF086  }
0x1c: {  	p1 =	slt.u32 s9, $0xF7A;
	s5 =	simm.s32 @!p2 $0x0  }
0x1d: {  	s5 =	simm.s32 @p1 $0x1;
	p0 =	seq.s32 s7, s2  }
0x1e: {  	s7 =	smul.u32 @!p0 $0xF7A, s2;
	p2 =	seq.s32 @!p0 s5, $0x0  }
0x1f: {  	s9 =	smul.u32 $0xF7A, s1;
	s8 =	simm.s32 @!p0 $0x1BF5;
	p2 =	por !p2, p0  }
0x20: {  	[sflag:s8] =	ssyncset.s32 @!p0 $0xFFFFF086;
	s6 =	sadd.s32 @!p0 s3, s7;
	s7 =	simm.s32 @!p0 $0x108  }
0x21: {  	s3 =	sadd.s32 s3, s9;
	s6 =	sadd.s32 @!p0 $0x88, s6;
	s7 =	simm.s32 @p2 $0x1082  }
0x22: {  	[simem:s7], [sflag:s8] =	dma.local @!p0 [hbm:s6], $0xF7A  }
0x23: {  	s9 =	sor.u32 $0xD0000000, s2;
	s6 =	simm.s32 $0x108;
	_ =	swait.ge @!p0 [sflag:s8], $0x0  }
0x24: {  	s3 =	sadd.s32 $0x88, s3;
	s6 =	simm.s32 @!p1 $0x1082;
	[sflag:s4] =	ssyncset.s32 $0xFFFFF086  }
0x25: {  	[simem:s6], [sflag:s4] =	dma.local [hbm:s3], $0xF7A  }
0x26: {  	[smem:$0x3F9B] =	sst s1;
	(tag) =	ssettag s2;
	_ =	strace s9  }
0x27: {  	s1 =	sld [smem:$0x3FAB]  }
0x28: {  	s2 =	sld [smem:$0x3FAC]  }
0x29: {  	s4 =	sld [smem:$0x3FAE]  }
0x2a: {  	p0 =	seq.s32 s5, $0x0;
	s5 =	sld [smem:$0x3FAF]  }
0x2b: {  	s6 =	sld [smem:$0x3FB0]  }
0x2c: {  	s7 =	sld [smem:$0x3FB1]  }
0x2d: {  	s3 =	simm.s32 $0x108;
	s8 =	sld [smem:$0x3FB2]  }
0x2e: {  	s3 =	simm.s32 @!p0 $0x1082;
	s9 =	sld [smem:$0x3FB3]  }
0x2f: {  	lr =	sadd.s32 s0, s3;
	s0 =	sld [smem:$0x3FAA]  }
0x30: {  	s3 =	sld [smem:$0x3FAD]  }
0x31: {  	[smem:$0x3FB6] =	sst s10  }
0x32: {  	s10 =	sld [smem:$0x3FB4];
	_ =	sdelay $0x3  }
0x33: {  	p0 =	seq.s32 s10, $0x1;
	s10 =	sld [smem:$0x3FB6];
	_ =	sdelay $0x3  }
0x34: {  	[smem:$0x3FB6] =	sst s10  }
0x35: {  	s10 =	sld [smem:$0x3FB5];
	_ =	sdelay $0x3  }
0x36: {  	p1 =	seq.s32 s10, $0x1;
	s10 =	sld [smem:$0x3FB6];
	_ =	sdelay $0x3  }
0x37: {  	[smem:$0x3FB6] =	sst s10  }
0x38: {  	s10 =	sld [smem:$0x3FB7]  }
0x39: {  	_ = 	snop;
	(pc) =	sbr.ind lr, $3  }
0x3a: {  	_ = 	snop  }
0x3b: {  	_ = 	snop  }
0x3c: {  	p2 =	seq.s32 s10, $0x1;
	s10 =	sld [smem:$0x3FB6]  }
0x3d: {  	_ =	shalt  }
0x3e: {  	_ =	shalt  }
0x3f: {  	_ =	shalt  }
0x40: {  	_ =	shalt  }
0x41: {  	_ =	shalt  }
0x42: {  	_ =	shalt  }
0x43: {  	_ =	shalt  }
0x44: {  	_ =	shalt  }
0x45: {  	_ =	shalt  }
0x46: {  	_ =	shalt  }
0x47: {  	_ =	shalt  }
0x48: {  	_ =	shalt  }
0x49: {  	_ =	shalt  }
0x4a: {  	_ =	shalt  }
0x4b: {  	_ =	shalt  }
0x4c: {  	_ =	shalt  }
0x4d: {  	_ =	shalt  }
0x4e: {  	_ =	shalt  }
0x4f: {  	_ =	shalt  }
0x50: {  	_ =	shalt  }
0x51: {  	_ =	shalt  }
0x52: {  	_ =	shalt  }
0x53: {  	_ =	shalt  }
0x54: {  	_ =	shalt  }
0x55: {  	_ =	shalt  }
0x56: {  	_ =	shalt  }
0x57: {  	_ =	shalt  }
0x58: {  	_ =	shalt  }
0x59: {  	_ =	shalt  }
0x5a: {  	_ =	shalt  }
0x5b: {  	_ =	shalt  }
0x5c: {  	_ =	shalt  }
0x5d: {  	_ =	shalt  }
0x5e: {  	_ =	shalt  }
0x5f: {  	_ =	shalt  }
0x60: {  	_ =	shalt  }
0x61: {  	_ =	shalt  }
0x62: {  	_ =	shalt  }
0x63: {  	_ =	shalt  }
0x64: {  	_ =	shalt  }
0x65: {  	_ =	shalt  }
0x66: {  	_ =	shalt  }
0x67: {  	_ =	shalt  }
0x68: {  	_ =	shalt  }
0x69: {  	_ =	shalt  }
0x6a: {  	_ =	shalt  }
0x6b: {  	_ =	shalt  }
0x6c: {  	_ =	shalt  }
0x6d: {  	_ =	shalt  }
0x6e: {  	_ =	shalt  }
0x6f: {  	_ =	shalt  }
0x70: {  	_ =	shalt  }
0x71: {  	_ =	shalt  }
0x72: {  	_ =	shalt  }
0x73: {  	_ =	shalt  }
0x74: {  	_ =	shalt  }
0x75: {  	_ =	shalt  }
0x76: {  	_ =	shalt  }
0x77: {  	_ =	shalt  }
0x78: {  	_ =	shalt  }
0x79: {  	_ =	shalt  }
0x7a: {  	_ =	shalt  }
0x7b: {  	_ =	shalt  }
0x7c: {  	_ =	shalt  }
0x7d: {  	_ =	shalt  }
0x7e: {  	_ =	shalt  }
0x7f: {  	_ =	shalt  }
0x80: {  	_ =	shalt  }
0x81: {  	_ =	shalt  }
0x82: {  	_ =	shalt  }
0x83: {  	_ =	shalt  }
0x84: {  	_ =	shalt  }
0x85: {  	_ =	shalt  }
0x86: {  	_ =	shalt  }
0x87: {  	_ =	shalt  }
.Lfunc_end0:
.L_simem_size_0:
called_computation_lowered:
.L_overlay_start_0:
0x88: {  	s2 =	sld [smem:$0x3FD9]  }
0x89: {  	s3 =	sld [smem:$0x3FFE];
	_ =	sdelay $0x1  }
0x8a: {  	s1 =	srdreg.scid  }
0x8b: {  	s0 =	sand.u32 $0x1, s1  }
0x8c: {  	s17 =	sshll.u32 s0, $0xA;
	s2 =	sadd.s32 s3, s2  }
0x8d: {  	s2 =	sadd.s32 s2, s17  }
0x8e: {  	[smem:$0x3FC2] =	sst s2  }
0x8f: {  	_ = 	snop  }
0x90: {  	s2 =	sld [smem:$0x3FC9]  }
0x91: {  	s18 =	sld [smem:$0x3FD0];
	(tm) =	ssettm $0x1  }
0x92: {  	s4 =	sld [smem:$0x3FFB];
	_ =	sdelay $0x3  }
0x93: {  	_ =	strace s4  }
0x94: {  	s4 =	sld [smem:$0x3FFC];
	_ =	sdelay $0x3  }
0x95: {  	_ =	strace s4  }
0x96: {  	s4 =	sld [smem:$0x3FFD];
	_ =	sdelay $0x3  }
0x97: {  	_ =	strace s4  }
0x98: {  	_ =	strace $0x8FFFFFFF  }
0x99: {  	s19 =	sld [smem:$0x3FDB];
	_ =	sdelay $0x1  }
0x9a: {  	s5 =	simm.s32 $_scs_section_size  }
0x9b: {  	s6 =	simm.s32 $_size__tile_overlayer_lowered;
	s7 =	simm.s32 $_tile_overlayer_lowered  }
0x9c: {  	s22 =	simm.s32 $0x1BFF;
	s21 =	sshll.u32 s7, $0x1;
	s4 =	sadd.s32 s5, s19  }
0x9d: {  	s8 =	simm.s32 $0x0;
	s20 =	sshll.u32 s6, $0x1;
	s6 =	sadd.s32 s21, s4  }
0x9e: {  	[timem:s8], [sflag:s22] =	dma.local [hbm:s6], s20  }
0x9f: {  	_ =	swait.ge [sflag:s22], s20  }
0xa0: {  	s5 =	ssub.s32 $0x0, s20;
	[sflag:s22] =	ssyncset.done $0x0  }
0xa1: {  	[sflag:s22] =	ssyncadd.s32 s5;
	_ =	sdelay $0x1  }
0xa2: {  	s23 =	simm.s32 $0x1B8B  }
0xa3: {  	_ =	swait.ge [sflag:s23], $0x1  }
0xa4: {  	[sflag:s23] =	ssyncset.done $0x0  }
0xa5: {  	s25 =	simm.s32 $0x1B8E;
	s24 =	sld [smem:$0x3FFE];
	[sflag:s23] =	ssyncadd.s32 $0xFFFFFFFF  }
0xa6: {  	s26 =	simm.s32 $execute0_lowered;
	[smem:$0x3FD2] =	sst s25  }
0xa7: {  	s6 =	sshll.u32 s26, $0x1;
	_ =	strace $0x80000046;
	[dreg:$0x1] =	wrdreg $0xFFFFFFFF  }
0xa8: {  	s28 =	simm.s32 $_size_execute0_lowered;
	s4 =	sadd.s32 s4, s6;
	[dreg:$0x0] =	wrdreg $0x0  }
0xa9: {  	s6 =	sshll.u32 s28, $0x1;
	[dreg:$0x2] =	wrdreg s4  }
0xaa: {  	[dreg:$0x3] =	wrdreg s6  }
0xab: {  	[dreg:$0x4] =	wrdreg $0xC0  }
0xac: {  	_ =	task [dreg:s8], $0x5FFFF  }
0xad: {  	[dreg:$0x1] =	wrdreg $0xFFFFFFFF  }
0xae: {  	[dreg:$0x0] =	wrdreg $0x60  }
0xaf: {  	[dreg:$0x2] =	wrdreg s24  }
0xb0: {  	[dreg:$0x3] =	wrdreg s2  }
0xb1: {  	[dreg:$0x4] =	wrdreg s18  }
0xb2: {  	[dreg:$0x5] =	wrdreg $0x9  }
0xb3: {  	_ =	task.clear_ibuf [dreg:s8], $0x6FFFF;
	_ =	strace $0x90000046  }
0xb4: {  	s29 =	simm.s32 $0x9;
	_ =	strace $0x80000048  }
0xb5: {  	_ =	swait.ge [sflag:s29], $0x1  }
0xb6: {  	[sflag:s29] =	ssyncadd.s32 $0xFFFFFFFF  }
0xb7: {  	_ =	strace $0x90000048  }
0xb8: {  	_ =	sfence  }
0xb9: {  	s30 =	sld [smem:$0x0];
	_ =	sdelay $0x2  }
0xba: {  	s31 =	sshll.u32 s1, $0xD;
	s1 =	sshrl.u32 s1, $0x2  }
0xbb: {  	s3 =	sand.u32 $0x4000, s31;
	s1 =	sadd.s32 s1, s30  }
0xbc: {  	s0 =	sor.u32 s3, s0;
	s1 =	sshll.u32 s1, $0x11  }
0xbd: {  	s0 =	sor.u32 s1, s0  }
0xbe: {  	s0 =	sadd.s32 $0x8F2B, s0  }
0xbf: {  	[sflag:s0] =	ssyncadd.remote.s32 $0x1  }
0xc0: {  	_ =	sfence.sel $0xFFFF  }
0xc1: {  	[dreg:$0x0] =	wrdreg $0xFFFFFFFF;
	(pc) =	sbr.abs _section_cstart, $3  }
0xc2: {  	[dreg:$0x1] =	wrdreg $0xFFFFFFFF  }
0xc3: {  	_ =	task.clear_ibuf [dreg:s8], $0x2FFFF;
	_ =	strace $0x9FFFFFFF  }
0xc4: {  	(tm) =	ssettm $0x7FFFFFFF  }
0xc5: {  	_ =	shalt  }
tec
execute0_lowered:
.L_overlay_start_1:
0x0: {  	(tag) =	ssettag $0x1  }
0x1: {  	s6 =	rddreg [dreg:$0x0]  }
0x2: {  	s5 =	rddreg [dreg:$0x1]  }
0x3: {  	s9 =	rddreg [dreg:$0x2]  }
0x4: {  	s0 =	rddreg [dreg:$0x3];
	s2 =	simm.s32 $0x0;
	s3 =	srdreg.scid  }
0x5: {  	s1 =	stileid.u32;
	s13 =	simm.s32 $0x2;
	s14 =	simm.s32 $0x80  }
0x6: {  	s15 =	simm.s32 $0x100;
	s16 =	simm.s32 $0x180;
	s17 =	simm.s32 $0x200  }
0x7: {  	s18 =	simm.s32 $0x2200;
	s19 =	simm.s32 $0x4200;
	s20 =	simm.s32 $0x6200  }
0x8: {  	vm0 =	vmmov $0x1;
	s21 =	simm.s32 $0x1;
	s22 =	simm.s32 $0x8240;
	s23 =	simm.s32 $0x8440  }
0x9: {  	vm1 =	vcmask $0x30C;
	vm2 =	vcmask $0xF0C;
	vm3 =	vcmask $0x714;
	s24 =	simm.s32 $0x0;
	[smem:$0x7FF] =	sst s2;
	s4 =	sand.u32 $0x1, s3  }
0xa: {  	vm4 =	vcmask $0xF18;
	vm5 =	vcmask $0x131C;
	vm6 =	vcmask $0x1F1C;
	s7 =	sshll.u32 s1, $0x7;
	s3 =	sadd.s32 $0x189400, s6;
	s8 =	sshll.u32 s4, $0x6  }
0xb: {  	vm7 =	vcmask $0x1724;
	vm8 =	vcmask $0x1F28;
	vm9 =	vcmask $0x232C;
	_ =	strace $0x80000047;
	s30 =	ssub.s32 $0x2, s4;
	s10 =	sor.u32 s8, s7  }
0xc: {  	vm10 =	vcmask $0x2F2C;
	vm11 =	vcmask $0x2734;
	vm12 =	vcmask $0x2F38;
	s4 =	sadd.s32 $0x2600, s6;
	s31 =	sshrl.u32 s30, $0x1;
	s5 =	sadd.s32 s5, s10  }
0xd: {  	vm13 =	vcmask $0x333C;
	vm14 =	vmmov $0x3fff;
	vm15 =	vmmov $0x7fff;
	s11 =	sadd.s32 s10, s6;
	s12 =	ssub.s32 s30, s31;
	s9 =	sadd.s32 s9, s10  }
0xe: {  	vm2 =	vmor vm3, vm2;
	vm3 =	vcmask $0xB14;
	vm6 =	vmor vm7, vm6;
	s6 =	sadd.s32 $0x10, s5;
	s7 =	sadd.s32 $0x20, s5;
	s8 =	sadd.s32 $0x30, s5  }
0xf: {  	vm7 =	vcmask $0x1B24;
	vm10 =	vmor vm11, vm10;
	vm11 =	vcmask $0x2B34;
	s10 =	sadd.s32 $0x2A00, s11;
	s11 =	smax.u32 s12, $0x1;
	s12 =	simm.s32 $0x8200  }
.LBB2_1:
0x10: {  	[tilespmem:s12], [sflag:$0x2] =	stream.linear.gather [hbm4b:s4+s2], $0x40, $0x38;
	[tilespmem:$0x8640] =	vst v63  }
0x11: {  	_ =	swait.ge [sflag:s13], $0x40  }
0x12: {  	[sflag:s13] =	ssyncset.done $0x0  }
0x13: {  	[sflag:s13] =	ssyncadd.s32 $0xFFFFFFC0  }
0x14: {  	[tilespmem:s2], [sflag:$0x2] =	stream.linear.gather [hbm4b:s5+s2], $0x80, $0x38;
	[tilespmem:$0x8640] =	vst v63  }
0x15: {  	_ =	swait.ge [sflag:s13], $0x80  }
0x16: {  	[sflag:s13] =	ssyncset.done $0x0  }
0x17: {  	[sflag:s13] =	ssyncadd.s32 $0xFFFFFF80  }
0x18: {  	[tilespmem:s14], [sflag:$0x2] =	stream.linear.gather [hbm4b:s6+s2], $0x80, $0x38;
	[tilespmem:$0x8640] =	vst v63  }
0x19: {  	_ =	swait.ge [sflag:s13], $0x80  }
0x1a: {  	[sflag:s13] =	ssyncset.done $0x0  }
0x1b: {  	[sflag:s13] =	ssyncadd.s32 $0xFFFFFF80  }
0x1c: {  	[tilespmem:s15], [sflag:$0x2] =	stream.linear.gather [hbm4b:s7+s2], $0x80, $0x38;
	[tilespmem:$0x8640] =	vst v63  }
0x1d: {  	_ =	swait.ge [sflag:s13], $0x80  }
0x1e: {  	[sflag:s13] =	ssyncset.done $0x0  }
0x1f: {  	[sflag:s13] =	ssyncadd.s32 $0xFFFFFF80  }
0x20: {  	[tilespmem:s16], [sflag:$0x2] =	stream.linear.gather [hbm4b:s8+s2], $0x80, $0x38;
	[tilespmem:$0x8640] =	vst v63  }
0x21: {  	_ =	swait.ge [sflag:s13], $0x80  }
0x22: {  	[sflag:s13] =	ssyncset.done $0x0  }
0x23: {  	[sflag:s13] =	ssyncadd.s32 $0xFFFFFF80  }
0x24: {  	[tilespmem:s17], [sflag:$0x1] =	stream.indirect.gather [hbm4b:s3+s14], $0x40, s2, s14, $0xb8;
	[tilespmem:$0x8640] =	vst v63  }
0x25: {  	_ = 	snop  }
0x26: {  	[tilespmem:s18], [sflag:$0x1] =	stream.indirect.gather [hbm4b:s3+s14], $0x40, s14, s14, $0xb8;
	[tilespmem:$0x8640] =	vst v63  }
0x27: {  	_ = 	snop  }
0x28: {  	[tilespmem:s19], [sflag:$0x1] =	stream.indirect.gather [hbm4b:s3+s14], $0x40, s15, s14, $0xb8;
	[tilespmem:$0x8640] =	vst v63  }
0x29: {  	_ = 	snop  }
0x2a: {  	[tilespmem:s20], [sflag:$0x1] =	stream.indirect.gather [hbm4b:s3+s14], $0x40, s16, s14, $0xb8;
	[tilespmem:$0x8640] =	vst v63  }
0x2b: {  	_ =	swait.ge [sflag:s21], $0x2000  }
0x2c: {  	[sflag:s21] =	ssyncset.done $0x0  }
0x2d: {  	[sflag:s21] =	ssyncadd.s32 $0xFFFFE000  }
0x2e: {  	_ =	swait.ge [sflag:s21], $0x2000  }
0x2f: {  	[sflag:s21] =	ssyncset.done $0x0  }
0x30: {  	[sflag:s21] =	ssyncadd.s32 $0xFFFFE000  }
0x31: {  	_ =	swait.ge [sflag:s21], $0x2000  }
0x32: {  	[sflag:s21] =	ssyncset.done $0x0  }
0x33: {  	[sflag:s21] =	ssyncadd.s32 $0xFFFFE000  }
0x34: {  	_ =	swait.ge [sflag:s21], $0x2000  }
0x35: {  	[sflag:s21] =	ssyncset.done $0x0  }
0x36: {  	[sflag:s21] =	ssyncadd.s32 $0xFFFFE000  }
0x37: {  	[tilespmem:s22], [sflag:$0x2] =	stream.linear.gather [hbm4b:s9+s2], $0x200, $0x38;
	[tilespmem:$0x8640] =	vst v63  }
0x38: {  	_ =	swait.ge [sflag:s13], $0x200  }
0x39: {  	[sflag:s13] =	ssyncset.done $0x0  }
0x3a: {  	[sflag:s13] =	ssyncadd.s32 $0xFFFFFE00  }
0x3b: {  	v0 =	vld [tilespmem:$0x8200]  }
0x3c: {  	v1 =	vld [tilespmem:$0x8210]  }
0x3d: {  	v2 =	vld [tilespmem:$0x8220]  }
0x3e: {  	s25 =	simm.s32 $0x400;
	v3 =	vld [tilespmem:$0x8230]  }
0x3f: {  	v5 =	vld [tilespmem:s25+$0x190]  }
0x40: {  	v4 =	vld [tilespmem:s25+$0x150]  }
0x41: {  	v6 =	vld [tilespmem:s25+$0xB0]  }
0x42: {  	v7 =	vld [tilespmem:s25+$0xF0]  }
0x43: {  	v8 =	vld [tilespmem:s25+$0xE0]  }
0x44: {  	v9 =	vld [tilespmem:s25+$0xD0]  }
0x45: {  	v10 =	vld [tilespmem:s25+$0xC0]  }
0x46: {  	v11 =	vld [tilespmem:s25+$0xA0]  }
0x47: {  	v12 =	vld [tilespmem:s25+$0x90]  }
0x48: {  	v13 =	vld [tilespmem:s25+$0x80]  }
0x49: {  	v14 =	vld [tilespmem:s25+$0x50]  }
0x4a: {  	v15 =	vld [tilespmem:s25+$0xFFFFFFB0]  }
0x4b: {  	v16 =	vld [tilespmem:s25+$0xFFFFFFF0]  }
0x4c: {  	v17 =	vld [tilespmem:s25+$0xFFFFFFA0]  }
0x4d: {  	v18 =	vld [tilespmem:s25+$0xFFFFFFE0]  }
0x4e: {  	v19 =	vld [tilespmem:s25+$0xFFFFFFD0]  }
0x4f: {  	v20 =	vld [tilespmem:s25+$0xFFFFFFC0]  }
0x50: {  	v21 =	vld [tilespmem:s25+$0xFFFFFF90]  }
0x51: {  	v22 =	vld [tilespmem:s25+$0xFFFFFF80]  }
0x52: {  	v23 =	vld [tilespmem:s25+$0xFFFFFF50]  }
0x53: {  	v24 =	vld [tilespmem:s25+$0xFFFFFEB0]  }
0x54: {  	v25 =	vld [tilespmem:s25+$0xFFFFFEF0]  }
0x55: {  	v26 =	vld [tilespmem:s25+$0xFFFFFEE0]  }
0x56: {  	v27 =	vld [tilespmem:s25+$0xFFFFFED0]  }
0x57: {  	v28 =	vld [tilespmem:s25+$0xFFFFFEC0]  }
0x58: {  	v53 =	vld [tilespmem:s25+$0xFFFFFEA0]  }
0x59: {  	v54 =	vld [tilespmem:s25+$0xFFFFFE90]  }
0x5a: {  	v56 =	vld [tilespmem:s25+$0xFFFFFE80];
	v9 =	vmul.f32 v9, v1  }
0x5b: {  	v59 =	vld [tilespmem:s25+$0xFFFFFE50];
	v10 =	vmul.f32 v10, v0;
	v12 =	vmul.f32 v12, v1  }
0x5c: {  	v60 =	vld [tilespmem:s25+$0xFFFFFE10];
	v13 =	vmul.f32 v13, v0;
	v8 =	vmul.f32 v8, v2  }
0x5d: {  	v61 =	vld [tilespmem:s25+$0xFFFFFE00];
	v7 =	vmul.f32 v7, v3;
	v11 =	vmul.f32 v11, v2  }
0x5e: {  	v63 =	vld [tilespmem:s25+$0xFFFFFE40];
	v55 =	vmul.f32 v22, v0;
	v21 =	vmul.f32 v21, v1  }
0x5f: {  	v29 =	vld [tilespmem:s25+$0xFFFFFE20];
	v57 =	vmul.f32 v19, v1;
	v58 =	vmul.f32 v20, v0  }
0x60: {  	v31 =	vld [tilespmem:s25+$0xFFFFFE60];
	v6 =	vmul.f32 v6, v3;
	v17 =	vmul.f32 v17, v2  }
0x61: {  	v33 =	vld [tilespmem:s25+$0xFFFFFE30];
	v62 =	vmul.f32 v15, v3;
	v27 =	vmul.f32 v27, v1  }
0x62: {  	v35 =	vld [tilespmem:s25+$0xFFFFFE70];
	v28 =	vmul.f32 v28, v0;
	v30 =	vmul.f32 v16, v3  }
0x63: {  	v38 =	vld [tilespmem:s25+$0xFFFFFF10];
	v32 =	vmul.f32 v26, v2;
	v22 =	vmul.f32 v56, v0;
	v9 =	vadd.f32 v9, v10  }
0x64: {  	v39 =	vld [tilespmem:s25+$0xFFFFFF00];
	v34 =	vmul.f32 v25, v3;
	v36 =	vmul.f32 v61, v0;
	v12 =	vadd.f32 v12, v13  }
0x65: {  	v42 =	vld [tilespmem:s25+$0xFFFFFF40];
	v37 =	vmul.f32 v60, v1;
	v15 =	vmul.f32 v63, v0;
	v8 =	vadd.f32 v8, v9  }
0x66: {  	v44 =	vld [tilespmem:s25+$0xFFFFFF20];
	v20 =	vmul.f32 v59, v1;
	v11 =	vadd.f32 v11, v12;
	v9 =	vadd.f32 v21, v55  }
0x67: {  	v47 =	vld [tilespmem:s25+$0xFFFFFF60];
	v12 =	vadd.f32 v57, v58;
	v7 =	vadd.f32 v7, v8;
	v8 =	vmul.f32 v18, v2  }
0x68: {  	v50 =	vld [tilespmem:s25+$0xFFFFFF70];
	v13 =	vmul.f32 v54, v1;
	v40 =	vadd.f32 v37, v36;
	v9 =	vadd.f32 v17, v9  }
0x69: {  	v52 =	vld [tilespmem:s25+$0x10];
	v41 =	vmul.f32 v29, v2;
	v8 =	vadd.f32 v8, v12;
	v12 =	vadd.f32 v27, v28  }
0x6a: {  	v59 =	vld [tilespmem:s25+$0x30];
	v10 =	vmul.f32 v53, v2;
	v13 =	vadd.f32 v13, v22;
	v6 =	vadd.f32 v6, v11  }
0x6b: {  	s28 =	simm.s32 $0x0;
	v45 =	vmul.f32 v31, v2;
	v61 =	vld [tilespmem:s25+$0x110];
	v9 =	vadd.f32 v62, v9;
	(xrf2) =	vadd.scan.msk.f32 $0xffff, v7;
	v12 =	vadd.f32 v32, v12  }
0x6c: {  	v29 =	vld [tilespmem:s28+$0x8240];
	v10 =	vadd.f32 v10, v13;
	(xrf2) =	vadd.scan.msk.f32 $0xffff, v6;
	v6 =	vmul.f32 v24, v3;
	v8 =	vadd.f32 v30, v8  }
0x6d: {  	v46 =	vmul.f32 v33, v3;
	v33 =	vld [tilespmem:s25+$0x120];
	v43 =	vadd.f32 v20, v15;
	(xrf2) =	vadd.scan.msk.f32 $0xffff, v9;
	v7 =	vadd.f32 v34, v12  }
0x6e: {  	v56 =	vmul.f32 v42, v0;
	v42 =	vld [tilespmem:s25+$0x1A0];
	v11 =	vadd.f32 v41, v40;
	v6 =	vadd.f32 v6, v10;
	(xrf2) =	vadd.scan.msk.f32 $0xffff, v8  }
0x6f: {  	v48 =	vmul.f32 v35, v3;
	v8 =	vld [tilespmem:s25+$0xFFFFFF30];
	(xrf2) =	vadd.scan.msk.f32 $0xffff, v7;
	v7 =	vadd.f32 v45, v43  }
0x70: {  	v51 =	vmul.f32 v38, v1;
	v53 =	vld [tilespmem:s25+$0x0];
	v49 =	vadd.f32 v46, v11;
	(xrf2) =	vadd.scan.msk.f32 $0xffff, v6;
	v6 =	vmul.f32 v39, v0  }
0x71: {  	v37 =	vld [tilespmem:s25+$0x180];
	v57 =	vmul.f32 v23, v1;
	v7 =	vadd.f32 v48, v7  }
0x72: {  	v54 =	vmul.f32 v44, v2;
	v55 =	vld [tilespmem:s25+$0x40];
	(xrf2) =	vadd.scan.msk.f32 $0xffff, v49;
	v6 =	vadd.f32 v51, v6  }
0x73: {  	v16 =	vmul.f32 v47, v2;
	v14 =	vmul.f32 v14, v1;
	v58 =	vld [tilespmem:s25+$0x20];
	v15 =	vadd.f32 v57, v56;
	(xrf2) =	vadd.scan.msk.f32 $0xffff, v7  }
0x74: {  	v5 =	vmul.f32 v5, v1;
	v7 =	vmul.f32 v8, v3;
	v8 =	vld [tilespmem:s25+$0x60];
	v6 =	vadd.f32 v54, v6  }
0x75: {  	v4 =	vmul.f32 v4, v1;
	v11 =	vmul.f32 v50, v3;
	v15 =	vadd.f32 v16, v15;
	v46 =	vld [tilespmem:s25+$0x170];
	v10, _, _ =	vpop (xrf2)  }
0x76: {  	v13 =	vmul.f32 v52, v1;
	v9 =	vmul.f32 v53, v0;
	v19, _, _ =	vpop (xrf2);
	v6 =	vadd.f32 v7, v6;
	v7 =	vld [tilespmem:s25+$0x70]  }
0x77: {  	v21 =	vmul.f32 v61, v1;
	v11 =	vadd.f32 v11, v15;
	v12 =	vmul.f32 v55, v0;
	v39 =	vld [tilespmem:s25+$0x160];
	v60, _, _ =	vpop (xrf2)  }
0x78: {  	v28 =	vmul.f32 v58, v2;
	v32 =	vmul.f32 v59, v3;
	v9 =	vadd.f32 v13, v9;
	v62, _, _ =	vpop (xrf2);
	(xrf2) =	vadd.scan.msk.f32 $0xffff, v6;
	v6 =	vld [tilespmem:s25+$0x100]  }
0x79: {  	v30 =	vld [tilespmem:s25+$0x140];
	v13 =	vmul.f32 v37, v0;
	v12 =	vadd.f32 v14, v12;
	v8 =	vmul.f32 v8, v2;
	v63, _, _ =	vpop (xrf2);
	(xrf2) =	vadd.scan.msk.f32 $0xffff, v11  }
0x7a: {  	v36 =	vld [tilespmem:s25+$0x130];
	v53 =	vmul.f32 v46, v3;
	v9 =	vadd.f32 v28, v9;
	v14 =	vmul.f32 v33, v2  }
0x7b: {  	v5 =	vadd.f32 v5, v13;
	v31, _, _ =	vpop (xrf2);
	v8 =	vadd.f32 v8, v12;
	v7 =	vmul.f32 v7, v3  }
0x7c: {  	v9 =	vadd.f32 v32, v9;
	v49 =	vmul.f32 v42, v2;
	v47 =	vmul.f32 v39, v2;
	v34, _, _ =	vpop (xrf2)  }
0x7d: {  	v35 =	vbroadcast v34, $0xF;
	v6 =	vmul.f32 v6, v0;
	v38, _, _ =	vpop (xrf2);
	v7 =	vadd.f32 v7, v8  }
0x7e: {  	v5 =	vadd.f32 v49, v5;
	(xrf2) =	vadd.scan.msk.f32 $0xffff, v9;
	v8 =	vmul.f32 v30, v0;
	v17 =	vbroadcast v38, $0xF  }
0x7f: {  	v11 =	vadd.f32 v35, v29;
	v6 =	vadd.f32 v21, v6;
	(xrf2) =	vadd.scan.msk.f32 $0xffff, v7;
	v7 =	vmul.f32 v36, v3  }
0x80: {  	v40 =	vbroadcast v31, $0xF;
	v4 =	vadd.f32 v4, v8;
	v8 =	vld [tilespmem:s25+$0x1C0];
	v41 =	vadd.f32 v17, v29  }
0x81: {  	v48 =	vld [tilespmem:s25+$0x1B0];
	v16 =	vbroadcast v63, $0xF;
	v11 =	vsel vm0, v11, v29;
	v6 =	vadd.f32 v14, v6  }
0x82: {  	v43 =	vld [tilespmem:s25+$0x1D0];
	v50 =	vbroadcast v60, $0xF;
	v9 =	vadd.f32 v40, v11;
	v44, _, _ =	vpop (xrf2);
	v11 =	vsel vm1, v11, v41  }
0x83: {  	v45 =	vbroadcast v44, $0xF;
	v16 =	vadd.f32 v16, v11;
	v6 =	vadd.f32 v7, v6;
	v7, _, _ =	vpop (xrf2)  }
0x84: {  	v51 =	vld [tilespmem:s25+$0x1E0];
	v4 =	vadd.f32 v47, v4;
	v9 =	vsel vm2, v11, v9;
	v7 =	vbroadcast v7, $0xF  }
0x85: {  	v8 =	vmul.f32 v8, v0;
	v11 =	vadd.f32 v45, v11;
	v9 =	vsel vm3, v9, v16  }
0x86: {  	v56 =	vmul.f32 v48, v3;
	v52 =	vbroadcast v62, $0xF;
	(xrf2) =	vadd.scan.msk.f32 $0xffff, v6;
	v7 =	vadd.f32 v7, v9  }
0x87: {  	v54 =	vld [tilespmem:s25+$0x1F0];
	v4 =	vadd.f32 v53, v4;
	v6 =	vmul.f32 v43, v1;
	v11 =	vsel vm4, v9, v11  }
0x88: {  	v5 =	vadd.f32 v56, v5;
	v55, _, _ =	vpop (xrf2);
	v16 =	vadd.f32 v50, v11;
	v7 =	vsel vm5, v11, v7  }
0x89: {  	v58 =	vmul.f32 v51, v2;
	(xrf2) =	vadd.scan.msk.f32 $0xffff, v4;
	v6 =	vadd.f32 v6, v8;
	v8, _, _ =	vpop (xrf2);
	v12 =	vadd.f32 v52, v7  }
0x8a: {  	v57 =	vbroadcast v55, $0xF;
	v8 =	vbroadcast v8, $0xF;
	v59 =	vsel vm6, v7, v16  }
0x8b: {  	v6 =	vadd.f32 v58, v6;
	v12 =	vsel vm7, v59, v12  }
0x8c: {  	v61 =	vmul.f32 v54, v3;
	(xrf2) =	vadd.scan.msk.f32 $0xffff, v5;
	v7 =	vadd.f32 v57, v7;
	v8 =	vadd.f32 v8, v12  }
0x8d: {  	v60 =	vbroadcast v19, $0xF  }
0x8e: {  	v6 =	vadd.f32 v61, v6;
	v7 =	vsel vm8, v12, v7  }
0x8f: {  	v62 =	vbroadcast v10, $0xF;
	v63 =	vadd.f32 v60, v7  }
0x90: {  	(xrf2) =	vadd.scan.msk.f32 $0xffff, v6;
	v4 =	vsel vm9, v7, v8;
	v8, _, _ =	vpop (xrf2)  }
0x91: {  	s26 =	simm.s32 $0x40;
	v5 =	vadd.f32 v62, v4;
	v7 =	vsel vm10, v4, v63;
	v6 =	vbroadcast v8, $0xF  }
.LBB2_2:
0x92: {  	p0 =	sne.s32 s26, $0x7C0  }
0x93: {  	s25 =	sadd.s32 $0x400, s25;
	s29 =	smov.u32 s26;
	s26 =	sadd.s32 $0x40, s26;
	v8, _, _ =	vpop (xrf2)  }
0x94: {  	_ = 	snop  }
0x95: {  	v5 =	vsel vm11, v7, v5;
	v7 =	vbroadcast v8, $0xF  }
0x96: {  	v4 =	vadd.f32 v6, v4;
	v6, _, _ =	vpop (xrf2)  }
0x97: {  	v7 =	vadd.f32 v7, v5;
	v8 =	vbroadcast v6, $0xF  }
0x98: {  	v4 =	vsel vm12, v5, v4  }
0x99: {  	v5 =	vsel vm13, v4, v7;
	v4 =	vadd.f32 v8, v4  }
0x9a: {  	v6, _, _ =	vpop (xrf2)  }
0x9b: {  	v4 =	vsel vm14, v5, v4;
	v5 =	vadd.f32 v6, v5;
	_ =	sdelay $0x1  }
0x9c: {  	v4 =	vsel vm15, v4, v5  }
0x9d: {  	[tilespmem:s28+$0x8440] =	vst v4  }
0x9e: {  	v4 =	vld [tilespmem:s25+$0x140]  }
0x9f: {  	v7 =	vld [tilespmem:s25+$0x190]  }
0xa0: {  	v5 =	vld [tilespmem:s25+$0x150]  }
0xa1: {  	v6 =	vld [tilespmem:s25+$0xB0]  }
0xa2: {  	v8 =	vld [tilespmem:s25+$0xF0]  }
0xa3: {  	v10 =	vld [tilespmem:s25+$0xE0]  }
0xa4: {  	v11 =	vld [tilespmem:s25+$0xD0]  }
0xa5: {  	v12 =	vld [tilespmem:s25+$0xC0]  }
0xa6: {  	v13 =	vld [tilespmem:s25+$0xA0]  }
0xa7: {  	v14 =	vld [tilespmem:s25+$0x90]  }
0xa8: {  	v15 =	vld [tilespmem:s25+$0x80]  }
0xa9: {  	v9 =	vld [tilespmem:s25+$0x50];
	v11 =	vmul.f32 v11, v1  }
0xaa: {  	v16 =	vld [tilespmem:s25+$0xFFFFFFB0];
	v12 =	vmul.f32 v12, v0  }
0xab: {  	v17 =	vld [tilespmem:s25+$0xFFFFFFF0]  }
0xac: {  	v10 =	vmul.f32 v10, v2;
	v18 =	vld [tilespmem:s25+$0xFFFFFFA0];
	v14 =	vmul.f32 v14, v1;
	v11 =	vadd.f32 v11, v12  }
0xad: {  	v12 =	vld [tilespmem:s25+$0xFFFFFFE0];
	v15 =	vmul.f32 v15, v0  }
0xae: {  	v8 =	vmul.f32 v8, v3;
	v19 =	vld [tilespmem:s25+$0xFFFFFFD0];
	v10 =	vadd.f32 v10, v11  }
0xaf: {  	v13 =	vmul.f32 v13, v2;
	v11 =	vld [tilespmem:s25+$0xFFFFFFC0];
	v14 =	vadd.f32 v14, v15  }
0xb0: {  	v15 =	vld [tilespmem:s25+$0xFFFFFF90];
	v8 =	vadd.f32 v8, v10  }
0xb1: {  	v6 =	vmul.f32 v6, v3;
	v10 =	vld [tilespmem:s25+$0xFFFFFF80];
	v13 =	vadd.f32 v13, v14  }
0xb2: {  	v14 =	vld [tilespmem:s25+$0xFFFFFF50];
	(xrf2) =	vadd.scan.msk.f32 $0xffff, v8  }
0xb3: {  	v20 =	vld [tilespmem:s25+$0xFFFFFEB0];
	v8 =	vmul.f32 v19, v1;
	v6 =	vadd.f32 v6, v13  }
0xb4: {  	v13 =	vld [tilespmem:s25+$0xFFFFFEF0];
	v11 =	vmul.f32 v11, v0  }
0xb5: {  	v12 =	vmul.f32 v12, v2;
	v19 =	vld [tilespmem:s25+$0xFFFFFEE0];
	(xrf2) =	vadd.scan.msk.f32 $0xffff, v6  }
0xb6: {  	v15 =	vmul.f32 v15, v1;
	v6 =	vld [tilespmem:s25+$0xFFFFFED0];
	v10 =	vmul.f32 v10, v0;
	v8 =	vadd.f32 v8, v11  }
0xb7: {  	v11 =	vld [tilespmem:s25+$0xFFFFFEC0]  }
0xb8: {  	v21 =	vld [tilespmem:s25+$0xFFFFFEA0];
	v10 =	vadd.f32 v15, v10;
	v15 =	vmul.f32 v18, v2;
	v8 =	vadd.f32 v12, v8  }
0xb9: {  	v12 =	vld [tilespmem:s25+$0xFFFFFE90]  }
0xba: {  	v18 =	vld [tilespmem:s25+$0xFFFFFE80];
	v10 =	vadd.f32 v15, v10;
	v15 =	vmul.f32 v16, v3  }
0xbb: {  	v16 =	vld [tilespmem:s25+$0xFFFFFE50];
	v22 =	vmul.f32 v6, v1  }
0xbc: {  	v23 =	vld [tilespmem:s25+$0xFFFFFE10];
	v11 =	vmul.f32 v11, v0;
	v10 =	vadd.f32 v15, v10;
	v6, _, _ =	vpop (xrf2)  }
0xbd: {  	v17 =	vmul.f32 v17, v3;
	v15 =	vld [tilespmem:s25+$0xFFFFFE00]  }
0xbe: {  	v19 =	vmul.f32 v19, v2;
	v24 =	vld [tilespmem:s25+$0xFFFFFE40];
	v12 =	vmul.f32 v12, v1;
	v11 =	vadd.f32 v22, v11;
	(xrf2) =	vadd.scan.msk.f32 $0xffff, v10  }
0xbf: {  	v17 =	vadd.f32 v17, v8;
	v10 =	vld [tilespmem:s25+$0xFFFFFE20];
	v18 =	vmul.f32 v18, v0;
	v8, _, _ =	vpop (xrf2)  }
0xc0: {  	v13 =	vmul.f32 v13, v3;
	v22 =	vld [tilespmem:s25+$0xFFFFFE60];
	v11 =	vadd.f32 v19, v11  }
0xc1: {  	v20 =	vmul.f32 v20, v3;
	v19 =	vld [tilespmem:s25+$0xFFFFFE30];
	v12 =	vadd.f32 v12, v18;
	v18 =	vmul.f32 v21, v2;
	(xrf2) =	vadd.scan.msk.f32 $0xffff, v17  }
0xc2: {  	v17 =	vmul.f32 v23, v1;
	v15 =	vmul.f32 v15, v0;
	v21 =	vld [tilespmem:s25+$0xFFFFFE70];
	v11 =	vadd.f32 v13, v11  }
0xc3: {  	v16 =	vmul.f32 v16, v1;
	v13 =	vmul.f32 v24, v0;
	v12 =	vadd.f32 v18, v12;
	v18 =	vld [tilespmem:s25+$0xFFFFFF10]  }
0xc4: {  	v15 =	vadd.f32 v17, v15;
	v10 =	vmul.f32 v10, v2;
	v17 =	vld [tilespmem:s25+$0xFFFFFF00];
	(xrf2) =	vadd.scan.msk.f32 $0xffff, v11  }
0xc5: {  	v11 =	vadd.f32 v16, v13;
	v13 =	vmul.f32 v22, v2;
	v12 =	vadd.f32 v20, v12;
	v16 =	vld [tilespmem:s25+$0xFFFFFF40]  }
0xc6: {  	v10 =	vadd.f32 v10, v15;
	v22 =	vmul.f32 v19, v3;
	v19 =	vld [tilespmem:s25+$0xFFFFFF20]  }
0xc7: {  	v11 =	vadd.f32 v13, v11;
	v13 =	vmul.f32 v21, v3;
	v20 =	vld [tilespmem:s25+$0xFFFFFF60];
	(xrf2) =	vadd.scan.msk.f32 $0xffff, v12  }
0xc8: {  	v10 =	vadd.f32 v22, v10;
	v12 =	vld [tilespmem:s25+$0xFFFFFF30];
	v15, _, _ =	vpop (xrf2)  }
0xc9: {  	v11 =	vadd.f32 v13, v11;
	v13 =	vmul.f32 v17, v0;
	v17 =	vmul.f32 v18, v1;
	v18 =	vld [tilespmem:s25+$0xFFFFFF70]  }
0xca: {  	v14 =	vmul.f32 v14, v1;
	v16 =	vmul.f32 v16, v0;
	v21 =	vld [tilespmem:s25+$0x10];
	(xrf2) =	vadd.scan.msk.f32 $0xffff, v10  }
0xcb: {  	v10 =	vadd.f32 v17, v13;
	v13 =	vmul.f32 v19, v2;
	v17 =	vld [tilespmem:s25+$0x0];
	v19, _, _ =	vpop (xrf2)  }
0xcc: {  	v14 =	vadd.f32 v14, v16;
	v16 =	vmul.f32 v20, v2;
	v20 =	vld [tilespmem:s25+$0x40]  }
0xcd: {  	v10 =	vadd.f32 v13, v10;
	v12 =	vmul.f32 v12, v3;
	v13 =	vld [tilespmem:s25+$0x20];
	(xrf2) =	vadd.scan.msk.f32 $0xffff, v11  }
0xce: {  	v11 =	vadd.f32 v16, v14;
	v14 =	vmul.f32 v18, v3;
	v16 =	vld [tilespmem:s25+$0x60];
	v18, _, _ =	vpop (xrf2)  }
0xcf: {  	v10 =	vadd.f32 v12, v10;
	v12 =	vmul.f32 v21, v1;
	v21 =	vld [tilespmem:s25+$0x30]  }
0xd0: {  	v11 =	vadd.f32 v14, v11;
	v14 =	vmul.f32 v17, v0;
	v17 =	vld [tilespmem:s25+$0x70]  }
0xd1: {  	v9 =	vmul.f32 v9, v1;
	v20 =	vmul.f32 v20, v0;
	v22 =	vld [tilespmem:s25+$0x110];
	v23, _, _ =	vpop (xrf2);
	(xrf2) =	vadd.scan.msk.f32 $0xffff, v10  }
0xd2: {  	s28 =	sshra.s32 s29, $0x2;
	v10 =	vadd.f32 v12, v14;
	v12 =	vmul.f32 v13, v2;
	v13 =	vld [tilespmem:s25+$0x100]  }
0xd3: {  	v14 =	vld [tilespmem:s28+$0x8240];
	v9 =	vadd.f32 v9, v20;
	v16 =	vmul.f32 v16, v2  }
0xd4: {  	v10 =	vadd.f32 v12, v10;
	v12 =	vmul.f32 v21, v3;
	v20 =	vld [tilespmem:s25+$0x120];
	v21, _, _ =	vpop (xrf2);
	(xrf2) =	vadd.scan.msk.f32 $0xffff, v11  }
0xd5: {  	v7 =	vmul.f32 v7, v1;
	v9 =	vadd.f32 v16, v9;
	v11 =	vmul.f32 v17, v3;
	v16 =	vld [tilespmem:s25+$0x160]  }
0xd6: {  	v5 =	vmul.f32 v5, v1;
	v17 =	vbroadcast v21, $0xF;
	v10 =	vadd.f32 v12, v10;
	v12 =	vld [tilespmem:s25+$0x130]  }
0xd7: {  	v9 =	vadd.f32 v11, v9;
	v11 =	vmul.f32 v13, v0;
	v13 =	vmul.f32 v22, v1;
	v21 =	vld [tilespmem:s25+$0x180];
	v22, _, _ =	vpop (xrf2)  }
0xd8: {  	v4 =	vmul.f32 v4, v0;
	v17 =	vadd.f32 v17, v14;
	v22 =	vbroadcast v22, $0xF;
	(xrf2) =	vadd.scan.msk.f32 $0xffff, v10  }
0xd9: {  	v10 =	vbroadcast v23, $0xF;
	v11 =	vadd.f32 v13, v11;
	v13 =	vmul.f32 v20, v2  }
0xda: {  	v17 =	vsel vm0, v17, v14;
	v14 =	vadd.f32 v22, v14;
	v16 =	vmul.f32 v16, v2;
	v20 =	vld [tilespmem:s25+$0x1A0]  }
0xdb: {  	v18 =	vbroadcast v18, $0xF;
	v10 =	vadd.f32 v10, v17;
	v12 =	vmul.f32 v12, v3;
	v22 =	vld [tilespmem:s25+$0x1D0];
	v23, _, _ =	vpop (xrf2);
	(xrf2) =	vadd.scan.msk.f32 $0xffff, v9  }
0xdc: {  	v9 =	vsel vm1, v17, v14;
	v14 =	vbroadcast v23, $0xF;
	v17 =	vld [tilespmem:s25+$0x170];
	v23 =	vmul.f32 v21, v0  }
0xdd: {  	v11 =	vadd.f32 v13, v11;
	v10 =	vsel vm2, v9, v10;
	v18 =	vadd.f32 v18, v9;
	v13 =	vld [tilespmem:s25+$0x1B0]  }
0xde: {  	v4 =	vadd.f32 v5, v4;
	v5 =	vadd.f32 v7, v23;
	v7 =	vld [tilespmem:s25+$0x1C0];
	v21, _, _ =	vpop (xrf2)  }
0xdf: {  	v9 =	vadd.f32 v14, v9;
	v10 =	vsel vm3, v10, v18;
	v14 =	vmul.f32 v20, v2  }
0xe0: {  	v15 =	vbroadcast v15, $0xF;
	v4 =	vadd.f32 v16, v4;
	v16 =	vmul.f32 v22, v1;
	v18 =	vld [tilespmem:s25+$0x1E0]  }
0xe1: {  	v19 =	vbroadcast v19, $0xF;
	v11 =	vadd.f32 v12, v11;
	v9 =	vsel vm4, v10, v9  }
0xe2: {  	v12 =	vbroadcast v21, $0xF;
	v15 =	vadd.f32 v15, v9;
	v17 =	vmul.f32 v17, v3;
	v20 =	vld [tilespmem:s25+$0x1F0];
	v21, _, _ =	vpop (xrf2)  }
0xe3: {  	v5 =	vadd.f32 v14, v5;
	v14 =	vmul.f32 v13, v3;
	v7 =	vmul.f32 v7, v0;
	(xrf2) =	vadd.scan.msk.f32 $0xffff, v11  }
0xe4: {  	v10 =	vadd.f32 v12, v10;
	v11 =	vbroadcast v21, $0xF;
	v4 =	vadd.f32 v17, v4  }
0xe5: {  	v5 =	vadd.f32 v14, v5;
	v7 =	vadd.f32 v16, v7;
	v12 =	vmul.f32 v18, v2;
	v13, _, _ =	vpop (xrf2)  }
0xe6: {  	v9 =	vsel vm5, v9, v10;
	v10 =	vbroadcast v13, $0xF;
	(xrf2) =	vadd.scan.msk.f32 $0xffff, v4  }
0xe7: {  	v8 =	vbroadcast v8, $0xF;
	v4 =	vsel vm6, v9, v15;
	v13 =	vadd.f32 v19, v9  }
0xe8: {  	v6 =	vbroadcast v6, $0xF;
	v9 =	vadd.f32 v11, v9;
	v11 =	vmul.f32 v20, v3  }
0xe9: {  	v7 =	vadd.f32 v12, v7;
	v4 =	vsel vm7, v4, v13;
	(xrf2) =	vadd.scan.msk.f32 $0xffff, v5  }
.Ltmp0:
0xea: {  	v5 =	vadd.f32 v10, v4;
	(pc) =	sbr.rel @p0 .LBB2_2-.Ltmp0, $4  }
0xeb: {  	v9 =	vsel vm8, v4, v9;
	v7 =	vadd.f32 v11, v7  }
0xec: {  	v8 =	vadd.f32 v8, v9;
	v4 =	vsel vm9, v9, v5  }
0xed: {  	v5 =	vadd.f32 v6, v4;
	v6, _, _ =	vpop (xrf2);
	(xrf2) =	vadd.scan.msk.f32 $0xffff, v7  }
0xee: {  	v7 =	vsel vm10, v4, v8;
	v6 =	vbroadcast v6, $0xF  }
0xef: {  	_ =	sdelay $0x2  }
0xf0: {  	v0, _, _ =	vpop (xrf2)  }
0xf1: {  	v0 =	vbroadcast v0, $0xF  }
0xf2: {  	v1 =	vsel vm11, v7, v5;
	v2 =	vadd.f32 v6, v4;
	v3, _, _ =	vpop (xrf2)  }
0xf3: {  	v0 =	vadd.f32 v0, v1;
	v3 =	vbroadcast v3, $0xF  }
0xf4: {  	v1 =	vsel vm12, v1, v2  }
0xf5: {  	v0 =	vsel vm13, v1, v0;
	v1 =	vadd.f32 v3, v1;
	v63, _, _ =	vpop (xrf2)  }
0xf6: {  	v2 =	vadd.f32 v63, v0  }
0xf7: {  	s24 =	sadd.s32 $0x1, s24;
	v0 =	vsel vm14, v0, v1  }
0xf8: {  	p0 =	sne.s32 s24, s11;
	v0 =	vsel vm15, v0, v2  }
.Ltmp1:
0xf9: {  	[tilespmem:s28+$0x8440] =	vst v0;
	(pc) =	sbr.rel @p0 .LBB2_1-.Ltmp1, $4  }
0xfa: {  	[hbm4b:s10+s2] =	stream.linear.scatter [tilespmem:s23], [sflag:$0x2], $0x200, $0x38;
	[tilespmem:$0x8640] =	vst v63  }
0xfb: {  	_ =	swait.ge [sflag:s13], $0x200  }
0xfc: {  	[sflag:s13] =	ssyncset.done $0x0  }
0xfd: {  	[sflag:s13] =	ssyncadd.s32 $0xFFFFFE00  }
0xfe: {  	_ =	sfence.sel $0x180000  }
0xff: {  	[bflag:$0x0] =	sbarrier.arrive $0xFFFF  }
0x100: {  	p0 =	sne.s32 s1, $0x0;
	_ =	strace $0x90000047  }
0x101: {  	s0 =	sadd.s32 @!p0 $0x100000, s0;
	[bflag:$0x2] =	sbarrier.arrive $0xFFFF  }
0x102: {  	[sflag:s0] =	ssyncadd.tile.s32 @!p0 $0x1;
	_ =	shalt  }
.Lfunc_end2:
_tile_overlayer_lowered:
.L_overlay_start_2:
0x103: {  	(tag) =	ssettag $0x2  }
0x104: {  	s0 =	rddreg [dreg:$0x0];
	s2 =	stileid.u32  }
0x105: {  	s1 =	rddreg [dreg:$0x1];
	p0 =	sne.s32 s2, $0x0  }
0x106: {  	s3 =	rddreg [dreg:$0x2];
	[bflag:$0x3] =	sbarrier.arrive $0xFFFF;
	s2 =	simm.s32 @!p0 $0x1C02  }
0x107: {  	[timem:s3], [sflag:s2] =	dma.local @!p0 [hbm:s0], s1  }
0x108: {  	s0 =	simm.s32 @!p0 $0x2  }
0x109: {  	_ =	swait.ge @!p0 [sflag:s0], s1  }
0x10a: {  	s1 =	ssub.s32 @!p0 $0x0, s1;
	[sflag:s0] =	ssyncset.done @!p0 $0x0  }
0x10b: {  	[sflag:s0] =	ssyncadd.s32 @!p0 s1  }
0x10c: {  	[bflag:$0x3] =	sbarrier.arrive $0xFFFF  }
0x10d: {  	_ =	shalt  }

// kernel: kernel.7.cloned.1.call-start
scs
__scs_entry_jumppad:
0x0: {  	(pc) =	sbr.rel $0x88, $3  }
0x1: {  	(tag) =	ssettag $0x0;
	lr =	simm.s32 $0x1  }
0x2: {  	[smem:$0x3F9B] =	sst lr;
	_ =	strace $0xD0000000  }
0x3: {  	_ = 	snop  }
0x4: {  	_ = 	snop  }
0x5: {  	_ = 	snop  }
0x6: {  	_ = 	snop  }
0x7: {  	_ = 	snop  }
__scs_overlays_trampoline_lowered:
0x8: {  	[smem:$0x3FAA] =	sst s0  }
0x9: {  	[smem:$0x3FAB] =	sst s1  }
0xa: {  	[smem:$0x3FAC] =	sst s2  }
0xb: {  	[smem:$0x3FAD] =	sst s3  }
0xc: {  	[smem:$0x3FAE] =	sst s4  }
0xd: {  	[smem:$0x3FAF] =	sst s5  }
0xe: {  	[smem:$0x3FB0] =	sst s6  }
0xf: {  	[smem:$0x3FB1] =	sst s7  }
0x10: {  	[smem:$0x3FB2] =	sst s8  }
0x11: {  	[smem:$0x3FB3] =	sst s9;
	s0 =	simm.s32 @!p0 $0x0  }
0x12: {  	s1 =	sld [smem:$0x3F99];
	s0 =	simm.s32 @p0 $0x1  }
0x13: {  	[smem:$0x3FB4] =	sst s0;
	s0 =	simm.s32 @!p1 $0x0  }
0x14: {  	s2 =	sld [smem:$0x3F98];
	s0 =	simm.s32 @p1 $0x1  }
0x15: {  	[smem:$0x3FB5] =	sst s0;
	s0 =	simm.s32 @!p2 $0x0  }
0x16: {  	s3 =	sld [smem:$0x3FDB];
	s0 =	simm.s32 @p2 $0x1  }
0x17: {  	s4 =	simm.s32 $0x1BF5;
	[smem:$0x3FB7] =	sst s0  }
0x18: {  	s0 =	sld [smem:$0x3F9A];
	_ =	swait.ge [sflag:s4], $0x0  }
0x19: {  	s7 =	sld [smem:$0x3F9B]  }
0x1a: {  	s8 =	sadd.s32 $0xFFFFE003, lr  }
0x1b: {  	s9 =	sadd.s32 $0xFFFFFEF7, lr;
	s5 =	simm.s32 $0xFFFFFFFF;
	p2 =	slt.u32 s8, $0xFFFFF086  }
0x1c: {  	p1 =	slt.u32 s9, $0xF7A;
	s5 =	simm.s32 @!p2 $0x0  }
0x1d: {  	s5 =	simm.s32 @p1 $0x1;
	p0 =	seq.s32 s7, s2  }
0x1e: {  	s7 =	smul.u32 @!p0 $0xF7A, s2;
	p2 =	seq.s32 @!p0 s5, $0x0  }
0x1f: {  	s9 =	smul.u32 $0xF7A, s1;
	s8 =	simm.s32 @!p0 $0x1BF5;
	p2 =	por !p2, p0  }
0x20: {  	[sflag:s8] =	ssyncset.s32 @!p0 $0xFFFFF086;
	s6 =	sadd.s32 @!p0 s3, s7;
	s7 =	simm.s32 @!p0 $0x108  }
0x21: {  	s3 =	sadd.s32 s3, s9;
	s6 =	sadd.s32 @!p0 $0x88, s6;
	s7 =	simm.s32 @p2 $0x1082  }
0x22: {  	[simem:s7], [sflag:s8] =	dma.local @!p0 [hbm:s6], $0xF7A  }
0x23: {  	s9 =	sor.u32 $0xD0000000, s2;
	s6 =	simm.s32 $0x108;
	_ =	swait.ge @!p0 [sflag:s8], $0x0  }
0x24: {  	s3 =	sadd.s32 $0x88, s3;
	s6 =	simm.s32 @!p1 $0x1082;
	[sflag:s4] =	ssyncset.s32 $0xFFFFF086  }
0x25: {  	[simem:s6], [sflag:s4] =	dma.local [hbm:s3], $0xF7A  }
0x26: {  	[smem:$0x3F9B] =	sst s1;
	(tag) =	ssettag s2;
	_ =	strace s9  }
0x27: {  	s1 =	sld [smem:$0x3FAB]  }
0x28: {  	s2 =	sld [smem:$0x3FAC]  }
0x29: {  	s4 =	sld [smem:$0x3FAE]  }
0x2a: {  	p0 =	seq.s32 s5, $0x0;
	s5 =	sld [smem:$0x3FAF]  }
0x2b: {  	s6 =	sld [smem:$0x3FB0]  }
0x2c: {  	s7 =	sld [smem:$0x3FB1]  }
0x2d: {  	s3 =	simm.s32 $0x108;
	s8 =	sld [smem:$0x3FB2]  }
0x2e: {  	s3 =	simm.s32 @!p0 $0x1082;
	s9 =	sld [smem:$0x3FB3]  }
0x2f: {  	lr =	sadd.s32 s0, s3;
	s0 =	sld [smem:$0x3FAA]  }
0x30: {  	s3 =	sld [smem:$0x3FAD]  }
0x31: {  	[smem:$0x3FB6] =	sst s10  }
0x32: {  	s10 =	sld [smem:$0x3FB4];
	_ =	sdelay $0x3  }
0x33: {  	p0 =	seq.s32 s10, $0x1;
	s10 =	sld [smem:$0x3FB6];
	_ =	sdelay $0x3  }
0x34: {  	[smem:$0x3FB6] =	sst s10  }
0x35: {  	s10 =	sld [smem:$0x3FB5];
	_ =	sdelay $0x3  }
0x36: {  	p1 =	seq.s32 s10, $0x1;
	s10 =	sld [smem:$0x3FB6];
	_ =	sdelay $0x3  }
0x37: {  	[smem:$0x3FB6] =	sst s10  }
0x38: {  	s10 =	sld [smem:$0x3FB7]  }
0x39: {  	_ = 	snop;
	(pc) =	sbr.ind lr, $3  }
0x3a: {  	_ = 	snop  }
0x3b: {  	_ = 	snop  }
0x3c: {  	p2 =	seq.s32 s10, $0x1;
	s10 =	sld [smem:$0x3FB6]  }
0x3d: {  	_ =	shalt  }
0x3e: {  	_ =	shalt  }
0x3f: {  	_ =	shalt  }
0x40: {  	_ =	shalt  }
0x41: {  	_ =	shalt  }
0x42: {  	_ =	shalt  }
0x43: {  	_ =	shalt  }
0x44: {  	_ =	shalt  }
0x45: {  	_ =	shalt  }
0x46: {  	_ =	shalt  }
0x47: {  	_ =	shalt  }
0x48: {  	_ =	shalt  }
0x49: {  	_ =	shalt  }
0x4a: {  	_ =	shalt  }
0x4b: {  	_ =	shalt  }
0x4c: {  	_ =	shalt  }
0x4d: {  	_ =	shalt  }
0x4e: {  	_ =	shalt  }
0x4f: {  	_ =	shalt  }
0x50: {  	_ =	shalt  }
0x51: {  	_ =	shalt  }
0x52: {  	_ =	shalt  }
0x53: {  	_ =	shalt  }
0x54: {  	_ =	shalt  }
0x55: {  	_ =	shalt  }
0x56: {  	_ =	shalt  }
0x57: {  	_ =	shalt  }
0x58: {  	_ =	shalt  }
0x59: {  	_ =	shalt  }
0x5a: {  	_ =	shalt  }
0x5b: {  	_ =	shalt  }
0x5c: {  	_ =	shalt  }
0x5d: {  	_ =	shalt  }
0x5e: {  	_ =	shalt  }
0x5f: {  	_ =	shalt  }
0x60: {  	_ =	shalt  }
0x61: {  	_ =	shalt  }
0x62: {  	_ =	shalt  }
0x63: {  	_ =	shalt  }
0x64: {  	_ =	shalt  }
0x65: {  	_ =	shalt  }
0x66: {  	_ =	shalt  }
0x67: {  	_ =	shalt  }
0x68: {  	_ =	shalt  }
0x69: {  	_ =	shalt  }
0x6a: {  	_ =	shalt  }
0x6b: {  	_ =	shalt  }
0x6c: {  	_ =	shalt  }
0x6d: {  	_ =	shalt  }
0x6e: {  	_ =	shalt  }
0x6f: {  	_ =	shalt  }
0x70: {  	_ =	shalt  }
0x71: {  	_ =	shalt  }
0x72: {  	_ =	shalt  }
0x73: {  	_ =	shalt  }
0x74: {  	_ =	shalt  }
0x75: {  	_ =	shalt  }
0x76: {  	_ =	shalt  }
0x77: {  	_ =	shalt  }
0x78: {  	_ =	shalt  }
0x79: {  	_ =	shalt  }
0x7a: {  	_ =	shalt  }
0x7b: {  	_ =	shalt  }
0x7c: {  	_ =	shalt  }
0x7d: {  	_ =	shalt  }
0x7e: {  	_ =	shalt  }
0x7f: {  	_ =	shalt  }
0x80: {  	_ =	shalt  }
0x81: {  	_ =	shalt  }
0x82: {  	_ =	shalt  }
0x83: {  	_ =	shalt  }
0x84: {  	_ =	shalt  }
0x85: {  	_ =	shalt  }
0x86: {  	_ =	shalt  }
0x87: {  	_ =	shalt  }
.Lfunc_end0:
.L_simem_size_0:
called_computation.1_lowered:
.L_overlay_start_0:
0x88: {  	s2 =	sld [smem:$0x3FD9]  }
0x89: {  	s3 =	sld [smem:$0x3FFE];
	_ =	sdelay $0x1  }
0x8a: {  	s1 =	srdreg.scid  }
0x8b: {  	s0 =	sand.u32 $0x1, s1  }
0x8c: {  	s17 =	sshll.u32 s0, $0xA;
	s2 =	sadd.s32 s3, s2  }
0x8d: {  	s2 =	sadd.s32 s2, s17  }
0x8e: {  	[smem:$0x3FC2] =	sst s2  }
0x8f: {  	_ = 	snop  }
0x90: {  	s2 =	sld [smem:$0x3FC8]  }
0x91: {  	s18 =	sld [smem:$0x3FD0];
	(tm) =	ssettm $0x1  }
0x92: {  	s4 =	sld [smem:$0x3FFB];
	_ =	sdelay $0x3  }
0x93: {  	_ =	strace s4  }
0x94: {  	s4 =	sld [smem:$0x3FFC];
	_ =	sdelay $0x3  }
0x95: {  	_ =	strace s4  }
0x96: {  	s4 =	sld [smem:$0x3FFD];
	_ =	sdelay $0x3  }
0x97: {  	_ =	strace s4  }
0x98: {  	_ =	strace $0x8FFFFFFF  }
0x99: {  	s19 =	sld [smem:$0x3FDB];
	_ =	sdelay $0x1  }
0x9a: {  	s5 =	simm.s32 $_scs_section_size  }
0x9b: {  	s6 =	simm.s32 $_size__tile_overlayer_lowered;
	s7 =	simm.s32 $_tile_overlayer_lowered  }
0x9c: {  	s22 =	simm.s32 $0x1BFF;
	s21 =	sshll.u32 s7, $0x1;
	s4 =	sadd.s32 s5, s19  }
0x9d: {  	s8 =	simm.s32 $0x0;
	s20 =	sshll.u32 s6, $0x1;
	s6 =	sadd.s32 s21, s4  }
0x9e: {  	[timem:s8], [sflag:s22] =	dma.local [hbm:s6], s20  }
0x9f: {  	_ =	swait.ge [sflag:s22], s20  }
0xa0: {  	s5 =	ssub.s32 $0x0, s20;
	[sflag:s22] =	ssyncset.done $0x0  }
0xa1: {  	[sflag:s22] =	ssyncadd.s32 s5;
	_ =	sdelay $0x1  }
0xa2: {  	s23 =	simm.s32 $0x1B8B  }
0xa3: {  	_ =	swait.ge [sflag:s23], $0x1  }
0xa4: {  	[sflag:s23] =	ssyncset.done $0x0  }
0xa5: {  	s25 =	simm.s32 $0x1B8E;
	s24 =	sld [smem:$0x3FFE];
	[sflag:s23] =	ssyncadd.s32 $0xFFFFFFFF  }
0xa6: {  	s26 =	simm.s32 $execute0_lowered;
	[smem:$0x3FD2] =	sst s25  }
0xa7: {  	s6 =	sshll.u32 s26, $0x1;
	_ =	strace $0x80000049;
	[dreg:$0x1] =	wrdreg $0xFFFFFFFF  }
0xa8: {  	s28 =	simm.s32 $_size_execute0_lowered;
	s4 =	sadd.s32 s4, s6;
	[dreg:$0x0] =	wrdreg $0x0  }
0xa9: {  	s6 =	sshll.u32 s28, $0x1;
	[dreg:$0x2] =	wrdreg s4  }
0xaa: {  	[dreg:$0x3] =	wrdreg s6  }
0xab: {  	[dreg:$0x4] =	wrdreg $0xC0  }
0xac: {  	_ =	task [dreg:s8], $0x5FFFF  }
0xad: {  	[dreg:$0x1] =	wrdreg $0xFFFFFFFF  }
0xae: {  	[dreg:$0x0] =	wrdreg $0x60  }
0xaf: {  	[dreg:$0x2] =	wrdreg s24  }
0xb0: {  	[dreg:$0x3] =	wrdreg s2  }
0xb1: {  	[dreg:$0x4] =	wrdreg s18  }
0xb2: {  	[dreg:$0x5] =	wrdreg $0x9  }
0xb3: {  	_ =	task.clear_ibuf [dreg:s8], $0x6FFFF;
	_ =	strace $0x90000049  }
0xb4: {  	s29 =	simm.s32 $0x9;
	_ =	strace $0x8000004B  }
0xb5: {  	_ =	swait.ge [sflag:s29], $0x1  }
0xb6: {  	[sflag:s29] =	ssyncadd.s32 $0xFFFFFFFF  }
0xb7: {  	_ =	strace $0x9000004B  }
0xb8: {  	_ =	sfence  }
0xb9: {  	s30 =	sld [smem:$0x0];
	_ =	sdelay $0x2  }
0xba: {  	s31 =	sshll.u32 s1, $0xD;
	s1 =	sshrl.u32 s1, $0x2  }
0xbb: {  	s3 =	sand.u32 $0x4000, s31;
	s1 =	sadd.s32 s1, s30  }
0xbc: {  	s0 =	sor.u32 s3, s0;
	s1 =	sshll.u32 s1, $0x11  }
0xbd: {  	s0 =	sor.u32 s1, s0  }
0xbe: {  	s0 =	sadd.s32 $0x8F2B, s0  }
0xbf: {  	[sflag:s0] =	ssyncadd.remote.s32 $0x1  }
0xc0: {  	_ =	sfence.sel $0xFFFF  }
0xc1: {  	[dreg:$0x0] =	wrdreg $0xFFFFFFFF;
	(pc) =	sbr.abs _section_cstart, $3  }
0xc2: {  	[dreg:$0x1] =	wrdreg $0xFFFFFFFF  }
0xc3: {  	_ =	task.clear_ibuf [dreg:s8], $0x2FFFF;
	_ =	strace $0x9FFFFFFF  }
0xc4: {  	(tm) =	ssettm $0x7FFFFFFF  }
0xc5: {  	_ =	shalt  }
tec
execute0_lowered:
.L_overlay_start_1:
0x0: {  	(tag) =	ssettag $0x1  }
0x1: {  	s6 =	rddreg [dreg:$0x0]  }
0x2: {  	s5 =	rddreg [dreg:$0x1]  }
0x3: {  	s10 =	rddreg [dreg:$0x2]  }
0x4: {  	s0 =	rddreg [dreg:$0x3];
	s2 =	simm.s32 $0x0;
	s3 =	srdreg.scid  }
0x5: {  	s1 =	stileid.u32;
	s13 =	simm.s32 $0x2;
	s14 =	simm.s32 $0x80  }
0x6: {  	s15 =	simm.s32 $0x100;
	s16 =	simm.s32 $0x180;
	s17 =	simm.s32 $0x200  }
0x7: {  	s18 =	simm.s32 $0x2200;
	s19 =	simm.s32 $0x4200;
	s20 =	simm.s32 $0x6200  }
0x8: {  	vm0 =	vmmov $0x1;
	s21 =	simm.s32 $0x1;
	s22 =	simm.s32 $0x8240;
	s23 =	simm.s32 $0x8440  }
0x9: {  	vm1 =	vcmask $0x30C;
	vm2 =	vcmask $0xF0C;
	vm3 =	vcmask $0x714;
	s24 =	simm.s32 $0x0;
	[smem:$0x7FF] =	sst s2;
	s4 =	sand.u32 $0x1, s3  }
0xa: {  	vm4 =	vcmask $0xF18;
	vm5 =	vcmask $0x131C;
	vm6 =	vcmask $0x1F1C;
	s7 =	sshll.u32 s1, $0x7;
	s3 =	sadd.s32 $0x3200, s6;
	s8 =	sshll.u32 s4, $0x6  }
0xb: {  	vm7 =	vcmask $0x1724;
	vm8 =	vcmask $0x1F28;
	vm9 =	vcmask $0x232C;
	_ =	strace $0x8000004A;
	s30 =	ssub.s32 $0x2, s4;
	s11 =	sor.u32 s8, s7  }
0xc: {  	vm10 =	vcmask $0x2F2C;
	vm11 =	vcmask $0x2734;
	vm12 =	vcmask $0x2F38;
	s4 =	sadd.s32 $0x2800, s6;
	s31 =	sshrl.u32 s30, $0x1;
	s5 =	sadd.s32 s5, s11  }
0xd: {  	vm13 =	vcmask $0x333C;
	vm14 =	vmmov $0x3fff;
	vm15 =	vmmov $0x7fff;
	s9 =	sadd.s32 s11, s6;
	s12 =	ssub.s32 s30, s31;
	s10 =	sadd.s32 s10, s11  }
0xe: {  	vm2 =	vmor vm3, vm2;
	vm3 =	vcmask $0xB14;
	vm6 =	vmor vm7, vm6;
	s6 =	sadd.s32 $0x10, s5;
	s7 =	sadd.s32 $0x20, s5;
	s8 =	sadd.s32 $0x30, s5  }
0xf: {  	vm7 =	vcmask $0x1B24;
	vm10 =	vmor vm11, vm10;
	vm11 =	vcmask $0x2B34;
	s9 =	sadd.s32 $0x2A00, s9;
	s11 =	smax.u32 s12, $0x1;
	s12 =	simm.s32 $0x8200  }
.LBB2_1:
0x10: {  	[tilespmem:s12], [sflag:$0x2] =	stream.linear.gather [hbm4b:s4+s2], $0x40, $0x38;
	[tilespmem:$0x8640] =	vst v63  }
0x11: {  	_ =	swait.ge [sflag:s13], $0x40  }
0x12: {  	[sflag:s13] =	ssyncset.done $0x0  }
0x13: {  	[sflag:s13] =	ssyncadd.s32 $0xFFFFFFC0  }
0x14: {  	[tilespmem:s2], [sflag:$0x2] =	stream.linear.gather [hbm4b:s5+s2], $0x80, $0x38;
	[tilespmem:$0x8640] =	vst v63  }
0x15: {  	_ =	swait.ge [sflag:s13], $0x80  }
0x16: {  	[sflag:s13] =	ssyncset.done $0x0  }
0x17: {  	[sflag:s13] =	ssyncadd.s32 $0xFFFFFF80  }
0x18: {  	[tilespmem:s14], [sflag:$0x2] =	stream.linear.gather [hbm4b:s6+s2], $0x80, $0x38;
	[tilespmem:$0x8640] =	vst v63  }
0x19: {  	_ =	swait.ge [sflag:s13], $0x80  }
0x1a: {  	[sflag:s13] =	ssyncset.done $0x0  }
0x1b: {  	[sflag:s13] =	ssyncadd.s32 $0xFFFFFF80  }
0x1c: {  	[tilespmem:s15], [sflag:$0x2] =	stream.linear.gather [hbm4b:s7+s2], $0x80, $0x38;
	[tilespmem:$0x8640] =	vst v63  }
0x1d: {  	_ =	swait.ge [sflag:s13], $0x80  }
0x1e: {  	[sflag:s13] =	ssyncset.done $0x0  }
0x1f: {  	[sflag:s13] =	ssyncadd.s32 $0xFFFFFF80  }
0x20: {  	[tilespmem:s16], [sflag:$0x2] =	stream.linear.gather [hbm4b:s8+s2], $0x80, $0x38;
	[tilespmem:$0x8640] =	vst v63  }
0x21: {  	_ =	swait.ge [sflag:s13], $0x80  }
0x22: {  	[sflag:s13] =	ssyncset.done $0x0  }
0x23: {  	[sflag:s13] =	ssyncadd.s32 $0xFFFFFF80  }
0x24: {  	[tilespmem:s17], [sflag:$0x1] =	stream.indirect.gather [hbm4b:s3+s14], $0x40, s2, s14, $0xb8;
	[tilespmem:$0x8640] =	vst v63  }
0x25: {  	_ = 	snop  }
0x26: {  	[tilespmem:s18], [sflag:$0x1] =	stream.indirect.gather [hbm4b:s3+s14], $0x40, s14, s14, $0xb8;
	[tilespmem:$0x8640] =	vst v63  }
0x27: {  	_ = 	snop  }
0x28: {  	[tilespmem:s19], [sflag:$0x1] =	stream.indirect.gather [hbm4b:s3+s14], $0x40, s15, s14, $0xb8;
	[tilespmem:$0x8640] =	vst v63  }
0x29: {  	_ = 	snop  }
0x2a: {  	[tilespmem:s20], [sflag:$0x1] =	stream.indirect.gather [hbm4b:s3+s14], $0x40, s16, s14, $0xb8;
	[tilespmem:$0x8640] =	vst v63  }
0x2b: {  	_ =	swait.ge [sflag:s21], $0x2000  }
0x2c: {  	[sflag:s21] =	ssyncset.done $0x0  }
0x2d: {  	[sflag:s21] =	ssyncadd.s32 $0xFFFFE000  }
0x2e: {  	_ =	swait.ge [sflag:s21], $0x2000  }
0x2f: {  	[sflag:s21] =	ssyncset.done $0x0  }
0x30: {  	[sflag:s21] =	ssyncadd.s32 $0xFFFFE000  }
0x31: {  	_ =	swait.ge [sflag:s21], $0x2000  }
0x32: {  	[sflag:s21] =	ssyncset.done $0x0  }
0x33: {  	[sflag:s21] =	ssyncadd.s32 $0xFFFFE000  }
0x34: {  	_ =	swait.ge [sflag:s21], $0x2000  }
0x35: {  	[sflag:s21] =	ssyncset.done $0x0  }
0x36: {  	[sflag:s21] =	ssyncadd.s32 $0xFFFFE000  }
0x37: {  	[tilespmem:s22], [sflag:$0x2] =	stream.linear.gather [hbm4b:s9+s2], $0x200, $0x38;
	[tilespmem:$0x8640] =	vst v63  }
0x38: {  	_ =	swait.ge [sflag:s13], $0x200  }
0x39: {  	[sflag:s13] =	ssyncset.done $0x0  }
0x3a: {  	[sflag:s13] =	ssyncadd.s32 $0xFFFFFE00  }
0x3b: {  	v0 =	vld [tilespmem:$0x8200]  }
0x3c: {  	v1 =	vld [tilespmem:$0x8210]  }
0x3d: {  	v2 =	vld [tilespmem:$0x8220]  }
0x3e: {  	s25 =	simm.s32 $0x400;
	v3 =	vld [tilespmem:$0x8230]  }
0x3f: {  	v4 =	vld [tilespmem:s25+$0x140]  }
0x40: {  	v5 =	vld [tilespmem:s25+$0x190]  }
0x41: {  	v6 =	vld [tilespmem:s25+$0xB0]  }
0x42: {  	v7 =	vld [tilespmem:s25+$0xF0]  }
0x43: {  	v8 =	vld [tilespmem:s25+$0xE0]  }
0x44: {  	v9 =	vld [tilespmem:s25+$0xD0]  }
0x45: {  	v10 =	vld [tilespmem:s25+$0xC0]  }
0x46: {  	v11 =	vld [tilespmem:s25+$0xA0]  }
0x47: {  	v12 =	vld [tilespmem:s25+$0x90]  }
0x48: {  	v13 =	vld [tilespmem:s25+$0x80]  }
0x49: {  	v14 =	vld [tilespmem:s25+$0x50]  }
0x4a: {  	v15 =	vld [tilespmem:s25+$0xFFFFFFB0]  }
0x4b: {  	v16 =	vld [tilespmem:s25+$0xFFFFFFF0]  }
0x4c: {  	v17 =	vld [tilespmem:s25+$0xFFFFFFE0]  }
0x4d: {  	v18 =	vld [tilespmem:s25+$0xFFFFFFD0]  }
0x4e: {  	v19 =	vld [tilespmem:s25+$0xFFFFFFC0]  }
0x4f: {  	v20 =	vld [tilespmem:s25+$0xFFFFFFA0]  }
0x50: {  	v21 =	vld [tilespmem:s25+$0xFFFFFF90]  }
0x51: {  	v22 =	vld [tilespmem:s25+$0xFFFFFF80]  }
0x52: {  	v23 =	vld [tilespmem:s25+$0xFFFFFF50]  }
0x53: {  	v24 =	vld [tilespmem:s25+$0xFFFFFEB0]  }
0x54: {  	v25 =	vld [tilespmem:s25+$0xFFFFFEF0]  }
0x55: {  	v26 =	vld [tilespmem:s25+$0xFFFFFEE0]  }
0x56: {  	v27 =	vld [tilespmem:s25+$0xFFFFFED0]  }
0x57: {  	v45 =	vld [tilespmem:s25+$0xFFFFFEC0]  }
0x58: {  	v28 =	vld [tilespmem:s25+$0xFFFFFEA0]  }
0x59: {  	v48 =	vld [tilespmem:s25+$0xFFFFFE90]  }
0x5a: {  	v49 =	vld [tilespmem:s25+$0xFFFFFE80]  }
0x5b: {  	v50 =	vld [tilespmem:s25+$0xFFFFFE50];
	v9 =	vmul.f32 v9, v1  }
0x5c: {  	v52 =	vld [tilespmem:s25+$0xFFFFFE10];
	v10 =	vmul.f32 v10, v0;
	v8 =	vmul.f32 v8, v2  }
0x5d: {  	v55 =	vld [tilespmem:s25+$0xFFFFFE00];
	v12 =	vmul.f32 v12, v1;
	v13 =	vmul.f32 v13, v0  }
0x5e: {  	v58 =	vld [tilespmem:s25+$0xFFFFFE40];
	v46 =	vmul.f32 v18, v1;
	v47 =	vmul.f32 v19, v0  }
0x5f: {  	v60 =	vld [tilespmem:s25+$0xFFFFFE20];
	v7 =	vmul.f32 v7, v3;
	v11 =	vmul.f32 v11, v2  }
0x60: {  	v63 =	vld [tilespmem:s25+$0xFFFFFE60];
	v6 =	vmul.f32 v6, v3;
	v17 =	vmul.f32 v17, v2  }
0x61: {  	v30 =	vld [tilespmem:s25+$0xFFFFFE30];
	v51 =	vmul.f32 v22, v0;
	v21 =	vmul.f32 v21, v1  }
0x62: {  	v33 =	vld [tilespmem:s25+$0xFFFFFE70];
	v54 =	vmul.f32 v16, v3;
	v57 =	vmul.f32 v20, v2  }
0x63: {  	v36 =	vld [tilespmem:s25+$0xFFFFFF10];
	v59 =	vmul.f32 v27, v1;
	v61 =	vmul.f32 v15, v3  }
0x64: {  	v39 =	vld [tilespmem:s25+$0xFFFFFF00];
	v62 =	vmul.f32 v48, v1;
	v29 =	vmul.f32 v26, v2  }
0x65: {  	v42 =	vld [tilespmem:s25+$0xFFFFFF40];
	v31 =	vmul.f32 v25, v3;
	v32 =	vmul.f32 v28, v2  }
0x66: {  	v43 =	vld [tilespmem:s25+$0xFFFFFF20];
	v34 =	vmul.f32 v55, v0;
	v35 =	vmul.f32 v52, v1;
	v9 =	vadd.f32 v9, v10  }
0x67: {  	v37 =	vmul.f32 v58, v0;
	v38 =	vmul.f32 v50, v1;
	v52 =	vld [tilespmem:s25+$0x0];
	v12 =	vadd.f32 v12, v13  }
0x68: {  	v44 =	vmul.f32 v63, v2;
	v58 =	vld [tilespmem:s25+$0x30];
	v56 =	vadd.f32 v21, v51;
	v8 =	vadd.f32 v8, v9  }
0x69: {  	v63 =	vld [tilespmem:s25+$0x100];
	v10 =	vmul.f32 v45, v0;
	v40 =	vadd.f32 v35, v34;
	v11 =	vadd.f32 v11, v12  }
0x6a: {  	v13 =	vmul.f32 v49, v0;
	v49 =	vld [tilespmem:s25+$0xFFFFFF70];
	v9 =	vadd.f32 v46, v47;
	v7 =	vadd.f32 v7, v8  }
0x6b: {  	v45 =	vmul.f32 v30, v3;
	v30 =	vld [tilespmem:s25+$0x110];
	v6 =	vadd.f32 v6, v11;
	v11 =	vadd.f32 v57, v56  }
0x6c: {  	v41 =	vmul.f32 v60, v2;
	v46 =	vld [tilespmem:s25+$0xFFFFFF60];
	v53 =	vadd.f32 v17, v9;
	v9 =	vadd.f32 v59, v10  }
0x6d: {  	v48 =	vmul.f32 v33, v3;
	v13 =	vadd.f32 v62, v13;
	v47 =	vld [tilespmem:s25+$0xFFFFFF30];
	v11 =	vadd.f32 v61, v11;
	(xrf2) =	vadd.scan.msk.f32 $0xffff, v7  }
0x6e: {  	v12 =	vmul.f32 v42, v0;
	v42 =	vld [tilespmem:s25+$0x1A0];
	v8 =	vadd.f32 v54, v53;
	v9 =	vadd.f32 v29, v9;
	(xrf2) =	vadd.scan.msk.f32 $0xffff, v6  }
0x6f: {  	v15 =	vadd.f32 v38, v37;
	v13 =	vadd.f32 v32, v13;
	v56 =	vld [tilespmem:s25+$0x20];
	v6 =	vmul.f32 v24, v3;
	(xrf2) =	vadd.scan.msk.f32 $0xffff, v11  }
0x70: {  	v50 =	vmul.f32 v39, v0;
	v59 =	vld [tilespmem:s25+$0x70];
	v7 =	vadd.f32 v31, v9;
	v9 =	vadd.f32 v41, v40;
	(xrf2) =	vadd.scan.msk.f32 $0xffff, v8  }
0x71: {  	v51 =	vmul.f32 v36, v1;
	v10 =	vmul.f32 v49, v3;
	v49 =	vld [tilespmem:s25+$0x1B0];
	v6 =	vadd.f32 v6, v13  }
0x72: {  	v55 =	vmul.f32 v43, v2;
	v61 =	vld [tilespmem:s25+$0x150];
	(xrf2) =	vadd.scan.msk.f32 $0xffff, v7;
	v7 =	vadd.f32 v44, v15;
	v9 =	vadd.f32 v45, v9  }
0x73: {  	v14 =	vmul.f32 v14, v1;
	v5 =	vmul.f32 v5, v1;
	v11 =	vadd.f32 v51, v50;
	(xrf2) =	vadd.scan.msk.f32 $0xffff, v6;
	v6 =	vld [tilespmem:s25+$0x10]  }
0x74: {  	v4 =	vmul.f32 v4, v0;
	v53 =	vmul.f32 v23, v1;
	v54 =	vld [tilespmem:s25+$0x40];
	v7 =	vadd.f32 v48, v7;
	(xrf2) =	vadd.scan.msk.f32 $0xffff, v9  }
0x75: {  	v57 =	vld [tilespmem:s25+$0x60];
	v17 =	vmul.f32 v46, v2;
	v8 =	vmul.f32 v47, v3;
	v11 =	vadd.f32 v55, v11  }
0x76: {  	v46 =	vld [tilespmem:s25+$0x170];
	v32 =	vmul.f32 v56, v2;
	v13 =	vmul.f32 v58, v3;
	(xrf2) =	vadd.scan.msk.f32 $0xffff, v7;
	v7 =	vadd.f32 v53, v12  }
0x77: {  	v36 =	vld [tilespmem:s25+$0x160];
	v20 =	vmul.f32 v59, v3;
	v22 =	vmul.f32 v61, v1;
	v8 =	vadd.f32 v8, v11;
	v15, _, _ =	vpop (xrf2)  }
0x78: {  	v44 =	vld [tilespmem:s25+$0x1D0];
	v9 =	vmul.f32 v52, v0;
	v7 =	vadd.f32 v17, v7;
	v6 =	vmul.f32 v6, v1;
	v19, _, _ =	vpop (xrf2)  }
0x79: {  	v34 =	vld [tilespmem:s25+$0x120];
	v56 =	vmul.f32 v49, v3;
	v29 =	vmul.f32 v54, v0;
	v4 =	vadd.f32 v22, v4;
	v60, _, _ =	vpop (xrf2)  }
0x7a: {  	v39 =	vld [tilespmem:s25+$0x180];
	v52 =	vmul.f32 v42, v2;
	v7 =	vadd.f32 v10, v7;
	v6 =	vadd.f32 v6, v9;
	v62, _, _ =	vpop (xrf2);
	(xrf2) =	vadd.scan.msk.f32 $0xffff, v8  }
0x7b: {  	s28 =	simm.s32 $0x0;
	v37 =	vld [tilespmem:s25+$0x130];
	v12 =	vmul.f32 v57, v2;
	v53 =	vmul.f32 v46, v3;
	v10 =	vadd.f32 v14, v29  }
0x7c: {  	v33 =	vld [tilespmem:s28+$0x8240];
	v17 =	vmul.f32 v63, v0;
	v28, _, _ =	vpop (xrf2);
	v6 =	vadd.f32 v32, v6;
	(xrf2) =	vadd.scan.msk.f32 $0xffff, v7;
	v7 =	vmul.f32 v30, v1  }
0x7d: {  	v18 =	vmul.f32 v44, v1;
	v9 =	vmul.f32 v36, v2;
	v10 =	vadd.f32 v12, v10;
	v31, _, _ =	vpop (xrf2)  }
0x7e: {  	v47 =	vld [tilespmem:s25+$0x1C0];
	v14 =	vmul.f32 v34, v2;
	v35, _, _ =	vpop (xrf2);
	v6 =	vadd.f32 v13, v6;
	v7 =	vadd.f32 v7, v17  }
0x7f: {  	v4 =	vadd.f32 v9, v4;
	v10 =	vadd.f32 v20, v10;
	v24 =	vbroadcast v35, $0xF  }
0x80: {  	v13 =	vmul.f32 v39, v0;
	v38, _, _ =	vpop (xrf2);
	(xrf2) =	vadd.scan.msk.f32 $0xffff, v6;
	v6 =	vmul.f32 v37, v3;
	v7 =	vadd.f32 v14, v7  }
0x81: {  	v51 =	vld [tilespmem:s25+$0x1E0];
	v4 =	vadd.f32 v53, v4;
	v40 =	vbroadcast v38, $0xF;
	v41 =	vadd.f32 v24, v33  }
0x82: {  	v8 =	vbroadcast v31, $0xF;
	v5 =	vadd.f32 v5, v13;
	(xrf2) =	vadd.scan.msk.f32 $0xffff, v10;
	v6 =	vadd.f32 v6, v7  }
0x83: {  	v54 =	vld [tilespmem:s25+$0x1F0];
	v7 =	vmul.f32 v47, v0;
	v43 =	vadd.f32 v40, v33;
	v16 =	vsel vm0, v41, v33  }
0x84: {  	v45 =	vbroadcast v28, $0xF;
	v5 =	vadd.f32 v52, v5;
	v8 =	vadd.f32 v8, v16;
	v48, _, _ =	vpop (xrf2)  }
0x85: {  	(xrf2) =	vadd.scan.msk.f32 $0xffff, v6;
	v6 =	vadd.f32 v18, v7;
	v16 =	vsel vm1, v16, v43;
	v50 =	vbroadcast v48, $0xF  }
0x86: {  	v7 =	vmul.f32 v51, v2;
	v5 =	vadd.f32 v56, v5;
	v20 =	vadd.f32 v45, v16;
	v55, _, _ =	vpop (xrf2)  }
0x87: {  	v8 =	vsel vm2, v16, v8;
	v57 =	vbroadcast v55, $0xF;
	v10 =	vadd.f32 v50, v16  }
0x88: {  	v59 =	vmul.f32 v54, v3;
	v58 =	vbroadcast v60, $0xF;
	v8 =	vsel vm3, v8, v20  }
0x89: {  	(xrf2) =	vadd.scan.msk.f32 $0xffff, v4;
	v6 =	vadd.f32 v7, v6;
	v4 =	vadd.f32 v57, v8;
	v7 =	vsel vm4, v8, v10  }
0x8a: {  	v60 =	vbroadcast v62, $0xF  }
0x8b: {  	(xrf2) =	vadd.scan.msk.f32 $0xffff, v5;
	v6 =	vadd.f32 v59, v6;
	v5, _, _ =	vpop (xrf2);
	v10 =	vadd.f32 v58, v7;
	v4 =	vsel vm5, v7, v4  }
0x8c: {  	v5 =	vbroadcast v5, $0xF;
	v8 =	vadd.f32 v60, v4;
	v7, _, _ =	vpop (xrf2)  }
0x8d: {  	v61 =	vsel vm6, v4, v10;
	(xrf2) =	vadd.scan.msk.f32 $0xffff, v6;
	v6 =	vbroadcast v19, $0xF;
	v7 =	vbroadcast v7, $0xF  }
0x8e: {  	v4 =	vadd.f32 v5, v4;
	v5 =	vsel vm7, v61, v8  }
0x8f: {  	v7 =	vadd.f32 v7, v5  }
0x90: {  	v4 =	vsel vm8, v5, v4  }
0x91: {  	v5 =	vsel vm9, v4, v7;
	v4 =	vadd.f32 v6, v4;
	v6, _, _ =	vpop (xrf2)  }
0x92: {  	v6 =	vbroadcast v6, $0xF;
	_ =	sdelay $0x1  }
0x93: {  	v62 =	vbroadcast v15, $0xF  }
0x94: {  	v63, _, _ =	vpop (xrf2)  }
0x95: {  	v7 =	vadd.f32 v62, v5;
	v4 =	vsel vm10, v5, v4;
	v5 =	vadd.f32 v6, v5;
	v6, _, _ =	vpop (xrf2)  }
0x96: {  	v8 =	vbroadcast v63, $0xF;
	v6 =	vbroadcast v6, $0xF  }
0x97: {  	v4 =	vsel vm11, v4, v7  }
0x98: {  	v7 =	vadd.f32 v8, v4  }
0x99: {  	v4 =	vsel vm12, v4, v5  }
0x9a: {  	v5 =	vsel vm13, v4, v7;
	v4 =	vadd.f32 v6, v4;
	v6, _, _ =	vpop (xrf2)  }
0x9b: {  	v6 =	vadd.f32 v6, v5  }
0x9c: {  	v4 =	vsel vm14, v5, v4  }
0x9d: {  	v4 =	vsel vm15, v4, v6  }
0x9e: {  	v4 =	vsub.f32 $0.0e+00, v4;
	_ =	sdelay $0x1  }
0x9f: {  	v4 =	vmul.f32 $1.442695020e+00, v4;
	_ =	sdelay $0x1  }
0xa0: {  	(erf) = vpow2.f32 v4;
	_ =	sdelay $0x8  }
0xa1: {  	v4 =	vpop (erf)  }
0xa2: {  	s26 =	simm.s32 $0x40;
	v4 =	vadd.f32 $1.000000000e+00, v4  }
.LBB2_2:
0xa3: {  	p0 =	sne.s32 s26, $0x7C0  }
0xa4: {  	s25 =	sadd.s32 $0x400, s25;
	s29 =	smov.u32 s26;
	s26 =	sadd.s32 $0x40, s26  }
0xa5: {  	(erf) = vrcp.f32 v4;
	_ =	sdelay $0x8  }
0xa6: {  	v4 =	vpop (erf)  }
0xa7: {  	[tilespmem:s28+$0x8440] =	vst v4  }
0xa8: {  	v4 =	vld [tilespmem:s25+$0x140]  }
0xa9: {  	v7 =	vld [tilespmem:s25+$0x190]  }
0xaa: {  	v5 =	vld [tilespmem:s25+$0x150]  }
0xab: {  	v6 =	vld [tilespmem:s25+$0xB0]  }
0xac: {  	v8 =	vld [tilespmem:s25+$0xF0]  }
0xad: {  	v10 =	vld [tilespmem:s25+$0xE0]  }
0xae: {  	v11 =	vld [tilespmem:s25+$0xD0]  }
0xaf: {  	v12 =	vld [tilespmem:s25+$0xC0]  }
0xb0: {  	v13 =	vld [tilespmem:s25+$0xA0]  }
0xb1: {  	v14 =	vld [tilespmem:s25+$0x90]  }
0xb2: {  	v15 =	vld [tilespmem:s25+$0x80]  }
0xb3: {  	v9 =	vld [tilespmem:s25+$0x50];
	v11 =	vmul.f32 v11, v1  }
0xb4: {  	v16 =	vld [tilespmem:s25+$0xFFFFFFB0];
	v12 =	vmul.f32 v12, v0  }
0xb5: {  	v17 =	vld [tilespmem:s25+$0xFFFFFFF0]  }
0xb6: {  	v10 =	vmul.f32 v10, v2;
	v18 =	vld [tilespmem:s25+$0xFFFFFFE0];
	v14 =	vmul.f32 v14, v1;
	v11 =	vadd.f32 v11, v12  }
0xb7: {  	v12 =	vld [tilespmem:s25+$0xFFFFFFD0];
	v15 =	vmul.f32 v15, v0  }
0xb8: {  	v8 =	vmul.f32 v8, v3;
	v19 =	vld [tilespmem:s25+$0xFFFFFFC0];
	v10 =	vadd.f32 v10, v11  }
0xb9: {  	v13 =	vmul.f32 v13, v2;
	v11 =	vld [tilespmem:s25+$0xFFFFFFA0];
	v14 =	vadd.f32 v14, v15  }
0xba: {  	v15 =	vld [tilespmem:s25+$0xFFFFFF90];
	v8 =	vadd.f32 v8, v10  }
0xbb: {  	v6 =	vmul.f32 v6, v3;
	v10 =	vld [tilespmem:s25+$0xFFFFFF80];
	v13 =	vadd.f32 v13, v14  }
0xbc: {  	v14 =	vld [tilespmem:s25+$0xFFFFFF50];
	v12 =	vmul.f32 v12, v1;
	(xrf2) =	vadd.scan.msk.f32 $0xffff, v8  }
0xbd: {  	v20 =	vld [tilespmem:s25+$0xFFFFFEB0];
	v8 =	vmul.f32 v19, v0;
	v6 =	vadd.f32 v6, v13  }
0xbe: {  	v13 =	vld [tilespmem:s25+$0xFFFFFEF0]  }
0xbf: {  	v19 =	vld [tilespmem:s25+$0xFFFFFEE0];
	v8 =	vadd.f32 v12, v8;
	v12 =	vmul.f32 v18, v2;
	(xrf2) =	vadd.scan.msk.f32 $0xffff, v6  }
0xc0: {  	v15 =	vmul.f32 v15, v1;
	v6 =	vld [tilespmem:s25+$0xFFFFFED0];
	v10 =	vmul.f32 v10, v0  }
0xc1: {  	v18 =	vld [tilespmem:s25+$0xFFFFFEC0];
	v8 =	vadd.f32 v12, v8;
	v12 =	vmul.f32 v17, v3  }
0xc2: {  	v11 =	vmul.f32 v11, v2;
	v17 =	vld [tilespmem:s25+$0xFFFFFEA0];
	v10 =	vadd.f32 v15, v10  }
0xc3: {  	v15 =	vld [tilespmem:s25+$0xFFFFFE90];
	v12 =	vadd.f32 v12, v8  }
0xc4: {  	v8 =	vld [tilespmem:s25+$0xFFFFFE80];
	v10 =	vadd.f32 v11, v10;
	v11 =	vmul.f32 v16, v3  }
0xc5: {  	v16 =	vld [tilespmem:s25+$0xFFFFFE50];
	v21 =	vmul.f32 v6, v1  }
0xc6: {  	v22 =	vld [tilespmem:s25+$0xFFFFFE10];
	v18 =	vmul.f32 v18, v0;
	v10 =	vadd.f32 v11, v10;
	v6, _, _ =	vpop (xrf2)  }
0xc7: {  	v11 =	vld [tilespmem:s25+$0xFFFFFE00]  }
0xc8: {  	v19 =	vmul.f32 v19, v2;
	v23 =	vld [tilespmem:s25+$0xFFFFFE40];
	v15 =	vmul.f32 v15, v1;
	v18 =	vadd.f32 v21, v18;
	(xrf2) =	vadd.scan.msk.f32 $0xffff, v10  }
0xc9: {  	v10 =	vld [tilespmem:s25+$0xFFFFFE20];
	v21 =	vmul.f32 v8, v0;
	v8, _, _ =	vpop (xrf2)  }
0xca: {  	v13 =	vmul.f32 v13, v3;
	v24 =	vld [tilespmem:s25+$0xFFFFFE60];
	v18 =	vadd.f32 v19, v18  }
0xcb: {  	v20 =	vmul.f32 v20, v3;
	v17 =	vmul.f32 v17, v2;
	v19 =	vld [tilespmem:s25+$0xFFFFFE30];
	v15 =	vadd.f32 v15, v21;
	(xrf2) =	vadd.scan.msk.f32 $0xffff, v12  }
0xcc: {  	v12 =	vmul.f32 v22, v1;
	v11 =	vmul.f32 v11, v0;
	v21 =	vld [tilespmem:s25+$0xFFFFFE70];
	v13 =	vadd.f32 v13, v18  }
0xcd: {  	v16 =	vmul.f32 v16, v1;
	v18 =	vmul.f32 v23, v0;
	v15 =	vadd.f32 v17, v15;
	v17 =	vld [tilespmem:s25+$0xFFFFFF10]  }
0xce: {  	v11 =	vadd.f32 v12, v11;
	v10 =	vmul.f32 v10, v2;
	v12 =	vld [tilespmem:s25+$0xFFFFFF00];
	(xrf2) =	vadd.scan.msk.f32 $0xffff, v13  }
0xcf: {  	v13 =	vadd.f32 v16, v18;
	v16 =	vmul.f32 v24, v2;
	v22 =	vadd.f32 v20, v15;
	v18 =	vld [tilespmem:s25+$0xFFFFFF40]  }
0xd0: {  	v10 =	vadd.f32 v10, v11;
	v11 =	vmul.f32 v19, v3;
	v19 =	vld [tilespmem:s25+$0xFFFFFF20]  }
0xd1: {  	v13 =	vadd.f32 v16, v13;
	v16 =	vmul.f32 v21, v3;
	v20 =	vld [tilespmem:s25+$0xFFFFFF60];
	(xrf2) =	vadd.scan.msk.f32 $0xffff, v22  }
0xd2: {  	v10 =	vadd.f32 v11, v10;
	v11 =	vld [tilespmem:s25+$0xFFFFFF30];
	v15, _, _ =	vpop (xrf2)  }
0xd3: {  	v13 =	vadd.f32 v16, v13;
	v12 =	vmul.f32 v12, v0;
	v16 =	vmul.f32 v17, v1;
	v17 =	vld [tilespmem:s25+$0xFFFFFF70]  }
0xd4: {  	v14 =	vmul.f32 v14, v1;
	v18 =	vmul.f32 v18, v0;
	v21 =	vld [tilespmem:s25+$0x10];
	(xrf2) =	vadd.scan.msk.f32 $0xffff, v10  }
0xd5: {  	v10 =	vadd.f32 v16, v12;
	v12 =	vmul.f32 v19, v2;
	v16 =	vld [tilespmem:s25+$0x0];
	v19, _, _ =	vpop (xrf2)  }
0xd6: {  	v14 =	vadd.f32 v14, v18;
	v22 =	vmul.f32 v20, v2;
	v20 =	vld [tilespmem:s25+$0x40]  }
0xd7: {  	v10 =	vadd.f32 v12, v10;
	v11 =	vmul.f32 v11, v3;
	v12 =	vld [tilespmem:s25+$0x20];
	(xrf2) =	vadd.scan.msk.f32 $0xffff, v13  }
0xd8: {  	v13 =	vadd.f32 v22, v14;
	v14 =	vmul.f32 v17, v3;
	v17 =	vld [tilespmem:s25+$0x60];
	v18, _, _ =	vpop (xrf2)  }
0xd9: {  	v10 =	vadd.f32 v11, v10;
	v11 =	vmul.f32 v21, v1;
	v21 =	vld [tilespmem:s25+$0x30]  }
0xda: {  	v13 =	vadd.f32 v14, v13;
	v14 =	vmul.f32 v16, v0;
	v16 =	vld [tilespmem:s25+$0x70]  }
0xdb: {  	v9 =	vmul.f32 v9, v1;
	v20 =	vmul.f32 v20, v0;
	v22 =	vld [tilespmem:s25+$0x110];
	v23, _, _ =	vpop (xrf2);
	(xrf2) =	vadd.scan.msk.f32 $0xffff, v10  }
0xdc: {  	s28 =	sshra.s32 s29, $0x2;
	v10 =	vadd.f32 v11, v14;
	v11 =	vmul.f32 v12, v2;
	v12 =	vld [tilespmem:s25+$0x100]  }
0xdd: {  	v14 =	vld [tilespmem:s28+$0x8240];
	v9 =	vadd.f32 v9, v20;
	v17 =	vmul.f32 v17, v2  }
0xde: {  	v10 =	vadd.f32 v11, v10;
	v11 =	vmul.f32 v21, v3;
	v20 =	vld [tilespmem:s25+$0x120];
	v21, _, _ =	vpop (xrf2);
	(xrf2) =	vadd.scan.msk.f32 $0xffff, v13  }
0xdf: {  	v7 =	vmul.f32 v7, v1;
	v9 =	vadd.f32 v17, v9;
	v13 =	vmul.f32 v16, v3;
	v16 =	vld [tilespmem:s25+$0x160]  }
0xe0: {  	v5 =	vmul.f32 v5, v1;
	v17 =	vbroadcast v21, $0xF;
	v10 =	vadd.f32 v11, v10;
	v11 =	vld [tilespmem:s25+$0x130]  }
0xe1: {  	v9 =	vadd.f32 v13, v9;
	v12 =	vmul.f32 v12, v0;
	v13 =	vmul.f32 v22, v1;
	v21 =	vld [tilespmem:s25+$0x180];
	v22, _, _ =	vpop (xrf2)  }
0xe2: {  	v4 =	vmul.f32 v4, v0;
	v17 =	vadd.f32 v17, v14;
	v22 =	vbroadcast v22, $0xF;
	(xrf2) =	vadd.scan.msk.f32 $0xffff, v10  }
0xe3: {  	v10 =	vbroadcast v23, $0xF;
	v12 =	vadd.f32 v13, v12;
	v13 =	vmul.f32 v20, v2  }
0xe4: {  	v17 =	vsel vm0, v17, v14;
	v14 =	vadd.f32 v22, v14;
	v16 =	vmul.f32 v16, v2;
	v20 =	vld [tilespmem:s25+$0x1A0]  }
0xe5: {  	v18 =	vbroadcast v18, $0xF;
	v10 =	vadd.f32 v10, v17;
	v11 =	vmul.f32 v11, v3;
	v22 =	vld [tilespmem:s25+$0x1D0];
	v23, _, _ =	vpop (xrf2);
	(xrf2) =	vadd.scan.msk.f32 $0xffff, v9  }
0xe6: {  	v9 =	vsel vm1, v17, v14;
	v14 =	vbroadcast v23, $0xF;
	v17 =	vld [tilespmem:s25+$0x170];
	v23 =	vmul.f32 v21, v0  }
0xe7: {  	v12 =	vadd.f32 v13, v12;
	v10 =	vsel vm2, v9, v10;
	v18 =	vadd.f32 v18, v9;
	v13 =	vld [tilespmem:s25+$0x1B0]  }
0xe8: {  	v4 =	vadd.f32 v5, v4;
	v5 =	vadd.f32 v7, v23;
	v7 =	vld [tilespmem:s25+$0x1C0];
	v21, _, _ =	vpop (xrf2)  }
0xe9: {  	v9 =	vadd.f32 v14, v9;
	v10 =	vsel vm3, v10, v18;
	v14 =	vmul.f32 v20, v2  }
0xea: {  	v15 =	vbroadcast v15, $0xF;
	v4 =	vadd.f32 v16, v4;
	v16 =	vmul.f32 v22, v1;
	v18 =	vld [tilespmem:s25+$0x1E0]  }
0xeb: {  	v19 =	vbroadcast v19, $0xF;
	v11 =	vadd.f32 v11, v12;
	v9 =	vsel vm4, v10, v9  }
0xec: {  	v12 =	vbroadcast v21, $0xF;
	v15 =	vadd.f32 v15, v9;
	v17 =	vmul.f32 v17, v3;
	v20 =	vld [tilespmem:s25+$0x1F0];
	v21, _, _ =	vpop (xrf2)  }
0xed: {  	v5 =	vadd.f32 v14, v5;
	v14 =	vmul.f32 v13, v3;
	v7 =	vmul.f32 v7, v0;
	(xrf2) =	vadd.scan.msk.f32 $0xffff, v11  }
0xee: {  	v10 =	vadd.f32 v12, v10;
	v11 =	vbroadcast v21, $0xF;
	v4 =	vadd.f32 v17, v4  }
0xef: {  	v5 =	vadd.f32 v14, v5;
	v7 =	vadd.f32 v16, v7;
	v12 =	vmul.f32 v18, v2;
	v13, _, _ =	vpop (xrf2)  }
0xf0: {  	v9 =	vsel vm5, v9, v10;
	v10 =	vbroadcast v13, $0xF;
	(xrf2) =	vadd.scan.msk.f32 $0xffff, v4  }
0xf1: {  	v8 =	vbroadcast v8, $0xF;
	v4 =	vsel vm6, v9, v15;
	v13 =	vadd.f32 v19, v9  }
0xf2: {  	v6 =	vbroadcast v6, $0xF;
	v9 =	vadd.f32 v11, v9;
	v11 =	vmul.f32 v20, v3  }
0xf3: {  	v7 =	vadd.f32 v12, v7;
	v4 =	vsel vm7, v4, v13;
	(xrf2) =	vadd.scan.msk.f32 $0xffff, v5  }
0xf4: {  	v5 =	vadd.f32 v10, v4  }
0xf5: {  	v4 =	vsel vm8, v4, v9;
	v7 =	vadd.f32 v11, v7  }
0xf6: {  	v5 =	vsel vm9, v4, v5;
	v4 =	vadd.f32 v8, v4  }
0xf7: {  	v6 =	vadd.f32 v6, v5;
	v8, _, _ =	vpop (xrf2);
	(xrf2) =	vadd.scan.msk.f32 $0xffff, v7  }
0xf8: {  	v4 =	vsel vm10, v5, v4;
	v8 =	vbroadcast v8, $0xF;
	_ =	sdelay $0x1  }
0xf9: {  	v5 =	vadd.f32 v8, v5;
	v7, _, _ =	vpop (xrf2);
	_ =	sdelay $0x1  }
0xfa: {  	v4 =	vsel vm11, v4, v6;
	v6 =	vbroadcast v7, $0xF  }
0xfb: {  	v7, _, _ =	vpop (xrf2)  }
0xfc: {  	v8 =	vadd.f32 v6, v4;
	v7 =	vbroadcast v7, $0xF  }
0xfd: {  	v4 =	vsel vm12, v4, v5  }
0xfe: {  	v5 =	vsel vm13, v4, v8;
	v4 =	vadd.f32 v7, v4  }
0xff: {  	v6, _, _ =	vpop (xrf2)  }
0x100: {  	v4 =	vsel vm14, v5, v4;
	v5 =	vadd.f32 v6, v5;
	_ =	sdelay $0x1  }
0x101: {  	v4 =	vsel vm15, v4, v5  }
0x102: {  	v4 =	vsub.f32 $0.0e+00, v4;
	_ =	sdelay $0x1  }
0x103: {  	v4 =	vmul.f32 $1.442695020e+00, v4;
	_ =	sdelay $0x1  }
0x104: {  	(erf) = vpow2.f32 v4;
	_ =	sdelay $0x5  }
.Ltmp0:
0x105: {  	(pc) =	sbr.rel @p0 .LBB2_2-.Ltmp0, $3  }
0x106: {  	_ =	sdelay $0x1  }
0x107: {  	v4 =	vpop (erf)  }
0x108: {  	v4 =	vadd.f32 $1.000000000e+00, v4  }
0x109: {  	_ = 	snop  }
0x10a: {  	(erf) = vrcp.f32 v4;
	_ =	sdelay $0x7  }
0x10b: {  	s24 =	sadd.s32 $0x1, s24  }
0x10c: {  	p0 =	sne.s32 s24, s11;
	v0 =	vpop (erf)  }
.Ltmp1:
0x10d: {  	[tilespmem:s28+$0x8440] =	vst v0;
	(pc) =	sbr.rel @p0 .LBB2_1-.Ltmp1, $4  }
0x10e: {  	[hbm4b:s10+s2] =	stream.linear.scatter [tilespmem:s23], [sflag:$0x2], $0x200, $0x38;
	[tilespmem:$0x8640] =	vst v63  }
0x10f: {  	_ =	swait.ge [sflag:s13], $0x200  }
0x110: {  	[sflag:s13] =	ssyncset.done $0x0  }
0x111: {  	[sflag:s13] =	ssyncadd.s32 $0xFFFFFE00  }
0x112: {  	_ =	sfence.sel $0x180000  }
0x113: {  	[bflag:$0x0] =	sbarrier.arrive $0xFFFF  }
0x114: {  	p0 =	sne.s32 s1, $0x0;
	_ =	strace $0x9000004A  }
0x115: {  	s0 =	sadd.s32 @!p0 $0x100000, s0;
	[bflag:$0x2] =	sbarrier.arrive $0xFFFF  }
0x116: {  	[sflag:s0] =	ssyncadd.tile.s32 @!p0 $0x1;
	_ =	shalt  }
.Lfunc_end2:
_tile_overlayer_lowered:
.L_overlay_start_2:
0x117: {  	(tag) =	ssettag $0x2  }
0x118: {  	s0 =	rddreg [dreg:$0x0];
	s2 =	stileid.u32  }
0x119: {  	s1 =	rddreg [dreg:$0x1];
	p0 =	sne.s32 s2, $0x0  }
0x11a: {  	s3 =	rddreg [dreg:$0x2];
	[bflag:$0x3] =	sbarrier.arrive $0xFFFF;
	s2 =	simm.s32 @!p0 $0x1C02  }
0x11b: {  	[timem:s3], [sflag:s2] =	dma.local @!p0 [hbm:s0], s1  }
0x11c: {  	s0 =	simm.s32 @!p0 $0x2  }
0x11d: {  	_ =	swait.ge @!p0 [sflag:s0], s1  }
0x11e: {  	s1 =	ssub.s32 @!p0 $0x0, s1;
	[sflag:s0] =	ssyncset.done @!p0 $0x0  }
0x11f: {  	[sflag:s0] =	ssyncadd.s32 @!p0 s1  }
0x120: {  	[bflag:$0x3] =	sbarrier.arrive $0xFFFF  }
0x121: {  	_ =	shalt  }

</sc_bundles>
